<compile_context>
chip_gen: v7x
topology: tpu7x:2x2x1
jax: 0.10.2.dev20260603
libtpu: 0.0.44.dev20260713+nightly
codegen_flags: <defaults>
</compile_context>

<pallas_src>
import functools

import jax
import jax.numpy as jnp
from jax import lax
from jax.experimental import pallas as pl
from jax.experimental.pallas import tpu as pltpu
from jax.experimental.pallas import tpu_sc as plsc

B = 16384
F = 64
N = 1000000
NC = 2
NS = 16
NW = NC * NS
SPW = N // NW
CW = 512
NCHK = 62
PAD = 128
DUMP = B

_mesh = plsc.VectorSubcoreMesh(
    core_axis_name="c", subcore_axis_name="s", num_cores=NC, num_subcores=NS
)


@functools.partial(
    pl.kernel,
    mesh=_mesh,
    compiler_params=pltpu.CompilerParams(
        use_tc_tiling_on_sc=True, needs_layout_passes=False
    ),
    out_type=jax.ShapeDtypeStruct((B + 32 * NW + 32, 128), jnp.float32),
    scratch_types=[
        pltpu.VMEM((B + PAD,), jnp.int32),
        pltpu.VMEM((B + PAD,), jnp.int32),
        pltpu.VMEM((2, 8, 8, CW), jnp.float32),
        pltpu.VMEM((65, 128), jnp.float32),
        pltpu.SemaphoreType.DMA,
        pltpu.SemaphoreType.DMA,
        pltpu.SemaphoreType.DMA,
    ],
)
def _gather_kernel(sids_hbm, pos_hbm, table_hbm, out_hbm,
                   sids_v, pos_v, buf_v, acc_v, sem0, sem1, fsem):
    wid = lax.axis_index("s") * NC + lax.axis_index("c")
    a0 = ((wid * SPW) >> 7) << 7

    pltpu.sync_copy(sids_hbm, sids_v)
    pltpu.sync_copy(pos_hbm, pos_v)

    lanes = lax.iota(jnp.int32, 16)

    def chunk_start(k):
        return a0 + k * CW

    TAIL = 64

    def fire(k, slot, sem):
        col0 = pl.multiple_of(chunk_start(k), 128)

        @pl.when(col0 + CW <= N)
        def _():
            pltpu.make_async_copy(
                table_hbm.at[:, :, pl.ds(col0, CW)], buf_v.at[slot], sem
            ).start()

        @pl.when(col0 + CW > N)
        def _():
            pltpu.make_async_copy(
                table_hbm.at[:, :, pl.ds(pl.multiple_of(N - TAIL, 128), TAIL)],
                buf_v.at[slot, :, :, pl.ds(0, TAIL)],
                sem,
            ).start()

    def drain(k, slot, sem):
        col0 = chunk_start(k)

        @pl.when(col0 + CW <= N)
        def _():
            pltpu.make_async_copy(
                table_hbm.at[:, :, pl.ds(0, CW)], buf_v.at[slot], sem
            ).wait()

        @pl.when(col0 + CW > N)
        def _():
            pltpu.make_async_copy(
                table_hbm.at[:, :, pl.ds(0, TAIL)],
                buf_v.at[slot, :, :, pl.ds(0, TAIL)],
                sem,
            ).wait()

    def bsearch(target):
        def step(_, state):
            lo, hi2 = state
            mid = (lo + hi2) >> 1
            v = sids_v[pl.ds(mid, 16)][0]
            big = v >= target
            return (jnp.where(big, lo, mid + 1), jnp.where(big, mid, hi2))

        lo, _ = lax.fori_loop(
            0, 15, step, (jnp.int32(0), jnp.int32(B + PAD - 16))
        )
        return lo

    p0 = bsearch(wid * SPW)
    hi = bsearch((wid + 1) * SPW)

    fire(0, 0, sem0)

    def fwait():
        pltpu.make_async_copy(
            acc_v.at[pl.ds(0, 16)], out_hbm.at[pl.ds(0, 16)], fsem
        ).wait()

    zone = (((p0 + 15) >> 4) << 4) + 32 * wid

    def flush(an):
        cb = an >> 4

        @pl.when(cb >= 3)
        def _():
            fwait()

        blk = lax.rem(cb, 4)
        for bb in range(4):
            @pl.when(blk == bb)
            def _(bb=bb):
                pltpu.make_async_copy(
                    acc_v.at[pl.ds(bb * 16, 16)],
                    out_hbm.at[pl.ds(pl.multiple_of(zone + cb * 16, 16), 16)],
                    fsem,
                ).start()

    def extract_group(p, an, slot, c0, c_end):
        ids_vec = sids_v[pl.ds(p, 16)]
        valid = (ids_vec < c_end) & (lanes < hi - p)
        cnt = jnp.sum(jnp.where(valid, 1, 0), axis=0)

        @pl.when(cnt > 0)
        def _():
            off = jnp.clip(ids_vec - c0, 0, CW - 1)
            row_idx = jnp.where(valid, (an + lanes) & 63, 64)
            for j in range(F):
                vals = plsc.load_gather(
                    buf_v,
                    [
                        jnp.full((16,), 0, jnp.int32) + slot,
                        jnp.full((16,), j >> 3, jnp.int32),
                        jnp.full((16,), j & 7, jnp.int32),
                        off,
                    ],
                )
                plsc.store_scatter(
                    acc_v,
                    [row_idx, jnp.full((16,), j, jnp.int32)],
                    vals,
                )

            @pl.when(((an + cnt) >> 4) > (an >> 4))
            def _():
                flush(an)

        return p + cnt, an + cnt, cnt

    def chunk_body(k, carry):
        p, an = carry
        slot = lax.rem(k, 2)

        @pl.when(k + 1 < NCHK)
        def _():
            @pl.when(slot == 0)
            def _():
                fire(k + 1, 1, sem1)

            @pl.when(slot == 1)
            def _():
                fire(k + 1, 0, sem0)

        @pl.when(slot == 0)
        def _():
            drain(k, 0, sem0)

        @pl.when(slot == 1)
        def _():
            drain(k, 1, sem1)

        c0 = chunk_start(k)
        c_end = a0 + (k + 1) * CW

        def cond(state):
            return state[2]

        def body(state):
            p2, a2, _ = state
            p3, a3, cnt = extract_group(p2, a2, slot, c0, c_end)
            return (p3, a3, (cnt == 16) & (p3 < hi))

        p, an, _ = lax.while_loop(cond, body, (p, an, p < hi))
        return (p, an)

    p, an = lax.fori_loop(0, NCHK, chunk_body, (p0, jnp.int32(0)))

    @pl.when((an & 15) > 0)
    def _():
        flush(an)

    tf = (an + 15) >> 4

    def enddrain(_, carry):
        fwait()
        return carry

    lax.fori_loop(0, jnp.minimum(tf, 3), enddrain, 0)


@functools.partial(
    pl.kernel,
    mesh=_mesh,
    compiler_params=pltpu.CompilerParams(
        use_tc_tiling_on_sc=True, needs_layout_passes=False
    ),
    out_type=jax.ShapeDtypeStruct((B, 128), jnp.float32),
    scratch_types=[
        pltpu.VMEM((4, 128), jnp.int32),
        pltpu.VMEM((512, 128), jnp.float32),
        pltpu.SemaphoreType.DMA,
    ],
)
def _permute_kernel(idx_hbm, scr_hbm, out_hbm, idx_v, rows_v, sem):
    wid = lax.axis_index("s") * NC + lax.axis_index("c")
    pltpu.sync_copy(idx_hbm.at[wid], idx_v)
    copies = []
    for q in range(4):
        copies.append(
            pltpu.async_copy(
                scr_hbm.at[idx_v.at[q]], rows_v.at[pl.ds(q * 128, 128)], sem
            )
        )
    for c in copies:
        c.wait()
    pltpu.sync_copy(rows_v, out_hbm.at[pl.ds(wid * 512, 512)])


def kernel(batch_ids, latents):
    table3 = latents.T.reshape(8, 8, N)
    iota = lax.iota(jnp.int32, B)
    sids, order = lax.sort_key_val(batch_ids, iota)
    _, inv = lax.sort_key_val(order, iota)
    sids_p = jnp.concatenate([sids, jnp.full((PAD,), N, jnp.int32)])
    order_p = jnp.concatenate([order, jnp.full((PAD,), DUMP, jnp.int32)])
    scratch = _gather_kernel(sids_p, order_p, table3)
    w_e = batch_ids // SPW
    lo_arr = jnp.searchsorted(
        sids, jnp.arange(NW, dtype=jnp.int32) * SPW, method="sort"
    ).astype(jnp.int32)
    zones = (((lo_arr + 15) >> 4) << 4) + 32 * jnp.arange(NW, dtype=jnp.int32)
    s2idx = (jnp.take(zones, w_e) + inv - jnp.take(lo_arr, w_e)).reshape(
        NW, 4, 128
    )
    out2 = _permute_kernel(s2idx, scratch)
    return out2[:, :F].reshape(B, 1, 1, F)

# --- scband reference (transcript-rebuilt; emitter-appended) ---
"""Pipeline reference for scband-latent-container-14972255994074 (READ-ONLY COPY).

The authoritative reference and input builder live on the scoring server;
editing this copy changes nothing except your own understanding.
"""

import jax, jax.numpy as jnp
import numpy as np

N_SAMPLES = 1000000
N_FEATURES = 64
BATCH = 16384
DIMS = 2  # number of singleton dims inserted between N and f


def setup_inputs(seed: int = 0) -> dict:
    key = jax.random.key(seed)
    k_idx, k_lat = jax.random.split(key)
    batch_ids = jax.random.randint(k_idx, (BATCH,), 0, N_SAMPLES, dtype=jnp.int32)
    # learned parameter: latents table [N_samples, N_features]
    latents = jax.random.normal(k_lat, (N_SAMPLES, N_FEATURES), dtype=jnp.float32)
    return {"batch_ids": batch_ids, "latents": latents}


def reference(batch_ids, latents):
    # latents[batch_ids] -> [B, f], then rearrange 'N f -> N 1 1 f' (dims=2)
    gathered = jnp.take(latents, batch_ids, axis=0)
    out = gathered.reshape((gathered.shape[0],) + (1,) * DIMS + (gathered.shape[1],))
    return out

if __name__ == "__main__":
    import jax
    _d = setup_inputs()
    print(jax.jit(kernel)(*tuple(_d.values())))

</pallas_src>

<mosaic_0001>
#map = affine_map<(d0, d1) -> (0)>
#map1 = affine_map<(d0, d1) -> (0, 0, 0)>
#map2 = affine_map<(d0, d1) -> (0, 0)>
module attributes {stable_mosaic.version = 14 : i64} {
  func.func @_gather_kernel(%arg0: i32, %arg1: i32, %arg2: memref<16512xi32, #tpu.memory_space<hbm>>, %arg3: memref<16512xi32, #tpu.memory_space<hbm>>, %arg4: memref<8x8x1000000xf32, #tpu.memory_space<hbm>>, %arg5: memref<17440x128xf32, #tpu.memory_space<hbm>>, %arg6: memref<16512xi32, #tpu.memory_space<vmem>>, %arg7: memref<16512xi32, #tpu.memory_space<vmem>>, %arg8: memref<2x8x8x512xf32, #tpu.memory_space<vmem>>, %arg9: memref<65x128xf32, #tpu.memory_space<vmem>>, %arg10: memref<!tpu.dma_semaphore, #tpu.memory_space<semaphore_mem>>, %arg11: memref<!tpu.dma_semaphore, #tpu.memory_space<semaphore_mem>>, %arg12: memref<!tpu.dma_semaphore, #tpu.memory_space<semaphore_mem>>) attributes {dimension_semantics = [#tpu.dimension_semantics<core_parallel>, #tpu.dimension_semantics<subcore_parallel>], iteration_bounds = array<i64: 2, 16>, scalar_prefetch = 0 : i64, scratch_operands = 7 : i64, tpu.core_type = #tpu.core_type<sc_vector_subcore>, window_params = [{transform_indices = #map}, {transform_indices = #map}, {transform_indices = #map1}, {transform_indices = #map2}]} {
    %mul3A = arith.constant 2 : i32
    %mul3A_0 = arith.muli %arg1, %mul3A : i32
    %add3A = arith.addi %mul3A_0, %arg0 : i32
    %mul3A_1 = arith.constant 31250 : i32
    %mul3A_2 = arith.muli %add3A, %mul3A_1 : i32
    %shift_right_arithmetic3A = arith.constant 7 : i32
    %shift_right_arithmetic3A_3 = arith.shrsi %mul3A_2, %shift_right_arithmetic3A : i32
    %shift_left3A = arith.constant 7 : i32
    %shift_left3A_4 = arith.shli %shift_right_arithmetic3A_3, %shift_left3A : i32
    "tpu.region"() ({
      %run_scoped3A = tpu.sem_alloc : memref<!tpu.dma_semaphore, #tpu.memory_space<semaphore_mem>>
      tpu.enqueue_dma source(%arg2 : memref<16512xi32, #tpu.memory_space<hbm>>) target(%arg6 : memref<16512xi32, #tpu.memory_space<vmem>>) target_semaphore(%run_scoped3A : memref<!tpu.dma_semaphore, #tpu.memory_space<semaphore_mem>>)
      tpu.wait_dma2 semaphore(%run_scoped3A : memref<!tpu.dma_semaphore, #tpu.memory_space<semaphore_mem>>) src(%arg2 : memref<16512xi32, #tpu.memory_space<hbm>>) dst(%arg6 : memref<16512xi32, #tpu.memory_space<vmem>>)
      tpu.yield
    }) : () -> ()
    "tpu.region"() ({
      %run_scoped3A = tpu.sem_alloc : memref<!tpu.dma_semaphore, #tpu.memory_space<semaphore_mem>>
      tpu.enqueue_dma source(%arg3 : memref<16512xi32, #tpu.memory_space<hbm>>) target(%arg7 : memref<16512xi32, #tpu.memory_space<vmem>>) target_semaphore(%run_scoped3A : memref<!tpu.dma_semaphore, #tpu.memory_space<semaphore_mem>>)
      tpu.wait_dma2 semaphore(%run_scoped3A : memref<!tpu.dma_semaphore, #tpu.memory_space<semaphore_mem>>) src(%arg3 : memref<16512xi32, #tpu.memory_space<hbm>>) dst(%arg7 : memref<16512xi32, #tpu.memory_space<vmem>>)
      tpu.yield
    }) : () -> ()
    %iota3A = tpu.iota {dimensions = array<i32: 0>} : vector<16xi32>
    %mul3A_5 = arith.constant 31250 : i32
    %mul3A_6 = arith.muli %add3A, %mul3A_5 : i32
    %scan3A = arith.constant 0 : i32
    %scan3A_7 = arith.constant 16496 : i32
    %scan3A_8 = arith.constant 0 : i32
    %scan3A_9 = arith.constant 15 : i32
    %scan3A_10 = arith.addi %scan3A_8, %scan3A_9 : i32
    %scan3A_11 = arith.constant 1 : i32
    %scan3A_12:2 = scf.for %scan3A_74 = %scan3A_8 to %scan3A_10 step %scan3A_11 iter_args(%scan3A_75 = %scan3A, %scan3A_76 = %scan3A_7) -> (i32, i32)  : i32 {
      %add3A_77 = arith.addi %scan3A_75, %scan3A_76 : i32
      %shift_right_arithmetic3A_78 = arith.constant 1 : i32
      %shift_right_arithmetic3A_79 = arith.shrsi %add3A_77, %shift_right_arithmetic3A_78 : i32
      %get3A = arith.index_cast %shift_right_arithmetic3A_79 : i32 to index
      %get3A_80 = tpu.vector_load %arg6[%get3A] {strides = array<i32>} : memref<16512xi32, #tpu.memory_space<vmem>>, vector<16xi32>,
      %slice3A = vector.extract_strided_slice %get3A_80 {offsets = [0], sizes = [1], strides = [1]} : vector<16xi32> to vector<1xi32>
      %squeeze3A = vector.extract %slice3A[0] : i32 from vector<1xi32>
      %ge3A = arith.cmpi sge, %squeeze3A, %mul3A_6 : i32
      %add3A_81 = arith.constant 1 : i32
      %add3A_82 = arith.addi %shift_right_arithmetic3A_79, %add3A_81 : i32
      %select_n3A = arith.select %ge3A, %scan3A_75, %add3A_82 : i32
      %select_n3A_83 = arith.select %ge3A, %shift_right_arithmetic3A_79, %scan3A_76 : i32
      scf.yield %select_n3A, %select_n3A_83 : i32, i32
    }
    %scan3A_13 = arith.constant 15 : i32
    %add3A_14 = arith.constant 1 : i32
    %add3A_15 = arith.addi %add3A, %add3A_14 : i32
    %mul3A_16 = arith.constant 31250 : i32
    %mul3A_17 = arith.muli %add3A_15, %mul3A_16 : i32
    %scan3A_18 = arith.constant 0 : i32
    %scan3A_19 = arith.constant 16496 : i32
    %scan3A_20 = arith.constant 0 : i32
    %scan3A_21 = arith.constant 15 : i32
    %scan3A_22 = arith.addi %scan3A_20, %scan3A_21 : i32
    %scan3A_23 = arith.constant 1 : i32
    %scan3A_24:2 = scf.for %scan3A_74 = %scan3A_20 to %scan3A_22 step %scan3A_23 iter_args(%scan3A_75 = %scan3A_18, %scan3A_76 = %scan3A_19) -> (i32, i32)  : i32 {
      %add3A_77 = arith.addi %scan3A_75, %scan3A_76 : i32
      %shift_right_arithmetic3A_78 = arith.constant 1 : i32
      %shift_right_arithmetic3A_79 = arith.shrsi %add3A_77, %shift_right_arithmetic3A_78 : i32
      %get3A = arith.index_cast %shift_right_arithmetic3A_79 : i32 to index
      %get3A_80 = tpu.vector_load %arg6[%get3A] {strides = array<i32>} : memref<16512xi32, #tpu.memory_space<vmem>>, vector<16xi32>,
      %slice3A = vector.extract_strided_slice %get3A_80 {offsets = [0], sizes = [1], strides = [1]} : vector<16xi32> to vector<1xi32>
      %squeeze3A = vector.extract %slice3A[0] : i32 from vector<1xi32>
      %ge3A = arith.cmpi sge, %squeeze3A, %mul3A_17 : i32
      %add3A_81 = arith.constant 1 : i32
      %add3A_82 = arith.addi %shift_right_arithmetic3A_79, %add3A_81 : i32
      %select_n3A = arith.select %ge3A, %scan3A_75, %add3A_82 : i32
      %select_n3A_83 = arith.select %ge3A, %shift_right_arithmetic3A_79, %scan3A_76 : i32
      scf.yield %select_n3A, %select_n3A_83 : i32, i32
    }
    %scan3A_25 = arith.constant 15 : i32
    %add3A_26 = arith.constant 0 : i32
    %add3A_27 = arith.addi %shift_left3A_4, %add3A_26 : i32
    %multiple_of3A = tpu.assume_multiple %add3A_27, 128 : i32
    %add3A_28 = arith.constant 512 : i32
    %add3A_29 = arith.addi %multiple_of3A, %add3A_28 : i32
    %le3A = arith.constant 1000000 : i32
    %le3A_30 = arith.cmpi sle, %add3A_29, %le3A : i32
    %convert_element_type3A = arith.extui %le3A_30 : i1 to i32
    %cond3A = arith.constant 0 : i32
    %cond3A_31 = arith.cmpi ne, %convert_element_type3A, %cond3A : i32
    scf.if %cond3A_31 {
      %dma_start3A = arith.constant 0 : i32
      %dma_start3A_74 = arith.constant 0 : i32
      %dma_start3A_75 = arith.constant 0 : i32
      %dma_start3A_76 = arith.constant 0 : i32
      %dma_start3A_77 = tpu.memref_slice %arg8[%dma_start3A, %dma_start3A_74, %dma_start3A_75, %dma_start3A_76] : memref<2x8x8x512xf32, #tpu.memory_space<vmem>> -> memref<1x8x8x512xf32, #tpu.memory_space<vmem>>
      %dma_start3A_78 = tpu.memref_squeeze %dma_start3A_77 : memref<1x8x8x512xf32, #tpu.memory_space<vmem>> -> memref<8x8x512xf32, #tpu.memory_space<vmem>>
      %dma_start3A_79 = arith.constant 0 : i32
      %dma_start3A_80 = arith.constant 0 : i32
      %dma_start3A_81 = tpu.memref_slice %arg4[%dma_start3A_79, %dma_start3A_80, %multiple_of3A] : memref<8x8x1000000xf32, #tpu.memory_space<hbm>> -> memref<8x8x512xf32, #tpu.memory_space<hbm>>
      %dma_start3A_82 = arith.constant 0 : i32
      %dma_start3A_83 = arith.constant 0 : i32
      %dma_start3A_84 = arith.constant 0 : i32
      %dma_start3A_85 = tpu.memref_slice %arg8[%dma_start3A, %dma_start3A_82, %dma_start3A_83, %dma_start3A_84] : memref<2x8x8x512xf32, #tpu.memory_space<vmem>> -> memref<1x8x8x512xf32, #tpu.memory_space<vmem>>
      %dma_start3A_86 = tpu.memref_squeeze %dma_start3A_85 : memref<1x8x8x512xf32, #tpu.memory_space<vmem>> -> memref<8x8x512xf32, #tpu.memory_space<vmem>>
      %dma_start3A_87 = arith.constant 0 : i32
      %dma_start3A_88 = arith.constant 0 : i32
      %dma_start3A_89 = tpu.memref_slice %arg4[%dma_start3A_87, %dma_start3A_88, %multiple_of3A] : memref<8x8x1000000xf32, #tpu.memory_space<hbm>> -> memref<8x8x512xf32, #tpu.memory_space<hbm>>
      tpu.enqueue_dma source(%dma_start3A_89 : memref<8x8x512xf32, #tpu.memory_space<hbm>>) target(%dma_start3A_86 : memref<8x8x512xf32, #tpu.memory_space<vmem>>) target_semaphore(%arg10 : memref<!tpu.dma_semaphore, #tpu.memory_space<semaphore_mem>>)
    } else {
    }
    %add3A_32 = arith.constant 512 : i32
    %add3A_33 = arith.addi %multiple_of3A, %add3A_32 : i32
    %gt3A = arith.constant 1000000 : i32
    %gt3A_34 = arith.cmpi sgt, %add3A_33, %gt3A : i32
    %convert_element_type3A_35 = arith.extui %gt3A_34 : i1 to i32
    %cond3A_36 = arith.constant 0 : i32
    %cond3A_37 = arith.cmpi ne, %convert_element_type3A_35, %cond3A_36 : i32
    scf.if %cond3A_37 {
      %multiple_of3A_74 = arith.constant 999936 : i32
      %multiple_of3A_75 = tpu.assume_multiple %multiple_of3A_74, 128 : i32
      %dma_start3A = arith.constant 0 : i32
      %dma_start3A_76 = arith.constant 0 : i32
      %dma_start3A_77 = arith.constant 0 : i32
      %dma_start3A_78 = arith.constant 0 : i32
      %dma_start3A_79 = tpu.memref_slice %arg8[%dma_start3A, %dma_start3A_76, %dma_start3A_77, %dma_start3A_78] : memref<2x8x8x512xf32, #tpu.memory_space<vmem>> -> memref<1x8x8x64xf32, #tpu.memory_space<vmem>>
      %dma_start3A_80 = tpu.memref_squeeze %dma_start3A_79 : memref<1x8x8x64xf32, #tpu.memory_space<vmem>> -> memref<8x8x64xf32, #tpu.memory_space<vmem>>
      %dma_start3A_81 = arith.constant 0 : i32
      %dma_start3A_82 = arith.constant 0 : i32
      %dma_start3A_83 = tpu.memref_slice %arg4[%dma_start3A_81, %dma_start3A_82, %multiple_of3A_75] : memref<8x8x1000000xf32, #tpu.memory_space<hbm>> -> memref<8x8x64xf32, #tpu.memory_space<hbm>>
      %dma_start3A_84 = arith.constant 0 : i32
      %dma_start3A_85 = arith.constant 0 : i32
      %dma_start3A_86 = arith.constant 0 : i32
      %dma_start3A_87 = tpu.memref_slice %arg8[%dma_start3A, %dma_start3A_84, %dma_start3A_85, %dma_start3A_86] : memref<2x8x8x512xf32, #tpu.memory_space<vmem>> -> memref<1x8x8x64xf32, #tpu.memory_space<vmem>>
      %dma_start3A_88 = tpu.memref_squeeze %dma_start3A_87 : memref<1x8x8x64xf32, #tpu.memory_space<vmem>> -> memref<8x8x64xf32, #tpu.memory_space<vmem>>
      %dma_start3A_89 = arith.constant 0 : i32
      %dma_start3A_90 = arith.constant 0 : i32
      %dma_start3A_91 = tpu.memref_slice %arg4[%dma_start3A_89, %dma_start3A_90, %multiple_of3A_75] : memref<8x8x1000000xf32, #tpu.memory_space<hbm>> -> memref<8x8x64xf32, #tpu.memory_space<hbm>>
      tpu.enqueue_dma source(%dma_start3A_91 : memref<8x8x64xf32, #tpu.memory_space<hbm>>) target(%dma_start3A_88 : memref<8x8x64xf32, #tpu.memory_space<vmem>>) target_semaphore(%arg10 : memref<!tpu.dma_semaphore, #tpu.memory_space<semaphore_mem>>)
    } else {
    }
    %add3A_38 = arith.constant 15 : i32
    %add3A_39 = arith.addi %scan3A_12#0, %add3A_38 : i32
    %shift_right_arithmetic3A_40 = arith.constant 4 : i32
    %shift_right_arithmetic3A_41 = arith.shrsi %add3A_39, %shift_right_arithmetic3A_40 : i32
    %shift_left3A_42 = arith.constant 4 : i32
    %shift_left3A_43 = arith.shli %shift_right_arithmetic3A_41, %shift_left3A_42 : i32
    %mul3A_44 = arith.constant 32 : i32
    %mul3A_45 = arith.muli %mul3A_44, %add3A : i32
    %add3A_46 = arith.addi %shift_left3A_43, %mul3A_45 : i32
    %scan3A_47 = arith.constant 0 : i32
    %scan3A_48 = arith.constant 0 : i32
    %scan3A_49 = arith.constant 62 : i32
    %scan3A_50 = arith.addi %scan3A_48, %scan3A_49 : i32
    %scan3A_51 = arith.constant 1 : i32
    %scan3A_52:2 = scf.for %scan3A_74 = %scan3A_48 to %scan3A_50 step %scan3A_51 iter_args(%scan3A_75 = %scan3A_12#0, %scan3A_76 = %scan3A_47) -> (i32, i32)  : i32 {
      %rem3A = arith.constant 2 : i32
      %rem3A_77 = arith.remsi %scan3A_74, %rem3A : i32
      %add3A_78 = arith.constant 1 : i32
      %add3A_79 = arith.addi %scan3A_74, %add3A_78 : i32
      %lt3A = arith.constant 62 : i32
      %lt3A_80 = arith.cmpi slt, %add3A_79, %lt3A : i32
      %convert_element_type3A_81 = arith.extui %lt3A_80 : i1 to i32
      %cond3A_82 = arith.constant 0 : i32
      %cond3A_83 = arith.cmpi ne, %convert_element_type3A_81, %cond3A_82 : i32
      scf.if %cond3A_83 {
        %eq3A_103 = arith.constant 0 : i32
        %eq3A_104 = arith.cmpi eq, %rem3A_77, %eq3A_103 : i32
        %convert_element_type3A_105 = arith.extui %eq3A_104 : i1 to i32
        %cond3A_106 = arith.constant 0 : i32
        %cond3A_107 = arith.cmpi ne, %convert_element_type3A_105, %cond3A_106 : i32
        scf.if %cond3A_107 {
          %add3A_113 = arith.constant 1 : i32
          %add3A_114 = arith.addi %scan3A_74, %add3A_113 : i32
          %mul3A_115 = arith.constant 512 : i32
          %mul3A_116 = arith.muli %add3A_114, %mul3A_115 : i32
          %add3A_117 = arith.addi %shift_left3A_4, %mul3A_116 : i32
          %multiple_of3A_118 = tpu.assume_multiple %add3A_117, 128 : i32
          %add3A_119 = arith.constant 512 : i32
          %add3A_120 = arith.addi %multiple_of3A_118, %add3A_119 : i32
          %le3A_121 = arith.constant 1000000 : i32
          %le3A_122 = arith.cmpi sle, %add3A_120, %le3A_121 : i32
          %convert_element_type3A_123 = arith.extui %le3A_122 : i1 to i32
          %cond3A_124 = arith.constant 0 : i32
          %cond3A_125 = arith.cmpi ne, %convert_element_type3A_123, %cond3A_124 : i32
          scf.if %cond3A_125 {
            %dma_start3A = arith.constant 1 : i32
            %dma_start3A_133 = arith.constant 0 : i32
            %dma_start3A_134 = arith.constant 0 : i32
            %dma_start3A_135 = arith.constant 0 : i32
            %dma_start3A_136 = tpu.memref_slice %arg8[%dma_start3A, %dma_start3A_133, %dma_start3A_134, %dma_start3A_135] : memref<2x8x8x512xf32, #tpu.memory_space<vmem>> -> memref<1x8x8x512xf32, #tpu.memory_space<vmem>>
            %dma_start3A_137 = tpu.memref_squeeze %dma_start3A_136 : memref<1x8x8x512xf32, #tpu.memory_space<vmem>> -> memref<8x8x512xf32, #tpu.memory_space<vmem>>
            %dma_start3A_138 = arith.constant 0 : i32
            %dma_start3A_139 = arith.constant 0 : i32
            %dma_start3A_140 = tpu.memref_slice %arg4[%dma_start3A_138, %dma_start3A_139, %multiple_of3A_118] : memref<8x8x1000000xf32, #tpu.memory_space<hbm>> -> memref<8x8x512xf32, #tpu.memory_space<hbm>>
            %dma_start3A_141 = arith.constant 0 : i32
            %dma_start3A_142 = arith.constant 0 : i32
            %dma_start3A_143 = arith.constant 0 : i32
            %dma_start3A_144 = tpu.memref_slice %arg8[%dma_start3A, %dma_start3A_141, %dma_start3A_142, %dma_start3A_143] : memref<2x8x8x512xf32, #tpu.memory_space<vmem>> -> memref<1x8x8x512xf32, #tpu.memory_space<vmem>>
            %dma_start3A_145 = tpu.memref_squeeze %dma_start3A_144 : memref<1x8x8x512xf32, #tpu.memory_space<vmem>> -> memref<8x8x512xf32, #tpu.memory_space<vmem>>
            %dma_start3A_146 = arith.constant 0 : i32
            %dma_start3A_147 = arith.constant 0 : i32
            %dma_start3A_148 = tpu.memref_slice %arg4[%dma_start3A_146, %dma_start3A_147, %multiple_of3A_118] : memref<8x8x1000000xf32, #tpu.memory_space<hbm>> -> memref<8x8x512xf32, #tpu.memory_space<hbm>>
            tpu.enqueue_dma source(%dma_start3A_148 : memref<8x8x512xf32, #tpu.memory_space<hbm>>) target(%dma_start3A_145 : memref<8x8x512xf32, #tpu.memory_space<vmem>>) target_semaphore(%arg11 : memref<!tpu.dma_semaphore, #tpu.memory_space<semaphore_mem>>)
          } else {
          }
          %add3A_126 = arith.constant 512 : i32
          %add3A_127 = arith.addi %multiple_of3A_118, %add3A_126 : i32
          %gt3A_128 = arith.constant 1000000 : i32
          %gt3A_129 = arith.cmpi sgt, %add3A_127, %gt3A_128 : i32
          %convert_element_type3A_130 = arith.extui %gt3A_129 : i1 to i32
          %cond3A_131 = arith.constant 0 : i32
          %cond3A_132 = arith.cmpi ne, %convert_element_type3A_130, %cond3A_131 : i32
          scf.if %cond3A_132 {
            %multiple_of3A_133 = arith.constant 999936 : i32
            %multiple_of3A_134 = tpu.assume_multiple %multiple_of3A_133, 128 : i32
            %dma_start3A = arith.constant 1 : i32
            %dma_start3A_135 = arith.constant 0 : i32
            %dma_start3A_136 = arith.constant 0 : i32
            %dma_start3A_137 = arith.constant 0 : i32
            %dma_start3A_138 = tpu.memref_slice %arg8[%dma_start3A, %dma_start3A_135, %dma_start3A_136, %dma_start3A_137] : memref<2x8x8x512xf32, #tpu.memory_space<vmem>> -> memref<1x8x8x64xf32, #tpu.memory_space<vmem>>
            %dma_start3A_139 = tpu.memref_squeeze %dma_start3A_138 : memref<1x8x8x64xf32, #tpu.memory_space<vmem>> -> memref<8x8x64xf32, #tpu.memory_space<vmem>>
            %dma_start3A_140 = arith.constant 0 : i32
            %dma_start3A_141 = arith.constant 0 : i32
            %dma_start3A_142 = tpu.memref_slice %arg4[%dma_start3A_140, %dma_start3A_141, %multiple_of3A_134] : memref<8x8x1000000xf32, #tpu.memory_space<hbm>> -> memref<8x8x64xf32, #tpu.memory_space<hbm>>
            %dma_start3A_143 = arith.constant 0 : i32
            %dma_start3A_144 = arith.constant 0 : i32
            %dma_start3A_145 = arith.constant 0 : i32
            %dma_start3A_146 = tpu.memref_slice %arg8[%dma_start3A, %dma_start3A_143, %dma_start3A_144, %dma_start3A_145] : memref<2x8x8x512xf32, #tpu.memory_space<vmem>> -> memref<1x8x8x64xf32, #tpu.memory_space<vmem>>
            %dma_start3A_147 = tpu.memref_squeeze %dma_start3A_146 : memref<1x8x8x64xf32, #tpu.memory_space<vmem>> -> memref<8x8x64xf32, #tpu.memory_space<vmem>>
            %dma_start3A_148 = arith.constant 0 : i32
            %dma_start3A_149 = arith.constant 0 : i32
            %dma_start3A_150 = tpu.memref_slice %arg4[%dma_start3A_148, %dma_start3A_149, %multiple_of3A_134] : memref<8x8x1000000xf32, #tpu.memory_space<hbm>> -> memref<8x8x64xf32, #tpu.memory_space<hbm>>
            tpu.enqueue_dma source(%dma_start3A_150 : memref<8x8x64xf32, #tpu.memory_space<hbm>>) target(%dma_start3A_147 : memref<8x8x64xf32, #tpu.memory_space<vmem>>) target_semaphore(%arg11 : memref<!tpu.dma_semaphore, #tpu.memory_space<semaphore_mem>>)
          } else {
          }
        } else {
        }
        %eq3A_108 = arith.constant 1 : i32
        %eq3A_109 = arith.cmpi eq, %rem3A_77, %eq3A_108 : i32
        %convert_element_type3A_110 = arith.extui %eq3A_109 : i1 to i32
        %cond3A_111 = arith.constant 0 : i32
        %cond3A_112 = arith.cmpi ne, %convert_element_type3A_110, %cond3A_111 : i32
        scf.if %cond3A_112 {
          %add3A_113 = arith.constant 1 : i32
          %add3A_114 = arith.addi %scan3A_74, %add3A_113 : i32
          %mul3A_115 = arith.constant 512 : i32
          %mul3A_116 = arith.muli %add3A_114, %mul3A_115 : i32
          %add3A_117 = arith.addi %shift_left3A_4, %mul3A_116 : i32
          %multiple_of3A_118 = tpu.assume_multiple %add3A_117, 128 : i32
          %add3A_119 = arith.constant 512 : i32
          %add3A_120 = arith.addi %multiple_of3A_118, %add3A_119 : i32
          %le3A_121 = arith.constant 1000000 : i32
          %le3A_122 = arith.cmpi sle, %add3A_120, %le3A_121 : i32
          %convert_element_type3A_123 = arith.extui %le3A_122 : i1 to i32
          %cond3A_124 = arith.constant 0 : i32
          %cond3A_125 = arith.cmpi ne, %convert_element_type3A_123, %cond3A_124 : i32
          scf.if %cond3A_125 {
            %dma_start3A = arith.constant 0 : i32
            %dma_start3A_133 = arith.constant 0 : i32
            %dma_start3A_134 = arith.constant 0 : i32
            %dma_start3A_135 = arith.constant 0 : i32
            %dma_start3A_136 = tpu.memref_slice %arg8[%dma_start3A, %dma_start3A_133, %dma_start3A_134, %dma_start3A_135] : memref<2x8x8x512xf32, #tpu.memory_space<vmem>> -> memref<1x8x8x512xf32, #tpu.memory_space<vmem>>
            %dma_start3A_137 = tpu.memref_squeeze %dma_start3A_136 : memref<1x8x8x512xf32, #tpu.memory_space<vmem>> -> memref<8x8x512xf32, #tpu.memory_space<vmem>>
            %dma_start3A_138 = arith.constant 0 : i32
            %dma_start3A_139 = arith.constant 0 : i32
            %dma_start3A_140 = tpu.memref_slice %arg4[%dma_start3A_138, %dma_start3A_139, %multiple_of3A_118] : memref<8x8x1000000xf32, #tpu.memory_space<hbm>> -> memref<8x8x512xf32, #tpu.memory_space<hbm>>
            %dma_start3A_141 = arith.constant 0 : i32
            %dma_start3A_142 = arith.constant 0 : i32
            %dma_start3A_143 = arith.constant 0 : i32
            %dma_start3A_144 = tpu.memref_slice %arg8[%dma_start3A, %dma_start3A_141, %dma_start3A_142, %dma_start3A_143] : memref<2x8x8x512xf32, #tpu.memory_space<vmem>> -> memref<1x8x8x512xf32, #tpu.memory_space<vmem>>
            %dma_start3A_145 = tpu.memref_squeeze %dma_start3A_144 : memref<1x8x8x512xf32, #tpu.memory_space<vmem>> -> memref<8x8x512xf32, #tpu.memory_space<vmem>>
            %dma_start3A_146 = arith.constant 0 : i32
            %dma_start3A_147 = arith.constant 0 : i32
            %dma_start3A_148 = tpu.memref_slice %arg4[%dma_start3A_146, %dma_start3A_147, %multiple_of3A_118] : memref<8x8x1000000xf32, #tpu.memory_space<hbm>> -> memref<8x8x512xf32, #tpu.memory_space<hbm>>
            tpu.enqueue_dma source(%dma_start3A_148 : memref<8x8x512xf32, #tpu.memory_space<hbm>>) target(%dma_start3A_145 : memref<8x8x512xf32, #tpu.memory_space<vmem>>) target_semaphore(%arg10 : memref<!tpu.dma_semaphore, #tpu.memory_space<semaphore_mem>>)
          } else {
          }
          %add3A_126 = arith.constant 512 : i32
          %add3A_127 = arith.addi %multiple_of3A_118, %add3A_126 : i32
          %gt3A_128 = arith.constant 1000000 : i32
          %gt3A_129 = arith.cmpi sgt, %add3A_127, %gt3A_128 : i32
          %convert_element_type3A_130 = arith.extui %gt3A_129 : i1 to i32
          %cond3A_131 = arith.constant 0 : i32
          %cond3A_132 = arith.cmpi ne, %convert_element_type3A_130, %cond3A_131 : i32
          scf.if %cond3A_132 {
            %multiple_of3A_133 = arith.constant 999936 : i32
            %multiple_of3A_134 = tpu.assume_multiple %multiple_of3A_133, 128 : i32
            %dma_start3A = arith.constant 0 : i32
            %dma_start3A_135 = arith.constant 0 : i32
            %dma_start3A_136 = arith.constant 0 : i32
            %dma_start3A_137 = arith.constant 0 : i32
            %dma_start3A_138 = tpu.memref_slice %arg8[%dma_start3A, %dma_start3A_135, %dma_start3A_136, %dma_start3A_137] : memref<2x8x8x512xf32, #tpu.memory_space<vmem>> -> memref<1x8x8x64xf32, #tpu.memory_space<vmem>>
            %dma_start3A_139 = tpu.memref_squeeze %dma_start3A_138 : memref<1x8x8x64xf32, #tpu.memory_space<vmem>> -> memref<8x8x64xf32, #tpu.memory_space<vmem>>
            %dma_start3A_140 = arith.constant 0 : i32
            %dma_start3A_141 = arith.constant 0 : i32
            %dma_start3A_142 = tpu.memref_slice %arg4[%dma_start3A_140, %dma_start3A_141, %multiple_of3A_134] : memref<8x8x1000000xf32, #tpu.memory_space<hbm>> -> memref<8x8x64xf32, #tpu.memory_space<hbm>>
            %dma_start3A_143 = arith.constant 0 : i32
            %dma_start3A_144 = arith.constant 0 : i32
            %dma_start3A_145 = arith.constant 0 : i32
            %dma_start3A_146 = tpu.memref_slice %arg8[%dma_start3A, %dma_start3A_143, %dma_start3A_144, %dma_start3A_145] : memref<2x8x8x512xf32, #tpu.memory_space<vmem>> -> memref<1x8x8x64xf32, #tpu.memory_space<vmem>>
            %dma_start3A_147 = tpu.memref_squeeze %dma_start3A_146 : memref<1x8x8x64xf32, #tpu.memory_space<vmem>> -> memref<8x8x64xf32, #tpu.memory_space<vmem>>
            %dma_start3A_148 = arith.constant 0 : i32
            %dma_start3A_149 = arith.constant 0 : i32
            %dma_start3A_150 = tpu.memref_slice %arg4[%dma_start3A_148, %dma_start3A_149, %multiple_of3A_134] : memref<8x8x1000000xf32, #tpu.memory_space<hbm>> -> memref<8x8x64xf32, #tpu.memory_space<hbm>>
            tpu.enqueue_dma source(%dma_start3A_150 : memref<8x8x64xf32, #tpu.memory_space<hbm>>) target(%dma_start3A_147 : memref<8x8x64xf32, #tpu.memory_space<vmem>>) target_semaphore(%arg10 : memref<!tpu.dma_semaphore, #tpu.memory_space<semaphore_mem>>)
          } else {
          }
        } else {
        }
      } else {
      }
      %eq3A = arith.constant 0 : i32
      %eq3A_84 = arith.cmpi eq, %rem3A_77, %eq3A : i32
      %convert_element_type3A_85 = arith.extui %eq3A_84 : i1 to i32
      %cond3A_86 = arith.constant 0 : i32
      %cond3A_87 = arith.cmpi ne, %convert_element_type3A_85, %cond3A_86 : i32
      scf.if %cond3A_87 {
        %mul3A_103 = arith.constant 512 : i32
        %mul3A_104 = arith.muli %scan3A_74, %mul3A_103 : i32
        %add3A_105 = arith.addi %shift_left3A_4, %mul3A_104 : i32
        %add3A_106 = arith.constant 512 : i32
        %add3A_107 = arith.addi %add3A_105, %add3A_106 : i32
        %le3A_108 = arith.constant 1000000 : i32
        %le3A_109 = arith.cmpi sle, %add3A_107, %le3A_108 : i32
        %convert_element_type3A_110 = arith.extui %le3A_109 : i1 to i32
        %cond3A_111 = arith.constant 0 : i32
        %cond3A_112 = arith.cmpi ne, %convert_element_type3A_110, %cond3A_111 : i32
        scf.if %cond3A_112 {
          %dma_wait3A = arith.constant 0 : i32
          %dma_wait3A_120 = arith.constant 0 : i32
          %dma_wait3A_121 = arith.constant 0 : i32
          %dma_wait3A_122 = arith.constant 0 : i32
          %dma_wait3A_123 = tpu.memref_slice %arg8[%dma_wait3A, %dma_wait3A_120, %dma_wait3A_121, %dma_wait3A_122] : memref<2x8x8x512xf32, #tpu.memory_space<vmem>> -> memref<1x8x8x512xf32, #tpu.memory_space<vmem>>
          %dma_wait3A_124 = tpu.memref_squeeze %dma_wait3A_123 : memref<1x8x8x512xf32, #tpu.memory_space<vmem>> -> memref<8x8x512xf32, #tpu.memory_space<vmem>>
          %dma_wait3A_125 = arith.constant 0 : i32
          %dma_wait3A_126 = arith.constant 0 : i32
          %dma_wait3A_127 = arith.constant 0 : i32
          %dma_wait3A_128 = tpu.memref_slice %arg4[%dma_wait3A_125, %dma_wait3A_126, %dma_wait3A_127] : memref<8x8x1000000xf32, #tpu.memory_space<hbm>> -> memref<8x8x512xf32, #tpu.memory_space<hbm>>
          %dma_wait3A_129 = arith.constant 0 : i32
          %dma_wait3A_130 = arith.constant 0 : i32
          %dma_wait3A_131 = arith.constant 0 : i32
          %dma_wait3A_132 = tpu.memref_slice %arg8[%dma_wait3A, %dma_wait3A_129, %dma_wait3A_130, %dma_wait3A_131] : memref<2x8x8x512xf32, #tpu.memory_space<vmem>> -> memref<1x8x8x512xf32, #tpu.memory_space<vmem>>
          %dma_wait3A_133 = tpu.memref_squeeze %dma_wait3A_132 : memref<1x8x8x512xf32, #tpu.memory_space<vmem>> -> memref<8x8x512xf32, #tpu.memory_space<vmem>>
          %dma_wait3A_134 = arith.constant 0 : i32
          %dma_wait3A_135 = arith.constant 0 : i32
          %dma_wait3A_136 = arith.constant 0 : i32
          %dma_wait3A_137 = tpu.memref_slice %arg4[%dma_wait3A_134, %dma_wait3A_135, %dma_wait3A_136] : memref<8x8x1000000xf32, #tpu.memory_space<hbm>> -> memref<8x8x512xf32, #tpu.memory_space<hbm>>
          tpu.wait_dma2 semaphore(%arg10 : memref<!tpu.dma_semaphore, #tpu.memory_space<semaphore_mem>>) src(%dma_wait3A_137 : memref<8x8x512xf32, #tpu.memory_space<hbm>>) dst(%dma_wait3A_133 : memref<8x8x512xf32, #tpu.memory_space<vmem>>)
        } else {
        }
        %add3A_113 = arith.constant 512 : i32
        %add3A_114 = arith.addi %add3A_105, %add3A_113 : i32
        %gt3A_115 = arith.constant 1000000 : i32
        %gt3A_116 = arith.cmpi sgt, %add3A_114, %gt3A_115 : i32
        %convert_element_type3A_117 = arith.extui %gt3A_116 : i1 to i32
        %cond3A_118 = arith.constant 0 : i32
        %cond3A_119 = arith.cmpi ne, %convert_element_type3A_117, %cond3A_118 : i32
        scf.if %cond3A_119 {
          %dma_wait3A = arith.constant 0 : i32
          %dma_wait3A_120 = arith.constant 0 : i32
          %dma_wait3A_121 = arith.constant 0 : i32
          %dma_wait3A_122 = arith.constant 0 : i32
          %dma_wait3A_123 = tpu.memref_slice %arg8[%dma_wait3A, %dma_wait3A_120, %dma_wait3A_121, %dma_wait3A_122] : memref<2x8x8x512xf32, #tpu.memory_space<vmem>> -> memref<1x8x8x64xf32, #tpu.memory_space<vmem>>
          %dma_wait3A_124 = tpu.memref_squeeze %dma_wait3A_123 : memref<1x8x8x64xf32, #tpu.memory_space<vmem>> -> memref<8x8x64xf32, #tpu.memory_space<vmem>>
          %dma_wait3A_125 = arith.constant 0 : i32
          %dma_wait3A_126 = arith.constant 0 : i32
          %dma_wait3A_127 = arith.constant 0 : i32
          %dma_wait3A_128 = tpu.memref_slice %arg4[%dma_wait3A_125, %dma_wait3A_126, %dma_wait3A_127] : memref<8x8x1000000xf32, #tpu.memory_space<hbm>> -> memref<8x8x64xf32, #tpu.memory_space<hbm>>
          %dma_wait3A_129 = arith.constant 0 : i32
          %dma_wait3A_130 = arith.constant 0 : i32
          %dma_wait3A_131 = arith.constant 0 : i32
          %dma_wait3A_132 = tpu.memref_slice %arg8[%dma_wait3A, %dma_wait3A_129, %dma_wait3A_130, %dma_wait3A_131] : memref<2x8x8x512xf32, #tpu.memory_space<vmem>> -> memref<1x8x8x64xf32, #tpu.memory_space<vmem>>
          %dma_wait3A_133 = tpu.memref_squeeze %dma_wait3A_132 : memref<1x8x8x64xf32, #tpu.memory_space<vmem>> -> memref<8x8x64xf32, #tpu.memory_space<vmem>>
          %dma_wait3A_134 = arith.constant 0 : i32
          %dma_wait3A_135 = arith.constant 0 : i32
          %dma_wait3A_136 = arith.constant 0 : i32
          %dma_wait3A_137 = tpu.memref_slice %arg4[%dma_wait3A_134, %dma_wait3A_135, %dma_wait3A_136] : memref<8x8x1000000xf32, #tpu.memory_space<hbm>> -> memref<8x8x64xf32, #tpu.memory_space<hbm>>
          tpu.wait_dma2 semaphore(%arg10 : memref<!tpu.dma_semaphore, #tpu.memory_space<semaphore_mem>>) src(%dma_wait3A_137 : memref<8x8x64xf32, #tpu.memory_space<hbm>>) dst(%dma_wait3A_133 : memref<8x8x64xf32, #tpu.memory_space<vmem>>)
        } else {
        }
      } else {
      }
      %eq3A_88 = arith.constant 1 : i32
      %eq3A_89 = arith.cmpi eq, %rem3A_77, %eq3A_88 : i32
      %convert_element_type3A_90 = arith.extui %eq3A_89 : i1 to i32
      %cond3A_91 = arith.constant 0 : i32
      %cond3A_92 = arith.cmpi ne, %convert_element_type3A_90, %cond3A_91 : i32
      scf.if %cond3A_92 {
        %mul3A_103 = arith.constant 512 : i32
        %mul3A_104 = arith.muli %scan3A_74, %mul3A_103 : i32
        %add3A_105 = arith.addi %shift_left3A_4, %mul3A_104 : i32
        %add3A_106 = arith.constant 512 : i32
        %add3A_107 = arith.addi %add3A_105, %add3A_106 : i32
        %le3A_108 = arith.constant 1000000 : i32
        %le3A_109 = arith.cmpi sle, %add3A_107, %le3A_108 : i32
        %convert_element_type3A_110 = arith.extui %le3A_109 : i1 to i32
        %cond3A_111 = arith.constant 0 : i32
        %cond3A_112 = arith.cmpi ne, %convert_element_type3A_110, %cond3A_111 : i32
        scf.if %cond3A_112 {
          %dma_wait3A = arith.constant 1 : i32
          %dma_wait3A_120 = arith.constant 0 : i32
          %dma_wait3A_121 = arith.constant 0 : i32
          %dma_wait3A_122 = arith.constant 0 : i32
          %dma_wait3A_123 = tpu.memref_slice %arg8[%dma_wait3A, %dma_wait3A_120, %dma_wait3A_121, %dma_wait3A_122] : memref<2x8x8x512xf32, #tpu.memory_space<vmem>> -> memref<1x8x8x512xf32, #tpu.memory_space<vmem>>
          %dma_wait3A_124 = tpu.memref_squeeze %dma_wait3A_123 : memref<1x8x8x512xf32, #tpu.memory_space<vmem>> -> memref<8x8x512xf32, #tpu.memory_space<vmem>>
          %dma_wait3A_125 = arith.constant 0 : i32
          %dma_wait3A_126 = arith.constant 0 : i32
          %dma_wait3A_127 = arith.constant 0 : i32
          %dma_wait3A_128 = tpu.memref_slice %arg4[%dma_wait3A_125, %dma_wait3A_126, %dma_wait3A_127] : memref<8x8x1000000xf32, #tpu.memory_space<hbm>> -> memref<8x8x512xf32, #tpu.memory_space<hbm>>
          %dma_wait3A_129 = arith.constant 0 : i32
          %dma_wait3A_130 = arith.constant 0 : i32
          %dma_wait3A_131 = arith.constant 0 : i32
          %dma_wait3A_132 = tpu.memref_slice %arg8[%dma_wait3A, %dma_wait3A_129, %dma_wait3A_130, %dma_wait3A_131] : memref<2x8x8x512xf32, #tpu.memory_space<vmem>> -> memref<1x8x8x512xf32, #tpu.memory_space<vmem>>
          %dma_wait3A_133 = tpu.memref_squeeze %dma_wait3A_132 : memref<1x8x8x512xf32, #tpu.memory_space<vmem>> -> memref<8x8x512xf32, #tpu.memory_space<vmem>>
          %dma_wait3A_134 = arith.constant 0 : i32
          %dma_wait3A_135 = arith.constant 0 : i32
          %dma_wait3A_136 = arith.constant 0 : i32
          %dma_wait3A_137 = tpu.memref_slice %arg4[%dma_wait3A_134, %dma_wait3A_135, %dma_wait3A_136] : memref<8x8x1000000xf32, #tpu.memory_space<hbm>> -> memref<8x8x512xf32, #tpu.memory_space<hbm>>
          tpu.wait_dma2 semaphore(%arg11 : memref<!tpu.dma_semaphore, #tpu.memory_space<semaphore_mem>>) src(%dma_wait3A_137 : memref<8x8x512xf32, #tpu.memory_space<hbm>>) dst(%dma_wait3A_133 : memref<8x8x512xf32, #tpu.memory_space<vmem>>)
        } else {
        }
        %add3A_113 = arith.constant 512 : i32
        %add3A_114 = arith.addi %add3A_105, %add3A_113 : i32
        %gt3A_115 = arith.constant 1000000 : i32
        %gt3A_116 = arith.cmpi sgt, %add3A_114, %gt3A_115 : i32
        %convert_element_type3A_117 = arith.extui %gt3A_116 : i1 to i32
        %cond3A_118 = arith.constant 0 : i32
        %cond3A_119 = arith.cmpi ne, %convert_element_type3A_117, %cond3A_118 : i32
        scf.if %cond3A_119 {
          %dma_wait3A = arith.constant 1 : i32
          %dma_wait3A_120 = arith.constant 0 : i32
          %dma_wait3A_121 = arith.constant 0 : i32
          %dma_wait3A_122 = arith.constant 0 : i32
          %dma_wait3A_123 = tpu.memref_slice %arg8[%dma_wait3A, %dma_wait3A_120, %dma_wait3A_121, %dma_wait3A_122] : memref<2x8x8x512xf32, #tpu.memory_space<vmem>> -> memref<1x8x8x64xf32, #tpu.memory_space<vmem>>
          %dma_wait3A_124 = tpu.memref_squeeze %dma_wait3A_123 : memref<1x8x8x64xf32, #tpu.memory_space<vmem>> -> memref<8x8x64xf32, #tpu.memory_space<vmem>>
          %dma_wait3A_125 = arith.constant 0 : i32
          %dma_wait3A_126 = arith.constant 0 : i32
          %dma_wait3A_127 = arith.constant 0 : i32
          %dma_wait3A_128 = tpu.memref_slice %arg4[%dma_wait3A_125, %dma_wait3A_126, %dma_wait3A_127] : memref<8x8x1000000xf32, #tpu.memory_space<hbm>> -> memref<8x8x64xf32, #tpu.memory_space<hbm>>
          %dma_wait3A_129 = arith.constant 0 : i32
          %dma_wait3A_130 = arith.constant 0 : i32
          %dma_wait3A_131 = arith.constant 0 : i32
          %dma_wait3A_132 = tpu.memref_slice %arg8[%dma_wait3A, %dma_wait3A_129, %dma_wait3A_130, %dma_wait3A_131] : memref<2x8x8x512xf32, #tpu.memory_space<vmem>> -> memref<1x8x8x64xf32, #tpu.memory_space<vmem>>
          %dma_wait3A_133 = tpu.memref_squeeze %dma_wait3A_132 : memref<1x8x8x64xf32, #tpu.memory_space<vmem>> -> memref<8x8x64xf32, #tpu.memory_space<vmem>>
          %dma_wait3A_134 = arith.constant 0 : i32
          %dma_wait3A_135 = arith.constant 0 : i32
          %dma_wait3A_136 = arith.constant 0 : i32
          %dma_wait3A_137 = tpu.memref_slice %arg4[%dma_wait3A_134, %dma_wait3A_135, %dma_wait3A_136] : memref<8x8x1000000xf32, #tpu.memory_space<hbm>> -> memref<8x8x64xf32, #tpu.memory_space<hbm>>
          tpu.wait_dma2 semaphore(%arg11 : memref<!tpu.dma_semaphore, #tpu.memory_space<semaphore_mem>>) src(%dma_wait3A_137 : memref<8x8x64xf32, #tpu.memory_space<hbm>>) dst(%dma_wait3A_133 : memref<8x8x64xf32, #tpu.memory_space<vmem>>)
        } else {
        }
      } else {
      }
      %mul3A_93 = arith.constant 512 : i32
      %mul3A_94 = arith.muli %scan3A_74, %mul3A_93 : i32
      %add3A_95 = arith.addi %shift_left3A_4, %mul3A_94 : i32
      %add3A_96 = arith.constant 1 : i32
      %add3A_97 = arith.addi %scan3A_74, %add3A_96 : i32
      %mul3A_98 = arith.constant 512 : i32
      %mul3A_99 = arith.muli %add3A_97, %mul3A_98 : i32
      %add3A_100 = arith.addi %shift_left3A_4, %mul3A_99 : i32
      %lt3A_101 = arith.cmpi slt, %scan3A_75, %scan3A_24#0 : i32
      %while3A_102:3 = scf.while (%while3A_103 = %scan3A_75, %while3A_104 = %scan3A_76, %while3A_105 = %lt3A_101) : (i32, i32, i1) -> (i32, i32, i1) {
        scf.condition(%while3A_105) %while3A_103, %while3A_104, %while3A_105 : i32, i32, i1
      } do {
      ^bb0(%while3A_103: i32, %while3A_104: i32, %while3A_105: i1):
        %get3A = arith.index_cast %while3A_103 : i32 to index
        %get3A_106 = tpu.vector_load %arg6[%get3A] {strides = array<i32>} : memref<16512xi32, #tpu.memory_space<vmem>>, vector<16xi32>,
        %lt3A_107 = vector.broadcast %add3A_100 : i32 to vector<16xi32>
        %lt3A_108 = arith.cmpi slt, %get3A_106, %lt3A_107 : vector<16xi32>
        %sub3A = arith.subi %scan3A_24#0, %while3A_103 : i32
        %lt3A_109 = vector.broadcast %sub3A : i32 to vector<16xi32>
        %lt3A_110 = arith.cmpi slt, %iota3A, %lt3A_109 : vector<16xi32>
        %and3A_111 = arith.andi %lt3A_108, %lt3A_110 : vector<16xi1>
        %jit3A = arith.constant 1 : i32
        %jit3A_112 = arith.constant 0 : i32
        %broadcast_in_dim3A = vector.broadcast %jit3A : i32 to vector<16xi32>
        %broadcast_in_dim3A_113 = vector.broadcast %jit3A_112 : i32 to vector<16xi32>
        %select_n3A = arith.select %and3A_111, %broadcast_in_dim3A, %broadcast_in_dim3A_113 : vector<16xi1>, vector<16xi32>
        %reduce_sum3A = arith.constant true
        %reduce_sum3A_114 = vector.broadcast %reduce_sum3A : i1 to vector<16xi1>
        %reduce_sum3A_115 = tpu.scan <sum>, %select_n3A masked %reduce_sum3A_114 : vector<16xi32>, vector<16xi1> -> vector<16xi32>
        %reduce_sum3A_116 = vector.extract %reduce_sum3A_115[15] : i32 from vector<16xi32>
        %gt3A_117 = arith.constant 0 : i32
        %gt3A_118 = arith.cmpi sgt, %reduce_sum3A_116, %gt3A_117 : i32
        %convert_element_type3A_119 = arith.extui %gt3A_118 : i1 to i32
        %cond3A_120 = arith.constant 0 : i32
        %cond3A_121 = arith.cmpi ne, %convert_element_type3A_119, %cond3A_120 : i32
        scf.if %cond3A_121 {
          %sub3A_128 = vector.broadcast %add3A_95 : i32 to vector<16xi32>
          %sub3A_129 = arith.subi %get3A_106, %sub3A_128 : vector<16xi32>
          %jit3A_130 = arith.constant 0 : i32
          %jit3A_131 = arith.constant 511 : i32
          %max3A = vector.broadcast %jit3A_130 : i32 to vector<16xi32>
          %max3A_132 = arith.maxsi %max3A, %sub3A_129 : vector<16xi32>
          %min3A_133 = vector.broadcast %jit3A_131 : i32 to vector<16xi32>
          %min3A_134 = arith.minsi %min3A_133, %max3A_132 : vector<16xi32>
          %add3A_135 = vector.broadcast %while3A_104 : i32 to vector<16xi32>
          %add3A_136 = arith.addi %add3A_135, %iota3A : vector<16xi32>
          %and3A_137 = arith.constant 63 : i32
          %and3A_138 = vector.broadcast %and3A_137 : i32 to vector<16xi32>
          %and3A_139 = arith.andi %add3A_136, %and3A_138 : vector<16xi32>
          %jit3A_140 = arith.constant 64 : i32
          %broadcast_in_dim3A_141 = vector.broadcast %jit3A_140 : i32 to vector<16xi32>
          %select_n3A_142 = arith.select %and3A_111, %and3A_139, %broadcast_in_dim3A_141 : vector<16xi1>, vector<16xi32>
          %broadcast_in_dim3A_143 = arith.constant 0 : i32
          %broadcast_in_dim3A_144 = vector.broadcast %broadcast_in_dim3A_143 : i32 to vector<16xi32>
          %add3A_145 = vector.broadcast %rem3A_77 : i32 to vector<16xi32>
          %add3A_146 = arith.addi %broadcast_in_dim3A_144, %add3A_145 : vector<16xi32>
          %broadcast_in_dim3A_147 = arith.constant 0 : i32
          %broadcast_in_dim3A_148 = vector.broadcast %broadcast_in_dim3A_147 : i32 to vector<16xi32>
          %broadcast_in_dim3A_149 = arith.constant 0 : i32
          %broadcast_in_dim3A_150 = vector.broadcast %broadcast_in_dim3A_149 : i32 to vector<16xi32>
          %gather3A = tpu.vector_load_idx %arg8[%add3A_146, %broadcast_in_dim3A_148, %broadcast_in_dim3A_150, %min3A_134] : memref<2x8x8x512xf32, #tpu.memory_space<vmem>>[vector<16xi32>, vector<16xi32>, vector<16xi32>, vector<16xi32>], vector<16xf32>,
          %broadcast_in_dim3A_151 = arith.constant 0 : i32
          %broadcast_in_dim3A_152 = vector.broadcast %broadcast_in_dim3A_151 : i32 to vector<16xi32>
          tpu.vector_store_idx %arg9[%select_n3A_142, %broadcast_in_dim3A_152], %gather3A : memref<65x128xf32, #tpu.memory_space<vmem>>[vector<16xi32>, vector<16xi32>], vector<16xf32>,
          %broadcast_in_dim3A_153 = arith.constant 0 : i32
          %broadcast_in_dim3A_154 = vector.broadcast %broadcast_in_dim3A_153 : i32 to vector<16xi32>
          %add3A_155 = vector.broadcast %rem3A_77 : i32 to vector<16xi32>
          %add3A_156 = arith.addi %broadcast_in_dim3A_154, %add3A_155 : vector<16xi32>
          %broadcast_in_dim3A_157 = arith.constant 0 : i32
          %broadcast_in_dim3A_158 = vector.broadcast %broadcast_in_dim3A_157 : i32 to vector<16xi32>
          %broadcast_in_dim3A_159 = arith.constant 1 : i32
          %broadcast_in_dim3A_160 = vector.broadcast %broadcast_in_dim3A_159 : i32 to vector<16xi32>
          %gather3A_161 = tpu.vector_load_idx %arg8[%add3A_156, %broadcast_in_dim3A_158, %broadcast_in_dim3A_160, %min3A_134] : memref<2x8x8x512xf32, #tpu.memory_space<vmem>>[vector<16xi32>, vector<16xi32>, vector<16xi32>, vector<16xi32>], vector<16xf32>,
          %broadcast_in_dim3A_162 = arith.constant 1 : i32
          %broadcast_in_dim3A_163 = vector.broadcast %broadcast_in_dim3A_162 : i32 to vector<16xi32>
          tpu.vector_store_idx %arg9[%select_n3A_142, %broadcast_in_dim3A_163], %gather3A_161 : memref<65x128xf32, #tpu.memory_space<vmem>>[vector<16xi32>, vector<16xi32>], vector<16xf32>,
          %broadcast_in_dim3A_164 = arith.constant 0 : i32
          %broadcast_in_dim3A_165 = vector.broadcast %broadcast_in_dim3A_164 : i32 to vector<16xi32>
          %add3A_166 = vector.broadcast %rem3A_77 : i32 to vector<16xi32>
          %add3A_167 = arith.addi %broadcast_in_dim3A_165, %add3A_166 : vector<16xi32>
          %broadcast_in_dim3A_168 = arith.constant 0 : i32
          %broadcast_in_dim3A_169 = vector.broadcast %broadcast_in_dim3A_168 : i32 to vector<16xi32>
          %broadcast_in_dim3A_170 = arith.constant 2 : i32
          %broadcast_in_dim3A_171 = vector.broadcast %broadcast_in_dim3A_170 : i32 to vector<16xi32>
          %gather3A_172 = tpu.vector_load_idx %arg8[%add3A_167, %broadcast_in_dim3A_169, %broadcast_in_dim3A_171, %min3A_134] : memref<2x8x8x512xf32, #tpu.memory_space<vmem>>[vector<16xi32>, vector<16xi32>, vector<16xi32>, vector<16xi32>], vector<16xf32>,
          %broadcast_in_dim3A_173 = arith.constant 2 : i32
          %broadcast_in_dim3A_174 = vector.broadcast %broadcast_in_dim3A_173 : i32 to vector<16xi32>
          tpu.vector_store_idx %arg9[%select_n3A_142, %broadcast_in_dim3A_174], %gather3A_172 : memref<65x128xf32, #tpu.memory_space<vmem>>[vector<16xi32>, vector<16xi32>], vector<16xf32>,
          %broadcast_in_dim3A_175 = arith.constant 0 : i32
          %broadcast_in_dim3A_176 = vector.broadcast %broadcast_in_dim3A_175 : i32 to vector<16xi32>
          %add3A_177 = vector.broadcast %rem3A_77 : i32 to vector<16xi32>
          %add3A_178 = arith.addi %broadcast_in_dim3A_176, %add3A_177 : vector<16xi32>
          %broadcast_in_dim3A_179 = arith.constant 0 : i32
          %broadcast_in_dim3A_180 = vector.broadcast %broadcast_in_dim3A_179 : i32 to vector<16xi32>
          %broadcast_in_dim3A_181 = arith.constant 3 : i32
          %broadcast_in_dim3A_182 = vector.broadcast %broadcast_in_dim3A_181 : i32 to vector<16xi32>
          %gather3A_183 = tpu.vector_load_idx %arg8[%add3A_178, %broadcast_in_dim3A_180, %broadcast_in_dim3A_182, %min3A_134] : memref<2x8x8x512xf32, #tpu.memory_space<vmem>>[vector<16xi32>, vector<16xi32>, vector<16xi32>, vector<16xi32>], vector<16xf32>,
          %broadcast_in_dim3A_184 = arith.constant 3 : i32
          %broadcast_in_dim3A_185 = vector.broadcast %broadcast_in_dim3A_184 : i32 to vector<16xi32>
          tpu.vector_store_idx %arg9[%select_n3A_142, %broadcast_in_dim3A_185], %gather3A_183 : memref<65x128xf32, #tpu.memory_space<vmem>>[vector<16xi32>, vector<16xi32>], vector<16xf32>,
          %broadcast_in_dim3A_186 = arith.constant 0 : i32
          %broadcast_in_dim3A_187 = vector.broadcast %broadcast_in_dim3A_186 : i32 to vector<16xi32>
          %add3A_188 = vector.broadcast %rem3A_77 : i32 to vector<16xi32>
          %add3A_189 = arith.addi %broadcast_in_dim3A_187, %add3A_188 : vector<16xi32>
          %broadcast_in_dim3A_190 = arith.constant 0 : i32
          %broadcast_in_dim3A_191 = vector.broadcast %broadcast_in_dim3A_190 : i32 to vector<16xi32>
          %broadcast_in_dim3A_192 = arith.constant 4 : i32
          %broadcast_in_dim3A_193 = vector.broadcast %broadcast_in_dim3A_192 : i32 to vector<16xi32>
          %gather3A_194 = tpu.vector_load_idx %arg8[%add3A_189, %broadcast_in_dim3A_191, %broadcast_in_dim3A_193, %min3A_134] : memref<2x8x8x512xf32, #tpu.memory_space<vmem>>[vector<16xi32>, vector<16xi32>, vector<16xi32>, vector<16xi32>], vector<16xf32>,
          %broadcast_in_dim3A_195 = arith.constant 4 : i32
          %broadcast_in_dim3A_196 = vector.broadcast %broadcast_in_dim3A_195 : i32 to vector<16xi32>
          tpu.vector_store_idx %arg9[%select_n3A_142, %broadcast_in_dim3A_196], %gather3A_194 : memref<65x128xf32, #tpu.memory_space<vmem>>[vector<16xi32>, vector<16xi32>], vector<16xf32>,
          %broadcast_in_dim3A_197 = arith.constant 0 : i32
          %broadcast_in_dim3A_198 = vector.broadcast %broadcast_in_dim3A_197 : i32 to vector<16xi32>
          %add3A_199 = vector.broadcast %rem3A_77 : i32 to vector<16xi32>
          %add3A_200 = arith.addi %broadcast_in_dim3A_198, %add3A_199 : vector<16xi32>
          %broadcast_in_dim3A_201 = arith.constant 0 : i32
          %broadcast_in_dim3A_202 = vector.broadcast %broadcast_in_dim3A_201 : i32 to vector<16xi32>
          %broadcast_in_dim3A_203 = arith.constant 5 : i32
          %broadcast_in_dim3A_204 = vector.broadcast %broadcast_in_dim3A_203 : i32 to vector<16xi32>
          %gather3A_205 = tpu.vector_load_idx %arg8[%add3A_200, %broadcast_in_dim3A_202, %broadcast_in_dim3A_204, %min3A_134] : memref<2x8x8x512xf32, #tpu.memory_space<vmem>>[vector<16xi32>, vector<16xi32>, vector<16xi32>, vector<16xi32>], vector<16xf32>,
          %broadcast_in_dim3A_206 = arith.constant 5 : i32
          %broadcast_in_dim3A_207 = vector.broadcast %broadcast_in_dim3A_206 : i32 to vector<16xi32>
          tpu.vector_store_idx %arg9[%select_n3A_142, %broadcast_in_dim3A_207], %gather3A_205 : memref<65x128xf32, #tpu.memory_space<vmem>>[vector<16xi32>, vector<16xi32>], vector<16xf32>,
          %broadcast_in_dim3A_208 = arith.constant 0 : i32
          %broadcast_in_dim3A_209 = vector.broadcast %broadcast_in_dim3A_208 : i32 to vector<16xi32>
          %add3A_210 = vector.broadcast %rem3A_77 : i32 to vector<16xi32>
          %add3A_211 = arith.addi %broadcast_in_dim3A_209, %add3A_210 : vector<16xi32>
          %broadcast_in_dim3A_212 = arith.constant 0 : i32
          %broadcast_in_dim3A_213 = vector.broadcast %broadcast_in_dim3A_212 : i32 to vector<16xi32>
          %broadcast_in_dim3A_214 = arith.constant 6 : i32
          %broadcast_in_dim3A_215 = vector.broadcast %broadcast_in_dim3A_214 : i32 to vector<16xi32>
          %gather3A_216 = tpu.vector_load_idx %arg8[%add3A_211, %broadcast_in_dim3A_213, %broadcast_in_dim3A_215, %min3A_134] : memref<2x8x8x512xf32, #tpu.memory_space<vmem>>[vector<16xi32>, vector<16xi32>, vector<16xi32>, vector<16xi32>], vector<16xf32>,
          %broadcast_in_dim3A_217 = arith.constant 6 : i32
          %broadcast_in_dim3A_218 = vector.broadcast %broadcast_in_dim3A_217 : i32 to vector<16xi32>
          tpu.vector_store_idx %arg9[%select_n3A_142, %broadcast_in_dim3A_218], %gather3A_216 : memref<65x128xf32, #tpu.memory_space<vmem>>[vector<16xi32>, vector<16xi32>], vector<16xf32>,
          %broadcast_in_dim3A_219 = arith.constant 0 : i32
          %broadcast_in_dim3A_220 = vector.broadcast %broadcast_in_dim3A_219 : i32 to vector<16xi32>
          %add3A_221 = vector.broadcast %rem3A_77 : i32 to vector<16xi32>
          %add3A_222 = arith.addi %broadcast_in_dim3A_220, %add3A_221 : vector<16xi32>
          %broadcast_in_dim3A_223 = arith.constant 0 : i32
          %broadcast_in_dim3A_224 = vector.broadcast %broadcast_in_dim3A_223 : i32 to vector<16xi32>
          %broadcast_in_dim3A_225 = arith.constant 7 : i32
          %broadcast_in_dim3A_226 = vector.broadcast %broadcast_in_dim3A_225 : i32 to vector<16xi32>
          %gather3A_227 = tpu.vector_load_idx %arg8[%add3A_222, %broadcast_in_dim3A_224, %broadcast_in_dim3A_226, %min3A_134] : memref<2x8x8x512xf32, #tpu.memory_space<vmem>>[vector<16xi32>, vector<16xi32>, vector<16xi32>, vector<16xi32>], vector<16xf32>,
          %broadcast_in_dim3A_228 = arith.constant 7 : i32
          %broadcast_in_dim3A_229 = vector.broadcast %broadcast_in_dim3A_228 : i32 to vector<16xi32>
          tpu.vector_store_idx %arg9[%select_n3A_142, %broadcast_in_dim3A_229], %gather3A_227 : memref<65x128xf32, #tpu.memory_space<vmem>>[vector<16xi32>, vector<16xi32>], vector<16xf32>,
          %broadcast_in_dim3A_230 = arith.constant 0 : i32
          %broadcast_in_dim3A_231 = vector.broadcast %broadcast_in_dim3A_230 : i32 to vector<16xi32>
          %add3A_232 = vector.broadcast %rem3A_77 : i32 to vector<16xi32>
          %add3A_233 = arith.addi %broadcast_in_dim3A_231, %add3A_232 : vector<16xi32>
          %broadcast_in_dim3A_234 = arith.constant 1 : i32
          %broadcast_in_dim3A_235 = vector.broadcast %broadcast_in_dim3A_234 : i32 to vector<16xi32>
          %broadcast_in_dim3A_236 = arith.constant 0 : i32
          %broadcast_in_dim3A_237 = vector.broadcast %broadcast_in_dim3A_236 : i32 to vector<16xi32>
          %gather3A_238 = tpu.vector_load_idx %arg8[%add3A_233, %broadcast_in_dim3A_235, %broadcast_in_dim3A_237, %min3A_134] : memref<2x8x8x512xf32, #tpu.memory_space<vmem>>[vector<16xi32>, vector<16xi32>, vector<16xi32>, vector<16xi32>], vector<16xf32>,
          %broadcast_in_dim3A_239 = arith.constant 8 : i32
          %broadcast_in_dim3A_240 = vector.broadcast %broadcast_in_dim3A_239 : i32 to vector<16xi32>
          tpu.vector_store_idx %arg9[%select_n3A_142, %broadcast_in_dim3A_240], %gather3A_238 : memref<65x128xf32, #tpu.memory_space<vmem>>[vector<16xi32>, vector<16xi32>], vector<16xf32>,
          %broadcast_in_dim3A_241 = arith.constant 0 : i32
          %broadcast_in_dim3A_242 = vector.broadcast %broadcast_in_dim3A_241 : i32 to vector<16xi32>
          %add3A_243 = vector.broadcast %rem3A_77 : i32 to vector<16xi32>
          %add3A_244 = arith.addi %broadcast_in_dim3A_242, %add3A_243 : vector<16xi32>
          %broadcast_in_dim3A_245 = arith.constant 1 : i32
          %broadcast_in_dim3A_246 = vector.broadcast %broadcast_in_dim3A_245 : i32 to vector<16xi32>
          %broadcast_in_dim3A_247 = arith.constant 1 : i32
          %broadcast_in_dim3A_248 = vector.broadcast %broadcast_in_dim3A_247 : i32 to vector<16xi32>
          %gather3A_249 = tpu.vector_load_idx %arg8[%add3A_244, %broadcast_in_dim3A_246, %broadcast_in_dim3A_248, %min3A_134] : memref<2x8x8x512xf32, #tpu.memory_space<vmem>>[vector<16xi32>, vector<16xi32>, vector<16xi32>, vector<16xi32>], vector<16xf32>,
          %broadcast_in_dim3A_250 = arith.constant 9 : i32
          %broadcast_in_dim3A_251 = vector.broadcast %broadcast_in_dim3A_250 : i32 to vector<16xi32>
          tpu.vector_store_idx %arg9[%select_n3A_142, %broadcast_in_dim3A_251], %gather3A_249 : memref<65x128xf32, #tpu.memory_space<vmem>>[vector<16xi32>, vector<16xi32>], vector<16xf32>,
          %broadcast_in_dim3A_252 = arith.constant 0 : i32
          %broadcast_in_dim3A_253 = vector.broadcast %broadcast_in_dim3A_252 : i32 to vector<16xi32>
          %add3A_254 = vector.broadcast %rem3A_77 : i32 to vector<16xi32>
          %add3A_255 = arith.addi %broadcast_in_dim3A_253, %add3A_254 : vector<16xi32>
          %broadcast_in_dim3A_256 = arith.constant 1 : i32
          %broadcast_in_dim3A_257 = vector.broadcast %broadcast_in_dim3A_256 : i32 to vector<16xi32>
          %broadcast_in_dim3A_258 = arith.constant 2 : i32
          %broadcast_in_dim3A_259 = vector.broadcast %broadcast_in_dim3A_258 : i32 to vector<16xi32>
          %gather3A_260 = tpu.vector_load_idx %arg8[%add3A_255, %broadcast_in_dim3A_257, %broadcast_in_dim3A_259, %min3A_134] : memref<2x8x8x512xf32, #tpu.memory_space<vmem>>[vector<16xi32>, vector<16xi32>, vector<16xi32>, vector<16xi32>], vector<16xf32>,
          %broadcast_in_dim3A_261 = arith.constant 10 : i32
          %broadcast_in_dim3A_262 = vector.broadcast %broadcast_in_dim3A_261 : i32 to vector<16xi32>
          tpu.vector_store_idx %arg9[%select_n3A_142, %broadcast_in_dim3A_262], %gather3A_260 : memref<65x128xf32, #tpu.memory_space<vmem>>[vector<16xi32>, vector<16xi32>], vector<16xf32>,
          %broadcast_in_dim3A_263 = arith.constant 0 : i32
          %broadcast_in_dim3A_264 = vector.broadcast %broadcast_in_dim3A_263 : i32 to vector<16xi32>
          %add3A_265 = vector.broadcast %rem3A_77 : i32 to vector<16xi32>
          %add3A_266 = arith.addi %broadcast_in_dim3A_264, %add3A_265 : vector<16xi32>
          %broadcast_in_dim3A_267 = arith.constant 1 : i32
          %broadcast_in_dim3A_268 = vector.broadcast %broadcast_in_dim3A_267 : i32 to vector<16xi32>
          %broadcast_in_dim3A_269 = arith.constant 3 : i32
          %broadcast_in_dim3A_270 = vector.broadcast %broadcast_in_dim3A_269 : i32 to vector<16xi32>
          %gather3A_271 = tpu.vector_load_idx %arg8[%add3A_266, %broadcast_in_dim3A_268, %broadcast_in_dim3A_270, %min3A_134] : memref<2x8x8x512xf32, #tpu.memory_space<vmem>>[vector<16xi32>, vector<16xi32>, vector<16xi32>, vector<16xi32>], vector<16xf32>,
          %broadcast_in_dim3A_272 = arith.constant 11 : i32
          %broadcast_in_dim3A_273 = vector.broadcast %broadcast_in_dim3A_272 : i32 to vector<16xi32>
          tpu.vector_store_idx %arg9[%select_n3A_142, %broadcast_in_dim3A_273], %gather3A_271 : memref<65x128xf32, #tpu.memory_space<vmem>>[vector<16xi32>, vector<16xi32>], vector<16xf32>,
          %broadcast_in_dim3A_274 = arith.constant 0 : i32
          %broadcast_in_dim3A_275 = vector.broadcast %broadcast_in_dim3A_274 : i32 to vector<16xi32>
          %add3A_276 = vector.broadcast %rem3A_77 : i32 to vector<16xi32>
          %add3A_277 = arith.addi %broadcast_in_dim3A_275, %add3A_276 : vector<16xi32>
          %broadcast_in_dim3A_278 = arith.constant 1 : i32
          %broadcast_in_dim3A_279 = vector.broadcast %broadcast_in_dim3A_278 : i32 to vector<16xi32>
          %broadcast_in_dim3A_280 = arith.constant 4 : i32
          %broadcast_in_dim3A_281 = vector.broadcast %broadcast_in_dim3A_280 : i32 to vector<16xi32>
          %gather3A_282 = tpu.vector_load_idx %arg8[%add3A_277, %broadcast_in_dim3A_279, %broadcast_in_dim3A_281, %min3A_134] : memref<2x8x8x512xf32, #tpu.memory_space<vmem>>[vector<16xi32>, vector<16xi32>, vector<16xi32>, vector<16xi32>], vector<16xf32>,
          %broadcast_in_dim3A_283 = arith.constant 12 : i32
          %broadcast_in_dim3A_284 = vector.broadcast %broadcast_in_dim3A_283 : i32 to vector<16xi32>
          tpu.vector_store_idx %arg9[%select_n3A_142, %broadcast_in_dim3A_284], %gather3A_282 : memref<65x128xf32, #tpu.memory_space<vmem>>[vector<16xi32>, vector<16xi32>], vector<16xf32>,
          %broadcast_in_dim3A_285 = arith.constant 0 : i32
          %broadcast_in_dim3A_286 = vector.broadcast %broadcast_in_dim3A_285 : i32 to vector<16xi32>
          %add3A_287 = vector.broadcast %rem3A_77 : i32 to vector<16xi32>
          %add3A_288 = arith.addi %broadcast_in_dim3A_286, %add3A_287 : vector<16xi32>
          %broadcast_in_dim3A_289 = arith.constant 1 : i32
          %broadcast_in_dim3A_290 = vector.broadcast %broadcast_in_dim3A_289 : i32 to vector<16xi32>
          %broadcast_in_dim3A_291 = arith.constant 5 : i32
          %broadcast_in_dim3A_292 = vector.broadcast %broadcast_in_dim3A_291 : i32 to vector<16xi32>
          %gather3A_293 = tpu.vector_load_idx %arg8[%add3A_288, %broadcast_in_dim3A_290, %broadcast_in_dim3A_292, %min3A_134] : memref<2x8x8x512xf32, #tpu.memory_space<vmem>>[vector<16xi32>, vector<16xi32>, vector<16xi32>, vector<16xi32>], vector<16xf32>,
          %broadcast_in_dim3A_294 = arith.constant 13 : i32
          %broadcast_in_dim3A_295 = vector.broadcast %broadcast_in_dim3A_294 : i32 to vector<16xi32>
          tpu.vector_store_idx %arg9[%select_n3A_142, %broadcast_in_dim3A_295], %gather3A_293 : memref<65x128xf32, #tpu.memory_space<vmem>>[vector<16xi32>, vector<16xi32>], vector<16xf32>,
          %broadcast_in_dim3A_296 = arith.constant 0 : i32
          %broadcast_in_dim3A_297 = vector.broadcast %broadcast_in_dim3A_296 : i32 to vector<16xi32>
          %add3A_298 = vector.broadcast %rem3A_77 : i32 to vector<16xi32>
          %add3A_299 = arith.addi %broadcast_in_dim3A_297, %add3A_298 : vector<16xi32>
          %broadcast_in_dim3A_300 = arith.constant 1 : i32
          %broadcast_in_dim3A_301 = vector.broadcast %broadcast_in_dim3A_300 : i32 to vector<16xi32>
          %broadcast_in_dim3A_302 = arith.constant 6 : i32
          %broadcast_in_dim3A_303 = vector.broadcast %broadcast_in_dim3A_302 : i32 to vector<16xi32>
          %gather3A_304 = tpu.vector_load_idx %arg8[%add3A_299, %broadcast_in_dim3A_301, %broadcast_in_dim3A_303, %min3A_134] : memref<2x8x8x512xf32, #tpu.memory_space<vmem>>[vector<16xi32>, vector<16xi32>, vector<16xi32>, vector<16xi32>], vector<16xf32>,
          %broadcast_in_dim3A_305 = arith.constant 14 : i32
          %broadcast_in_dim3A_306 = vector.broadcast %broadcast_in_dim3A_305 : i32 to vector<16xi32>
          tpu.vector_store_idx %arg9[%select_n3A_142, %broadcast_in_dim3A_306], %gather3A_304 : memref<65x128xf32, #tpu.memory_space<vmem>>[vector<16xi32>, vector<16xi32>], vector<16xf32>,
          %broadcast_in_dim3A_307 = arith.constant 0 : i32
          %broadcast_in_dim3A_308 = vector.broadcast %broadcast_in_dim3A_307 : i32 to vector<16xi32>
          %add3A_309 = vector.broadcast %rem3A_77 : i32 to vector<16xi32>
          %add3A_310 = arith.addi %broadcast_in_dim3A_308, %add3A_309 : vector<16xi32>
          %broadcast_in_dim3A_311 = arith.constant 1 : i32
          %broadcast_in_dim3A_312 = vector.broadcast %broadcast_in_dim3A_311 : i32 to vector<16xi32>
          %broadcast_in_dim3A_313 = arith.constant 7 : i32
          %broadcast_in_dim3A_314 = vector.broadcast %broadcast_in_dim3A_313 : i32 to vector<16xi32>
          %gather3A_315 = tpu.vector_load_idx %arg8[%add3A_310, %broadcast_in_dim3A_312, %broadcast_in_dim3A_314, %min3A_134] : memref<2x8x8x512xf32, #tpu.memory_space<vmem>>[vector<16xi32>, vector<16xi32>, vector<16xi32>, vector<16xi32>], vector<16xf32>,
          %broadcast_in_dim3A_316 = arith.constant 15 : i32
          %broadcast_in_dim3A_317 = vector.broadcast %broadcast_in_dim3A_316 : i32 to vector<16xi32>
          tpu.vector_store_idx %arg9[%select_n3A_142, %broadcast_in_dim3A_317], %gather3A_315 : memref<65x128xf32, #tpu.memory_space<vmem>>[vector<16xi32>, vector<16xi32>], vector<16xf32>,
          %broadcast_in_dim3A_318 = arith.constant 0 : i32
          %broadcast_in_dim3A_319 = vector.broadcast %broadcast_in_dim3A_318 : i32 to vector<16xi32>
          %add3A_320 = vector.broadcast %rem3A_77 : i32 to vector<16xi32>
          %add3A_321 = arith.addi %broadcast_in_dim3A_319, %add3A_320 : vector<16xi32>
          %broadcast_in_dim3A_322 = arith.constant 2 : i32
          %broadcast_in_dim3A_323 = vector.broadcast %broadcast_in_dim3A_322 : i32 to vector<16xi32>
          %broadcast_in_dim3A_324 = arith.constant 0 : i32
          %broadcast_in_dim3A_325 = vector.broadcast %broadcast_in_dim3A_324 : i32 to vector<16xi32>
          %gather3A_326 = tpu.vector_load_idx %arg8[%add3A_321, %broadcast_in_dim3A_323, %broadcast_in_dim3A_325, %min3A_134] : memref<2x8x8x512xf32, #tpu.memory_space<vmem>>[vector<16xi32>, vector<16xi32>, vector<16xi32>, vector<16xi32>], vector<16xf32>,
          %broadcast_in_dim3A_327 = arith.constant 16 : i32
          %broadcast_in_dim3A_328 = vector.broadcast %broadcast_in_dim3A_327 : i32 to vector<16xi32>
          tpu.vector_store_idx %arg9[%select_n3A_142, %broadcast_in_dim3A_328], %gather3A_326 : memref<65x128xf32, #tpu.memory_space<vmem>>[vector<16xi32>, vector<16xi32>], vector<16xf32>,
          %broadcast_in_dim3A_329 = arith.constant 0 : i32
          %broadcast_in_dim3A_330 = vector.broadcast %broadcast_in_dim3A_329 : i32 to vector<16xi32>
          %add3A_331 = vector.broadcast %rem3A_77 : i32 to vector<16xi32>
          %add3A_332 = arith.addi %broadcast_in_dim3A_330, %add3A_331 : vector<16xi32>
          %broadcast_in_dim3A_333 = arith.constant 2 : i32
          %broadcast_in_dim3A_334 = vector.broadcast %broadcast_in_dim3A_333 : i32 to vector<16xi32>
          %broadcast_in_dim3A_335 = arith.constant 1 : i32
          %broadcast_in_dim3A_336 = vector.broadcast %broadcast_in_dim3A_335 : i32 to vector<16xi32>
          %gather3A_337 = tpu.vector_load_idx %arg8[%add3A_332, %broadcast_in_dim3A_334, %broadcast_in_dim3A_336, %min3A_134] : memref<2x8x8x512xf32, #tpu.memory_space<vmem>>[vector<16xi32>, vector<16xi32>, vector<16xi32>, vector<16xi32>], vector<16xf32>,
          %broadcast_in_dim3A_338 = arith.constant 17 : i32
          %broadcast_in_dim3A_339 = vector.broadcast %broadcast_in_dim3A_338 : i32 to vector<16xi32>
          tpu.vector_store_idx %arg9[%select_n3A_142, %broadcast_in_dim3A_339], %gather3A_337 : memref<65x128xf32, #tpu.memory_space<vmem>>[vector<16xi32>, vector<16xi32>], vector<16xf32>,
          %broadcast_in_dim3A_340 = arith.constant 0 : i32
          %broadcast_in_dim3A_341 = vector.broadcast %broadcast_in_dim3A_340 : i32 to vector<16xi32>
          %add3A_342 = vector.broadcast %rem3A_77 : i32 to vector<16xi32>
          %add3A_343 = arith.addi %broadcast_in_dim3A_341, %add3A_342 : vector<16xi32>
          %broadcast_in_dim3A_344 = arith.constant 2 : i32
          %broadcast_in_dim3A_345 = vector.broadcast %broadcast_in_dim3A_344 : i32 to vector<16xi32>
          %broadcast_in_dim3A_346 = arith.constant 2 : i32
          %broadcast_in_dim3A_347 = vector.broadcast %broadcast_in_dim3A_346 : i32 to vector<16xi32>
          %gather3A_348 = tpu.vector_load_idx %arg8[%add3A_343, %broadcast_in_dim3A_345, %broadcast_in_dim3A_347, %min3A_134] : memref<2x8x8x512xf32, #tpu.memory_space<vmem>>[vector<16xi32>, vector<16xi32>, vector<16xi32>, vector<16xi32>], vector<16xf32>,
          %broadcast_in_dim3A_349 = arith.constant 18 : i32
          %broadcast_in_dim3A_350 = vector.broadcast %broadcast_in_dim3A_349 : i32 to vector<16xi32>
          tpu.vector_store_idx %arg9[%select_n3A_142, %broadcast_in_dim3A_350], %gather3A_348 : memref<65x128xf32, #tpu.memory_space<vmem>>[vector<16xi32>, vector<16xi32>], vector<16xf32>,
          %broadcast_in_dim3A_351 = arith.constant 0 : i32
          %broadcast_in_dim3A_352 = vector.broadcast %broadcast_in_dim3A_351 : i32 to vector<16xi32>
          %add3A_353 = vector.broadcast %rem3A_77 : i32 to vector<16xi32>
          %add3A_354 = arith.addi %broadcast_in_dim3A_352, %add3A_353 : vector<16xi32>
          %broadcast_in_dim3A_355 = arith.constant 2 : i32
          %broadcast_in_dim3A_356 = vector.broadcast %broadcast_in_dim3A_355 : i32 to vector<16xi32>
          %broadcast_in_dim3A_357 = arith.constant 3 : i32
          %broadcast_in_dim3A_358 = vector.broadcast %broadcast_in_dim3A_357 : i32 to vector<16xi32>
          %gather3A_359 = tpu.vector_load_idx %arg8[%add3A_354, %broadcast_in_dim3A_356, %broadcast_in_dim3A_358, %min3A_134] : memref<2x8x8x512xf32, #tpu.memory_space<vmem>>[vector<16xi32>, vector<16xi32>, vector<16xi32>, vector<16xi32>], vector<16xf32>,
          %broadcast_in_dim3A_360 = arith.constant 19 : i32
          %broadcast_in_dim3A_361 = vector.broadcast %broadcast_in_dim3A_360 : i32 to vector<16xi32>
          tpu.vector_store_idx %arg9[%select_n3A_142, %broadcast_in_dim3A_361], %gather3A_359 : memref<65x128xf32, #tpu.memory_space<vmem>>[vector<16xi32>, vector<16xi32>], vector<16xf32>,
          %broadcast_in_dim3A_362 = arith.constant 0 : i32
          %broadcast_in_dim3A_363 = vector.broadcast %broadcast_in_dim3A_362 : i32 to vector<16xi32>
          %add3A_364 = vector.broadcast %rem3A_77 : i32 to vector<16xi32>
          %add3A_365 = arith.addi %broadcast_in_dim3A_363, %add3A_364 : vector<16xi32>
          %broadcast_in_dim3A_366 = arith.constant 2 : i32
          %broadcast_in_dim3A_367 = vector.broadcast %broadcast_in_dim3A_366 : i32 to vector<16xi32>
          %broadcast_in_dim3A_368 = arith.constant 4 : i32
          %broadcast_in_dim3A_369 = vector.broadcast %broadcast_in_dim3A_368 : i32 to vector<16xi32>
          %gather3A_370 = tpu.vector_load_idx %arg8[%add3A_365, %broadcast_in_dim3A_367, %broadcast_in_dim3A_369, %min3A_134] : memref<2x8x8x512xf32, #tpu.memory_space<vmem>>[vector<16xi32>, vector<16xi32>, vector<16xi32>, vector<16xi32>], vector<16xf32>,
          %broadcast_in_dim3A_371 = arith.constant 20 : i32
          %broadcast_in_dim3A_372 = vector.broadcast %broadcast_in_dim3A_371 : i32 to vector<16xi32>
          tpu.vector_store_idx %arg9[%select_n3A_142, %broadcast_in_dim3A_372], %gather3A_370 : memref<65x128xf32, #tpu.memory_space<vmem>>[vector<16xi32>, vector<16xi32>], vector<16xf32>,
          %broadcast_in_dim3A_373 = arith.constant 0 : i32
          %broadcast_in_dim3A_374 = vector.broadcast %broadcast_in_dim3A_373 : i32 to vector<16xi32>
          %add3A_375 = vector.broadcast %rem3A_77 : i32 to vector<16xi32>
          %add3A_376 = arith.addi %broadcast_in_dim3A_374, %add3A_375 : vector<16xi32>
          %broadcast_in_dim3A_377 = arith.constant 2 : i32
          %broadcast_in_dim3A_378 = vector.broadcast %broadcast_in_dim3A_377 : i32 to vector<16xi32>
          %broadcast_in_dim3A_379 = arith.constant 5 : i32
          %broadcast_in_dim3A_380 = vector.broadcast %broadcast_in_dim3A_379 : i32 to vector<16xi32>
          %gather3A_381 = tpu.vector_load_idx %arg8[%add3A_376, %broadcast_in_dim3A_378, %broadcast_in_dim3A_380, %min3A_134] : memref<2x8x8x512xf32, #tpu.memory_space<vmem>>[vector<16xi32>, vector<16xi32>, vector<16xi32>, vector<16xi32>], vector<16xf32>,
          %broadcast_in_dim3A_382 = arith.constant 21 : i32
          %broadcast_in_dim3A_383 = vector.broadcast %broadcast_in_dim3A_382 : i32 to vector<16xi32>
          tpu.vector_store_idx %arg9[%select_n3A_142, %broadcast_in_dim3A_383], %gather3A_381 : memref<65x128xf32, #tpu.memory_space<vmem>>[vector<16xi32>, vector<16xi32>], vector<16xf32>,
          %broadcast_in_dim3A_384 = arith.constant 0 : i32
          %broadcast_in_dim3A_385 = vector.broadcast %broadcast_in_dim3A_384 : i32 to vector<16xi32>
          %add3A_386 = vector.broadcast %rem3A_77 : i32 to vector<16xi32>
          %add3A_387 = arith.addi %broadcast_in_dim3A_385, %add3A_386 : vector<16xi32>
          %broadcast_in_dim3A_388 = arith.constant 2 : i32
          %broadcast_in_dim3A_389 = vector.broadcast %broadcast_in_dim3A_388 : i32 to vector<16xi32>
          %broadcast_in_dim3A_390 = arith.constant 6 : i32
          %broadcast_in_dim3A_391 = vector.broadcast %broadcast_in_dim3A_390 : i32 to vector<16xi32>
          %gather3A_392 = tpu.vector_load_idx %arg8[%add3A_387, %broadcast_in_dim3A_389, %broadcast_in_dim3A_391, %min3A_134] : memref<2x8x8x512xf32, #tpu.memory_space<vmem>>[vector<16xi32>, vector<16xi32>, vector<16xi32>, vector<16xi32>], vector<16xf32>,
          %broadcast_in_dim3A_393 = arith.constant 22 : i32
          %broadcast_in_dim3A_394 = vector.broadcast %broadcast_in_dim3A_393 : i32 to vector<16xi32>
          tpu.vector_store_idx %arg9[%select_n3A_142, %broadcast_in_dim3A_394], %gather3A_392 : memref<65x128xf32, #tpu.memory_space<vmem>>[vector<16xi32>, vector<16xi32>], vector<16xf32>,
          %broadcast_in_dim3A_395 = arith.constant 0 : i32
          %broadcast_in_dim3A_396 = vector.broadcast %broadcast_in_dim3A_395 : i32 to vector<16xi32>
          %add3A_397 = vector.broadcast %rem3A_77 : i32 to vector<16xi32>
          %add3A_398 = arith.addi %broadcast_in_dim3A_396, %add3A_397 : vector<16xi32>
          %broadcast_in_dim3A_399 = arith.constant 2 : i32
          %broadcast_in_dim3A_400 = vector.broadcast %broadcast_in_dim3A_399 : i32 to vector<16xi32>
          %broadcast_in_dim3A_401 = arith.constant 7 : i32
          %broadcast_in_dim3A_402 = vector.broadcast %broadcast_in_dim3A_401 : i32 to vector<16xi32>
          %gather3A_403 = tpu.vector_load_idx %arg8[%add3A_398, %broadcast_in_dim3A_400, %broadcast_in_dim3A_402, %min3A_134] : memref<2x8x8x512xf32, #tpu.memory_space<vmem>>[vector<16xi32>, vector<16xi32>, vector<16xi32>, vector<16xi32>], vector<16xf32>,
          %broadcast_in_dim3A_404 = arith.constant 23 : i32
          %broadcast_in_dim3A_405 = vector.broadcast %broadcast_in_dim3A_404 : i32 to vector<16xi32>
          tpu.vector_store_idx %arg9[%select_n3A_142, %broadcast_in_dim3A_405], %gather3A_403 : memref<65x128xf32, #tpu.memory_space<vmem>>[vector<16xi32>, vector<16xi32>], vector<16xf32>,
          %broadcast_in_dim3A_406 = arith.constant 0 : i32
          %broadcast_in_dim3A_407 = vector.broadcast %broadcast_in_dim3A_406 : i32 to vector<16xi32>
          %add3A_408 = vector.broadcast %rem3A_77 : i32 to vector<16xi32>
          %add3A_409 = arith.addi %broadcast_in_dim3A_407, %add3A_408 : vector<16xi32>
          %broadcast_in_dim3A_410 = arith.constant 3 : i32
          %broadcast_in_dim3A_411 = vector.broadcast %broadcast_in_dim3A_410 : i32 to vector<16xi32>
          %broadcast_in_dim3A_412 = arith.constant 0 : i32
          %broadcast_in_dim3A_413 = vector.broadcast %broadcast_in_dim3A_412 : i32 to vector<16xi32>
          %gather3A_414 = tpu.vector_load_idx %arg8[%add3A_409, %broadcast_in_dim3A_411, %broadcast_in_dim3A_413, %min3A_134] : memref<2x8x8x512xf32, #tpu.memory_space<vmem>>[vector<16xi32>, vector<16xi32>, vector<16xi32>, vector<16xi32>], vector<16xf32>,
          %broadcast_in_dim3A_415 = arith.constant 24 : i32
          %broadcast_in_dim3A_416 = vector.broadcast %broadcast_in_dim3A_415 : i32 to vector<16xi32>
          tpu.vector_store_idx %arg9[%select_n3A_142, %broadcast_in_dim3A_416], %gather3A_414 : memref<65x128xf32, #tpu.memory_space<vmem>>[vector<16xi32>, vector<16xi32>], vector<16xf32>,
          %broadcast_in_dim3A_417 = arith.constant 0 : i32
          %broadcast_in_dim3A_418 = vector.broadcast %broadcast_in_dim3A_417 : i32 to vector<16xi32>
          %add3A_419 = vector.broadcast %rem3A_77 : i32 to vector<16xi32>
          %add3A_420 = arith.addi %broadcast_in_dim3A_418, %add3A_419 : vector<16xi32>
          %broadcast_in_dim3A_421 = arith.constant 3 : i32
          %broadcast_in_dim3A_422 = vector.broadcast %broadcast_in_dim3A_421 : i32 to vector<16xi32>
          %broadcast_in_dim3A_423 = arith.constant 1 : i32
          %broadcast_in_dim3A_424 = vector.broadcast %broadcast_in_dim3A_423 : i32 to vector<16xi32>
          %gather3A_425 = tpu.vector_load_idx %arg8[%add3A_420, %broadcast_in_dim3A_422, %broadcast_in_dim3A_424, %min3A_134] : memref<2x8x8x512xf32, #tpu.memory_space<vmem>>[vector<16xi32>, vector<16xi32>, vector<16xi32>, vector<16xi32>], vector<16xf32>,
          %broadcast_in_dim3A_426 = arith.constant 25 : i32
          %broadcast_in_dim3A_427 = vector.broadcast %broadcast_in_dim3A_426 : i32 to vector<16xi32>
          tpu.vector_store_idx %arg9[%select_n3A_142, %broadcast_in_dim3A_427], %gather3A_425 : memref<65x128xf32, #tpu.memory_space<vmem>>[vector<16xi32>, vector<16xi32>], vector<16xf32>,
          %broadcast_in_dim3A_428 = arith.constant 0 : i32
          %broadcast_in_dim3A_429 = vector.broadcast %broadcast_in_dim3A_428 : i32 to vector<16xi32>
          %add3A_430 = vector.broadcast %rem3A_77 : i32 to vector<16xi32>
          %add3A_431 = arith.addi %broadcast_in_dim3A_429, %add3A_430 : vector<16xi32>
          %broadcast_in_dim3A_432 = arith.constant 3 : i32
          %broadcast_in_dim3A_433 = vector.broadcast %broadcast_in_dim3A_432 : i32 to vector<16xi32>
          %broadcast_in_dim3A_434 = arith.constant 2 : i32
          %broadcast_in_dim3A_435 = vector.broadcast %broadcast_in_dim3A_434 : i32 to vector<16xi32>
          %gather3A_436 = tpu.vector_load_idx %arg8[%add3A_431, %broadcast_in_dim3A_433, %broadcast_in_dim3A_435, %min3A_134] : memref<2x8x8x512xf32, #tpu.memory_space<vmem>>[vector<16xi32>, vector<16xi32>, vector<16xi32>, vector<16xi32>], vector<16xf32>,
          %broadcast_in_dim3A_437 = arith.constant 26 : i32
          %broadcast_in_dim3A_438 = vector.broadcast %broadcast_in_dim3A_437 : i32 to vector<16xi32>
          tpu.vector_store_idx %arg9[%select_n3A_142, %broadcast_in_dim3A_438], %gather3A_436 : memref<65x128xf32, #tpu.memory_space<vmem>>[vector<16xi32>, vector<16xi32>], vector<16xf32>,
          %broadcast_in_dim3A_439 = arith.constant 0 : i32
          %broadcast_in_dim3A_440 = vector.broadcast %broadcast_in_dim3A_439 : i32 to vector<16xi32>
          %add3A_441 = vector.broadcast %rem3A_77 : i32 to vector<16xi32>
          %add3A_442 = arith.addi %broadcast_in_dim3A_440, %add3A_441 : vector<16xi32>
          %broadcast_in_dim3A_443 = arith.constant 3 : i32
          %broadcast_in_dim3A_444 = vector.broadcast %broadcast_in_dim3A_443 : i32 to vector<16xi32>
          %broadcast_in_dim3A_445 = arith.constant 3 : i32
          %broadcast_in_dim3A_446 = vector.broadcast %broadcast_in_dim3A_445 : i32 to vector<16xi32>
          %gather3A_447 = tpu.vector_load_idx %arg8[%add3A_442, %broadcast_in_dim3A_444, %broadcast_in_dim3A_446, %min3A_134] : memref<2x8x8x512xf32, #tpu.memory_space<vmem>>[vector<16xi32>, vector<16xi32>, vector<16xi32>, vector<16xi32>], vector<16xf32>,
          %broadcast_in_dim3A_448 = arith.constant 27 : i32
          %broadcast_in_dim3A_449 = vector.broadcast %broadcast_in_dim3A_448 : i32 to vector<16xi32>
          tpu.vector_store_idx %arg9[%select_n3A_142, %broadcast_in_dim3A_449], %gather3A_447 : memref<65x128xf32, #tpu.memory_space<vmem>>[vector<16xi32>, vector<16xi32>], vector<16xf32>,
          %broadcast_in_dim3A_450 = arith.constant 0 : i32
          %broadcast_in_dim3A_451 = vector.broadcast %broadcast_in_dim3A_450 : i32 to vector<16xi32>
          %add3A_452 = vector.broadcast %rem3A_77 : i32 to vector<16xi32>
          %add3A_453 = arith.addi %broadcast_in_dim3A_451, %add3A_452 : vector<16xi32>
          %broadcast_in_dim3A_454 = arith.constant 3 : i32
          %broadcast_in_dim3A_455 = vector.broadcast %broadcast_in_dim3A_454 : i32 to vector<16xi32>
          %broadcast_in_dim3A_456 = arith.constant 4 : i32
          %broadcast_in_dim3A_457 = vector.broadcast %broadcast_in_dim3A_456 : i32 to vector<16xi32>
          %gather3A_458 = tpu.vector_load_idx %arg8[%add3A_453, %broadcast_in_dim3A_455, %broadcast_in_dim3A_457, %min3A_134] : memref<2x8x8x512xf32, #tpu.memory_space<vmem>>[vector<16xi32>, vector<16xi32>, vector<16xi32>, vector<16xi32>], vector<16xf32>,
          %broadcast_in_dim3A_459 = arith.constant 28 : i32
          %broadcast_in_dim3A_460 = vector.broadcast %broadcast_in_dim3A_459 : i32 to vector<16xi32>
          tpu.vector_store_idx %arg9[%select_n3A_142, %broadcast_in_dim3A_460], %gather3A_458 : memref<65x128xf32, #tpu.memory_space<vmem>>[vector<16xi32>, vector<16xi32>], vector<16xf32>,
          %broadcast_in_dim3A_461 = arith.constant 0 : i32
          %broadcast_in_dim3A_462 = vector.broadcast %broadcast_in_dim3A_461 : i32 to vector<16xi32>
          %add3A_463 = vector.broadcast %rem3A_77 : i32 to vector<16xi32>
          %add3A_464 = arith.addi %broadcast_in_dim3A_462, %add3A_463 : vector<16xi32>
          %broadcast_in_dim3A_465 = arith.constant 3 : i32
          %broadcast_in_dim3A_466 = vector.broadcast %broadcast_in_dim3A_465 : i32 to vector<16xi32>
          %broadcast_in_dim3A_467 = arith.constant 5 : i32
          %broadcast_in_dim3A_468 = vector.broadcast %broadcast_in_dim3A_467 : i32 to vector<16xi32>
          %gather3A_469 = tpu.vector_load_idx %arg8[%add3A_464, %broadcast_in_dim3A_466, %broadcast_in_dim3A_468, %min3A_134] : memref<2x8x8x512xf32, #tpu.memory_space<vmem>>[vector<16xi32>, vector<16xi32>, vector<16xi32>, vector<16xi32>], vector<16xf32>,
          %broadcast_in_dim3A_470 = arith.constant 29 : i32
          %broadcast_in_dim3A_471 = vector.broadcast %broadcast_in_dim3A_470 : i32 to vector<16xi32>
          tpu.vector_store_idx %arg9[%select_n3A_142, %broadcast_in_dim3A_471], %gather3A_469 : memref<65x128xf32, #tpu.memory_space<vmem>>[vector<16xi32>, vector<16xi32>], vector<16xf32>,
          %broadcast_in_dim3A_472 = arith.constant 0 : i32
          %broadcast_in_dim3A_473 = vector.broadcast %broadcast_in_dim3A_472 : i32 to vector<16xi32>
          %add3A_474 = vector.broadcast %rem3A_77 : i32 to vector<16xi32>
          %add3A_475 = arith.addi %broadcast_in_dim3A_473, %add3A_474 : vector<16xi32>
          %broadcast_in_dim3A_476 = arith.constant 3 : i32
          %broadcast_in_dim3A_477 = vector.broadcast %broadcast_in_dim3A_476 : i32 to vector<16xi32>
          %broadcast_in_dim3A_478 = arith.constant 6 : i32
          %broadcast_in_dim3A_479 = vector.broadcast %broadcast_in_dim3A_478 : i32 to vector<16xi32>
          %gather3A_480 = tpu.vector_load_idx %arg8[%add3A_475, %broadcast_in_dim3A_477, %broadcast_in_dim3A_479, %min3A_134] : memref<2x8x8x512xf32, #tpu.memory_space<vmem>>[vector<16xi32>, vector<16xi32>, vector<16xi32>, vector<16xi32>], vector<16xf32>,
          %broadcast_in_dim3A_481 = arith.constant 30 : i32
          %broadcast_in_dim3A_482 = vector.broadcast %broadcast_in_dim3A_481 : i32 to vector<16xi32>
          tpu.vector_store_idx %arg9[%select_n3A_142, %broadcast_in_dim3A_482], %gather3A_480 : memref<65x128xf32, #tpu.memory_space<vmem>>[vector<16xi32>, vector<16xi32>], vector<16xf32>,
          %broadcast_in_dim3A_483 = arith.constant 0 : i32
          %broadcast_in_dim3A_484 = vector.broadcast %broadcast_in_dim3A_483 : i32 to vector<16xi32>
          %add3A_485 = vector.broadcast %rem3A_77 : i32 to vector<16xi32>
          %add3A_486 = arith.addi %broadcast_in_dim3A_484, %add3A_485 : vector<16xi32>
          %broadcast_in_dim3A_487 = arith.constant 3 : i32
          %broadcast_in_dim3A_488 = vector.broadcast %broadcast_in_dim3A_487 : i32 to vector<16xi32>
          %broadcast_in_dim3A_489 = arith.constant 7 : i32
          %broadcast_in_dim3A_490 = vector.broadcast %broadcast_in_dim3A_489 : i32 to vector<16xi32>
          %gather3A_491 = tpu.vector_load_idx %arg8[%add3A_486, %broadcast_in_dim3A_488, %broadcast_in_dim3A_490, %min3A_134] : memref<2x8x8x512xf32, #tpu.memory_space<vmem>>[vector<16xi32>, vector<16xi32>, vector<16xi32>, vector<16xi32>], vector<16xf32>,
          %broadcast_in_dim3A_492 = arith.constant 31 : i32
          %broadcast_in_dim3A_493 = vector.broadcast %broadcast_in_dim3A_492 : i32 to vector<16xi32>
          tpu.vector_store_idx %arg9[%select_n3A_142, %broadcast_in_dim3A_493], %gather3A_491 : memref<65x128xf32, #tpu.memory_space<vmem>>[vector<16xi32>, vector<16xi32>], vector<16xf32>,
          %broadcast_in_dim3A_494 = arith.constant 0 : i32
          %broadcast_in_dim3A_495 = vector.broadcast %broadcast_in_dim3A_494 : i32 to vector<16xi32>
          %add3A_496 = vector.broadcast %rem3A_77 : i32 to vector<16xi32>
          %add3A_497 = arith.addi %broadcast_in_dim3A_495, %add3A_496 : vector<16xi32>
          %broadcast_in_dim3A_498 = arith.constant 4 : i32
          %broadcast_in_dim3A_499 = vector.broadcast %broadcast_in_dim3A_498 : i32 to vector<16xi32>
          %broadcast_in_dim3A_500 = arith.constant 0 : i32
          %broadcast_in_dim3A_501 = vector.broadcast %broadcast_in_dim3A_500 : i32 to vector<16xi32>
          %gather3A_502 = tpu.vector_load_idx %arg8[%add3A_497, %broadcast_in_dim3A_499, %broadcast_in_dim3A_501, %min3A_134] : memref<2x8x8x512xf32, #tpu.memory_space<vmem>>[vector<16xi32>, vector<16xi32>, vector<16xi32>, vector<16xi32>], vector<16xf32>,
          %broadcast_in_dim3A_503 = arith.constant 32 : i32
          %broadcast_in_dim3A_504 = vector.broadcast %broadcast_in_dim3A_503 : i32 to vector<16xi32>
          tpu.vector_store_idx %arg9[%select_n3A_142, %broadcast_in_dim3A_504], %gather3A_502 : memref<65x128xf32, #tpu.memory_space<vmem>>[vector<16xi32>, vector<16xi32>], vector<16xf32>,
          %broadcast_in_dim3A_505 = arith.constant 0 : i32
          %broadcast_in_dim3A_506 = vector.broadcast %broadcast_in_dim3A_505 : i32 to vector<16xi32>
          %add3A_507 = vector.broadcast %rem3A_77 : i32 to vector<16xi32>
          %add3A_508 = arith.addi %broadcast_in_dim3A_506, %add3A_507 : vector<16xi32>
          %broadcast_in_dim3A_509 = arith.constant 4 : i32
          %broadcast_in_dim3A_510 = vector.broadcast %broadcast_in_dim3A_509 : i32 to vector<16xi32>
          %broadcast_in_dim3A_511 = arith.constant 1 : i32
          %broadcast_in_dim3A_512 = vector.broadcast %broadcast_in_dim3A_511 : i32 to vector<16xi32>
          %gather3A_513 = tpu.vector_load_idx %arg8[%add3A_508, %broadcast_in_dim3A_510, %broadcast_in_dim3A_512, %min3A_134] : memref<2x8x8x512xf32, #tpu.memory_space<vmem>>[vector<16xi32>, vector<16xi32>, vector<16xi32>, vector<16xi32>], vector<16xf32>,
          %broadcast_in_dim3A_514 = arith.constant 33 : i32
          %broadcast_in_dim3A_515 = vector.broadcast %broadcast_in_dim3A_514 : i32 to vector<16xi32>
          tpu.vector_store_idx %arg9[%select_n3A_142, %broadcast_in_dim3A_515], %gather3A_513 : memref<65x128xf32, #tpu.memory_space<vmem>>[vector<16xi32>, vector<16xi32>], vector<16xf32>,
          %broadcast_in_dim3A_516 = arith.constant 0 : i32
          %broadcast_in_dim3A_517 = vector.broadcast %broadcast_in_dim3A_516 : i32 to vector<16xi32>
          %add3A_518 = vector.broadcast %rem3A_77 : i32 to vector<16xi32>
          %add3A_519 = arith.addi %broadcast_in_dim3A_517, %add3A_518 : vector<16xi32>
          %broadcast_in_dim3A_520 = arith.constant 4 : i32
          %broadcast_in_dim3A_521 = vector.broadcast %broadcast_in_dim3A_520 : i32 to vector<16xi32>
          %broadcast_in_dim3A_522 = arith.constant 2 : i32
          %broadcast_in_dim3A_523 = vector.broadcast %broadcast_in_dim3A_522 : i32 to vector<16xi32>
          %gather3A_524 = tpu.vector_load_idx %arg8[%add3A_519, %broadcast_in_dim3A_521, %broadcast_in_dim3A_523, %min3A_134] : memref<2x8x8x512xf32, #tpu.memory_space<vmem>>[vector<16xi32>, vector<16xi32>, vector<16xi32>, vector<16xi32>], vector<16xf32>,
          %broadcast_in_dim3A_525 = arith.constant 34 : i32
          %broadcast_in_dim3A_526 = vector.broadcast %broadcast_in_dim3A_525 : i32 to vector<16xi32>
          tpu.vector_store_idx %arg9[%select_n3A_142, %broadcast_in_dim3A_526], %gather3A_524 : memref<65x128xf32, #tpu.memory_space<vmem>>[vector<16xi32>, vector<16xi32>], vector<16xf32>,
          %broadcast_in_dim3A_527 = arith.constant 0 : i32
          %broadcast_in_dim3A_528 = vector.broadcast %broadcast_in_dim3A_527 : i32 to vector<16xi32>
          %add3A_529 = vector.broadcast %rem3A_77 : i32 to vector<16xi32>
          %add3A_530 = arith.addi %broadcast_in_dim3A_528, %add3A_529 : vector<16xi32>
          %broadcast_in_dim3A_531 = arith.constant 4 : i32
          %broadcast_in_dim3A_532 = vector.broadcast %broadcast_in_dim3A_531 : i32 to vector<16xi32>
          %broadcast_in_dim3A_533 = arith.constant 3 : i32
          %broadcast_in_dim3A_534 = vector.broadcast %broadcast_in_dim3A_533 : i32 to vector<16xi32>
          %gather3A_535 = tpu.vector_load_idx %arg8[%add3A_530, %broadcast_in_dim3A_532, %broadcast_in_dim3A_534, %min3A_134] : memref<2x8x8x512xf32, #tpu.memory_space<vmem>>[vector<16xi32>, vector<16xi32>, vector<16xi32>, vector<16xi32>], vector<16xf32>,
          %broadcast_in_dim3A_536 = arith.constant 35 : i32
          %broadcast_in_dim3A_537 = vector.broadcast %broadcast_in_dim3A_536 : i32 to vector<16xi32>
          tpu.vector_store_idx %arg9[%select_n3A_142, %broadcast_in_dim3A_537], %gather3A_535 : memref<65x128xf32, #tpu.memory_space<vmem>>[vector<16xi32>, vector<16xi32>], vector<16xf32>,
          %broadcast_in_dim3A_538 = arith.constant 0 : i32
          %broadcast_in_dim3A_539 = vector.broadcast %broadcast_in_dim3A_538 : i32 to vector<16xi32>
          %add3A_540 = vector.broadcast %rem3A_77 : i32 to vector<16xi32>
          %add3A_541 = arith.addi %broadcast_in_dim3A_539, %add3A_540 : vector<16xi32>
          %broadcast_in_dim3A_542 = arith.constant 4 : i32
          %broadcast_in_dim3A_543 = vector.broadcast %broadcast_in_dim3A_542 : i32 to vector<16xi32>
          %broadcast_in_dim3A_544 = arith.constant 4 : i32
          %broadcast_in_dim3A_545 = vector.broadcast %broadcast_in_dim3A_544 : i32 to vector<16xi32>
          %gather3A_546 = tpu.vector_load_idx %arg8[%add3A_541, %broadcast_in_dim3A_543, %broadcast_in_dim3A_545, %min3A_134] : memref<2x8x8x512xf32, #tpu.memory_space<vmem>>[vector<16xi32>, vector<16xi32>, vector<16xi32>, vector<16xi32>], vector<16xf32>,
          %broadcast_in_dim3A_547 = arith.constant 36 : i32
          %broadcast_in_dim3A_548 = vector.broadcast %broadcast_in_dim3A_547 : i32 to vector<16xi32>
          tpu.vector_store_idx %arg9[%select_n3A_142, %broadcast_in_dim3A_548], %gather3A_546 : memref<65x128xf32, #tpu.memory_space<vmem>>[vector<16xi32>, vector<16xi32>], vector<16xf32>,
          %broadcast_in_dim3A_549 = arith.constant 0 : i32
          %broadcast_in_dim3A_550 = vector.broadcast %broadcast_in_dim3A_549 : i32 to vector<16xi32>
          %add3A_551 = vector.broadcast %rem3A_77 : i32 to vector<16xi32>
          %add3A_552 = arith.addi %broadcast_in_dim3A_550, %add3A_551 : vector<16xi32>
          %broadcast_in_dim3A_553 = arith.constant 4 : i32
          %broadcast_in_dim3A_554 = vector.broadcast %broadcast_in_dim3A_553 : i32 to vector<16xi32>
          %broadcast_in_dim3A_555 = arith.constant 5 : i32
          %broadcast_in_dim3A_556 = vector.broadcast %broadcast_in_dim3A_555 : i32 to vector<16xi32>
          %gather3A_557 = tpu.vector_load_idx %arg8[%add3A_552, %broadcast_in_dim3A_554, %broadcast_in_dim3A_556, %min3A_134] : memref<2x8x8x512xf32, #tpu.memory_space<vmem>>[vector<16xi32>, vector<16xi32>, vector<16xi32>, vector<16xi32>], vector<16xf32>,
          %broadcast_in_dim3A_558 = arith.constant 37 : i32
          %broadcast_in_dim3A_559 = vector.broadcast %broadcast_in_dim3A_558 : i32 to vector<16xi32>
          tpu.vector_store_idx %arg9[%select_n3A_142, %broadcast_in_dim3A_559], %gather3A_557 : memref<65x128xf32, #tpu.memory_space<vmem>>[vector<16xi32>, vector<16xi32>], vector<16xf32>,
          %broadcast_in_dim3A_560 = arith.constant 0 : i32
          %broadcast_in_dim3A_561 = vector.broadcast %broadcast_in_dim3A_560 : i32 to vector<16xi32>
          %add3A_562 = vector.broadcast %rem3A_77 : i32 to vector<16xi32>
          %add3A_563 = arith.addi %broadcast_in_dim3A_561, %add3A_562 : vector<16xi32>
          %broadcast_in_dim3A_564 = arith.constant 4 : i32
          %broadcast_in_dim3A_565 = vector.broadcast %broadcast_in_dim3A_564 : i32 to vector<16xi32>
          %broadcast_in_dim3A_566 = arith.constant 6 : i32
          %broadcast_in_dim3A_567 = vector.broadcast %broadcast_in_dim3A_566 : i32 to vector<16xi32>
          %gather3A_568 = tpu.vector_load_idx %arg8[%add3A_563, %broadcast_in_dim3A_565, %broadcast_in_dim3A_567, %min3A_134] : memref<2x8x8x512xf32, #tpu.memory_space<vmem>>[vector<16xi32>, vector<16xi32>, vector<16xi32>, vector<16xi32>], vector<16xf32>,
          %broadcast_in_dim3A_569 = arith.constant 38 : i32
          %broadcast_in_dim3A_570 = vector.broadcast %broadcast_in_dim3A_569 : i32 to vector<16xi32>
          tpu.vector_store_idx %arg9[%select_n3A_142, %broadcast_in_dim3A_570], %gather3A_568 : memref<65x128xf32, #tpu.memory_space<vmem>>[vector<16xi32>, vector<16xi32>], vector<16xf32>,
          %broadcast_in_dim3A_571 = arith.constant 0 : i32
          %broadcast_in_dim3A_572 = vector.broadcast %broadcast_in_dim3A_571 : i32 to vector<16xi32>
          %add3A_573 = vector.broadcast %rem3A_77 : i32 to vector<16xi32>
          %add3A_574 = arith.addi %broadcast_in_dim3A_572, %add3A_573 : vector<16xi32>
          %broadcast_in_dim3A_575 = arith.constant 4 : i32
          %broadcast_in_dim3A_576 = vector.broadcast %broadcast_in_dim3A_575 : i32 to vector<16xi32>
          %broadcast_in_dim3A_577 = arith.constant 7 : i32
          %broadcast_in_dim3A_578 = vector.broadcast %broadcast_in_dim3A_577 : i32 to vector<16xi32>
          %gather3A_579 = tpu.vector_load_idx %arg8[%add3A_574, %broadcast_in_dim3A_576, %broadcast_in_dim3A_578, %min3A_134] : memref<2x8x8x512xf32, #tpu.memory_space<vmem>>[vector<16xi32>, vector<16xi32>, vector<16xi32>, vector<16xi32>], vector<16xf32>,
          %broadcast_in_dim3A_580 = arith.constant 39 : i32
          %broadcast_in_dim3A_581 = vector.broadcast %broadcast_in_dim3A_580 : i32 to vector<16xi32>
          tpu.vector_store_idx %arg9[%select_n3A_142, %broadcast_in_dim3A_581], %gather3A_579 : memref<65x128xf32, #tpu.memory_space<vmem>>[vector<16xi32>, vector<16xi32>], vector<16xf32>,
          %broadcast_in_dim3A_582 = arith.constant 0 : i32
          %broadcast_in_dim3A_583 = vector.broadcast %broadcast_in_dim3A_582 : i32 to vector<16xi32>
          %add3A_584 = vector.broadcast %rem3A_77 : i32 to vector<16xi32>
          %add3A_585 = arith.addi %broadcast_in_dim3A_583, %add3A_584 : vector<16xi32>
          %broadcast_in_dim3A_586 = arith.constant 5 : i32
          %broadcast_in_dim3A_587 = vector.broadcast %broadcast_in_dim3A_586 : i32 to vector<16xi32>
          %broadcast_in_dim3A_588 = arith.constant 0 : i32
          %broadcast_in_dim3A_589 = vector.broadcast %broadcast_in_dim3A_588 : i32 to vector<16xi32>
          %gather3A_590 = tpu.vector_load_idx %arg8[%add3A_585, %broadcast_in_dim3A_587, %broadcast_in_dim3A_589, %min3A_134] : memref<2x8x8x512xf32, #tpu.memory_space<vmem>>[vector<16xi32>, vector<16xi32>, vector<16xi32>, vector<16xi32>], vector<16xf32>,
          %broadcast_in_dim3A_591 = arith.constant 40 : i32
          %broadcast_in_dim3A_592 = vector.broadcast %broadcast_in_dim3A_591 : i32 to vector<16xi32>
          tpu.vector_store_idx %arg9[%select_n3A_142, %broadcast_in_dim3A_592], %gather3A_590 : memref<65x128xf32, #tpu.memory_space<vmem>>[vector<16xi32>, vector<16xi32>], vector<16xf32>,
          %broadcast_in_dim3A_593 = arith.constant 0 : i32
          %broadcast_in_dim3A_594 = vector.broadcast %broadcast_in_dim3A_593 : i32 to vector<16xi32>
          %add3A_595 = vector.broadcast %rem3A_77 : i32 to vector<16xi32>
          %add3A_596 = arith.addi %broadcast_in_dim3A_594, %add3A_595 : vector<16xi32>
          %broadcast_in_dim3A_597 = arith.constant 5 : i32
          %broadcast_in_dim3A_598 = vector.broadcast %broadcast_in_dim3A_597 : i32 to vector<16xi32>
          %broadcast_in_dim3A_599 = arith.constant 1 : i32
          %broadcast_in_dim3A_600 = vector.broadcast %broadcast_in_dim3A_599 : i32 to vector<16xi32>
          %gather3A_601 = tpu.vector_load_idx %arg8[%add3A_596, %broadcast_in_dim3A_598, %broadcast_in_dim3A_600, %min3A_134] : memref<2x8x8x512xf32, #tpu.memory_space<vmem>>[vector<16xi32>, vector<16xi32>, vector<16xi32>, vector<16xi32>], vector<16xf32>,
          %broadcast_in_dim3A_602 = arith.constant 41 : i32
          %broadcast_in_dim3A_603 = vector.broadcast %broadcast_in_dim3A_602 : i32 to vector<16xi32>
          tpu.vector_store_idx %arg9[%select_n3A_142, %broadcast_in_dim3A_603], %gather3A_601 : memref<65x128xf32, #tpu.memory_space<vmem>>[vector<16xi32>, vector<16xi32>], vector<16xf32>,
          %broadcast_in_dim3A_604 = arith.constant 0 : i32
          %broadcast_in_dim3A_605 = vector.broadcast %broadcast_in_dim3A_604 : i32 to vector<16xi32>
          %add3A_606 = vector.broadcast %rem3A_77 : i32 to vector<16xi32>
          %add3A_607 = arith.addi %broadcast_in_dim3A_605, %add3A_606 : vector<16xi32>
          %broadcast_in_dim3A_608 = arith.constant 5 : i32
          %broadcast_in_dim3A_609 = vector.broadcast %broadcast_in_dim3A_608 : i32 to vector<16xi32>
          %broadcast_in_dim3A_610 = arith.constant 2 : i32
          %broadcast_in_dim3A_611 = vector.broadcast %broadcast_in_dim3A_610 : i32 to vector<16xi32>
          %gather3A_612 = tpu.vector_load_idx %arg8[%add3A_607, %broadcast_in_dim3A_609, %broadcast_in_dim3A_611, %min3A_134] : memref<2x8x8x512xf32, #tpu.memory_space<vmem>>[vector<16xi32>, vector<16xi32>, vector<16xi32>, vector<16xi32>], vector<16xf32>,
          %broadcast_in_dim3A_613 = arith.constant 42 : i32
          %broadcast_in_dim3A_614 = vector.broadcast %broadcast_in_dim3A_613 : i32 to vector<16xi32>
          tpu.vector_store_idx %arg9[%select_n3A_142, %broadcast_in_dim3A_614], %gather3A_612 : memref<65x128xf32, #tpu.memory_space<vmem>>[vector<16xi32>, vector<16xi32>], vector<16xf32>,
          %broadcast_in_dim3A_615 = arith.constant 0 : i32
          %broadcast_in_dim3A_616 = vector.broadcast %broadcast_in_dim3A_615 : i32 to vector<16xi32>
          %add3A_617 = vector.broadcast %rem3A_77 : i32 to vector<16xi32>
          %add3A_618 = arith.addi %broadcast_in_dim3A_616, %add3A_617 : vector<16xi32>
          %broadcast_in_dim3A_619 = arith.constant 5 : i32
          %broadcast_in_dim3A_620 = vector.broadcast %broadcast_in_dim3A_619 : i32 to vector<16xi32>
          %broadcast_in_dim3A_621 = arith.constant 3 : i32
          %broadcast_in_dim3A_622 = vector.broadcast %broadcast_in_dim3A_621 : i32 to vector<16xi32>
          %gather3A_623 = tpu.vector_load_idx %arg8[%add3A_618, %broadcast_in_dim3A_620, %broadcast_in_dim3A_622, %min3A_134] : memref<2x8x8x512xf32, #tpu.memory_space<vmem>>[vector<16xi32>, vector<16xi32>, vector<16xi32>, vector<16xi32>], vector<16xf32>,
          %broadcast_in_dim3A_624 = arith.constant 43 : i32
          %broadcast_in_dim3A_625 = vector.broadcast %broadcast_in_dim3A_624 : i32 to vector<16xi32>
          tpu.vector_store_idx %arg9[%select_n3A_142, %broadcast_in_dim3A_625], %gather3A_623 : memref<65x128xf32, #tpu.memory_space<vmem>>[vector<16xi32>, vector<16xi32>], vector<16xf32>,
          %broadcast_in_dim3A_626 = arith.constant 0 : i32
          %broadcast_in_dim3A_627 = vector.broadcast %broadcast_in_dim3A_626 : i32 to vector<16xi32>
          %add3A_628 = vector.broadcast %rem3A_77 : i32 to vector<16xi32>
          %add3A_629 = arith.addi %broadcast_in_dim3A_627, %add3A_628 : vector<16xi32>
          %broadcast_in_dim3A_630 = arith.constant 5 : i32
          %broadcast_in_dim3A_631 = vector.broadcast %broadcast_in_dim3A_630 : i32 to vector<16xi32>
          %broadcast_in_dim3A_632 = arith.constant 4 : i32
          %broadcast_in_dim3A_633 = vector.broadcast %broadcast_in_dim3A_632 : i32 to vector<16xi32>
          %gather3A_634 = tpu.vector_load_idx %arg8[%add3A_629, %broadcast_in_dim3A_631, %broadcast_in_dim3A_633, %min3A_134] : memref<2x8x8x512xf32, #tpu.memory_space<vmem>>[vector<16xi32>, vector<16xi32>, vector<16xi32>, vector<16xi32>], vector<16xf32>,
          %broadcast_in_dim3A_635 = arith.constant 44 : i32
          %broadcast_in_dim3A_636 = vector.broadcast %broadcast_in_dim3A_635 : i32 to vector<16xi32>
          tpu.vector_store_idx %arg9[%select_n3A_142, %broadcast_in_dim3A_636], %gather3A_634 : memref<65x128xf32, #tpu.memory_space<vmem>>[vector<16xi32>, vector<16xi32>], vector<16xf32>,
          %broadcast_in_dim3A_637 = arith.constant 0 : i32
          %broadcast_in_dim3A_638 = vector.broadcast %broadcast_in_dim3A_637 : i32 to vector<16xi32>
          %add3A_639 = vector.broadcast %rem3A_77 : i32 to vector<16xi32>
          %add3A_640 = arith.addi %broadcast_in_dim3A_638, %add3A_639 : vector<16xi32>
          %broadcast_in_dim3A_641 = arith.constant 5 : i32
          %broadcast_in_dim3A_642 = vector.broadcast %broadcast_in_dim3A_641 : i32 to vector<16xi32>
          %broadcast_in_dim3A_643 = arith.constant 5 : i32
          %broadcast_in_dim3A_644 = vector.broadcast %broadcast_in_dim3A_643 : i32 to vector<16xi32>
          %gather3A_645 = tpu.vector_load_idx %arg8[%add3A_640, %broadcast_in_dim3A_642, %broadcast_in_dim3A_644, %min3A_134] : memref<2x8x8x512xf32, #tpu.memory_space<vmem>>[vector<16xi32>, vector<16xi32>, vector<16xi32>, vector<16xi32>], vector<16xf32>,
          %broadcast_in_dim3A_646 = arith.constant 45 : i32
          %broadcast_in_dim3A_647 = vector.broadcast %broadcast_in_dim3A_646 : i32 to vector<16xi32>
          tpu.vector_store_idx %arg9[%select_n3A_142, %broadcast_in_dim3A_647], %gather3A_645 : memref<65x128xf32, #tpu.memory_space<vmem>>[vector<16xi32>, vector<16xi32>], vector<16xf32>,
          %broadcast_in_dim3A_648 = arith.constant 0 : i32
          %broadcast_in_dim3A_649 = vector.broadcast %broadcast_in_dim3A_648 : i32 to vector<16xi32>
          %add3A_650 = vector.broadcast %rem3A_77 : i32 to vector<16xi32>
          %add3A_651 = arith.addi %broadcast_in_dim3A_649, %add3A_650 : vector<16xi32>
          %broadcast_in_dim3A_652 = arith.constant 5 : i32
          %broadcast_in_dim3A_653 = vector.broadcast %broadcast_in_dim3A_652 : i32 to vector<16xi32>
          %broadcast_in_dim3A_654 = arith.constant 6 : i32
          %broadcast_in_dim3A_655 = vector.broadcast %broadcast_in_dim3A_654 : i32 to vector<16xi32>
          %gather3A_656 = tpu.vector_load_idx %arg8[%add3A_651, %broadcast_in_dim3A_653, %broadcast_in_dim3A_655, %min3A_134] : memref<2x8x8x512xf32, #tpu.memory_space<vmem>>[vector<16xi32>, vector<16xi32>, vector<16xi32>, vector<16xi32>], vector<16xf32>,
          %broadcast_in_dim3A_657 = arith.constant 46 : i32
          %broadcast_in_dim3A_658 = vector.broadcast %broadcast_in_dim3A_657 : i32 to vector<16xi32>
          tpu.vector_store_idx %arg9[%select_n3A_142, %broadcast_in_dim3A_658], %gather3A_656 : memref<65x128xf32, #tpu.memory_space<vmem>>[vector<16xi32>, vector<16xi32>], vector<16xf32>,
          %broadcast_in_dim3A_659 = arith.constant 0 : i32
          %broadcast_in_dim3A_660 = vector.broadcast %broadcast_in_dim3A_659 : i32 to vector<16xi32>
          %add3A_661 = vector.broadcast %rem3A_77 : i32 to vector<16xi32>
          %add3A_662 = arith.addi %broadcast_in_dim3A_660, %add3A_661 : vector<16xi32>
          %broadcast_in_dim3A_663 = arith.constant 5 : i32
          %broadcast_in_dim3A_664 = vector.broadcast %broadcast_in_dim3A_663 : i32 to vector<16xi32>
          %broadcast_in_dim3A_665 = arith.constant 7 : i32
          %broadcast_in_dim3A_666 = vector.broadcast %broadcast_in_dim3A_665 : i32 to vector<16xi32>
          %gather3A_667 = tpu.vector_load_idx %arg8[%add3A_662, %broadcast_in_dim3A_664, %broadcast_in_dim3A_666, %min3A_134] : memref<2x8x8x512xf32, #tpu.memory_space<vmem>>[vector<16xi32>, vector<16xi32>, vector<16xi32>, vector<16xi32>], vector<16xf32>,
          %broadcast_in_dim3A_668 = arith.constant 47 : i32
          %broadcast_in_dim3A_669 = vector.broadcast %broadcast_in_dim3A_668 : i32 to vector<16xi32>
          tpu.vector_store_idx %arg9[%select_n3A_142, %broadcast_in_dim3A_669], %gather3A_667 : memref<65x128xf32, #tpu.memory_space<vmem>>[vector<16xi32>, vector<16xi32>], vector<16xf32>,
          %broadcast_in_dim3A_670 = arith.constant 0 : i32
          %broadcast_in_dim3A_671 = vector.broadcast %broadcast_in_dim3A_670 : i32 to vector<16xi32>
          %add3A_672 = vector.broadcast %rem3A_77 : i32 to vector<16xi32>
          %add3A_673 = arith.addi %broadcast_in_dim3A_671, %add3A_672 : vector<16xi32>
          %broadcast_in_dim3A_674 = arith.constant 6 : i32
          %broadcast_in_dim3A_675 = vector.broadcast %broadcast_in_dim3A_674 : i32 to vector<16xi32>
          %broadcast_in_dim3A_676 = arith.constant 0 : i32
          %broadcast_in_dim3A_677 = vector.broadcast %broadcast_in_dim3A_676 : i32 to vector<16xi32>
          %gather3A_678 = tpu.vector_load_idx %arg8[%add3A_673, %broadcast_in_dim3A_675, %broadcast_in_dim3A_677, %min3A_134] : memref<2x8x8x512xf32, #tpu.memory_space<vmem>>[vector<16xi32>, vector<16xi32>, vector<16xi32>, vector<16xi32>], vector<16xf32>,
          %broadcast_in_dim3A_679 = arith.constant 48 : i32
          %broadcast_in_dim3A_680 = vector.broadcast %broadcast_in_dim3A_679 : i32 to vector<16xi32>
          tpu.vector_store_idx %arg9[%select_n3A_142, %broadcast_in_dim3A_680], %gather3A_678 : memref<65x128xf32, #tpu.memory_space<vmem>>[vector<16xi32>, vector<16xi32>], vector<16xf32>,
          %broadcast_in_dim3A_681 = arith.constant 0 : i32
          %broadcast_in_dim3A_682 = vector.broadcast %broadcast_in_dim3A_681 : i32 to vector<16xi32>
          %add3A_683 = vector.broadcast %rem3A_77 : i32 to vector<16xi32>
          %add3A_684 = arith.addi %broadcast_in_dim3A_682, %add3A_683 : vector<16xi32>
          %broadcast_in_dim3A_685 = arith.constant 6 : i32
          %broadcast_in_dim3A_686 = vector.broadcast %broadcast_in_dim3A_685 : i32 to vector<16xi32>
          %broadcast_in_dim3A_687 = arith.constant 1 : i32
          %broadcast_in_dim3A_688 = vector.broadcast %broadcast_in_dim3A_687 : i32 to vector<16xi32>
          %gather3A_689 = tpu.vector_load_idx %arg8[%add3A_684, %broadcast_in_dim3A_686, %broadcast_in_dim3A_688, %min3A_134] : memref<2x8x8x512xf32, #tpu.memory_space<vmem>>[vector<16xi32>, vector<16xi32>, vector<16xi32>, vector<16xi32>], vector<16xf32>,
          %broadcast_in_dim3A_690 = arith.constant 49 : i32
          %broadcast_in_dim3A_691 = vector.broadcast %broadcast_in_dim3A_690 : i32 to vector<16xi32>
          tpu.vector_store_idx %arg9[%select_n3A_142, %broadcast_in_dim3A_691], %gather3A_689 : memref<65x128xf32, #tpu.memory_space<vmem>>[vector<16xi32>, vector<16xi32>], vector<16xf32>,
          %broadcast_in_dim3A_692 = arith.constant 0 : i32
          %broadcast_in_dim3A_693 = vector.broadcast %broadcast_in_dim3A_692 : i32 to vector<16xi32>
          %add3A_694 = vector.broadcast %rem3A_77 : i32 to vector<16xi32>
          %add3A_695 = arith.addi %broadcast_in_dim3A_693, %add3A_694 : vector<16xi32>
          %broadcast_in_dim3A_696 = arith.constant 6 : i32
          %broadcast_in_dim3A_697 = vector.broadcast %broadcast_in_dim3A_696 : i32 to vector<16xi32>
          %broadcast_in_dim3A_698 = arith.constant 2 : i32
          %broadcast_in_dim3A_699 = vector.broadcast %broadcast_in_dim3A_698 : i32 to vector<16xi32>
          %gather3A_700 = tpu.vector_load_idx %arg8[%add3A_695, %broadcast_in_dim3A_697, %broadcast_in_dim3A_699, %min3A_134] : memref<2x8x8x512xf32, #tpu.memory_space<vmem>>[vector<16xi32>, vector<16xi32>, vector<16xi32>, vector<16xi32>], vector<16xf32>,
          %broadcast_in_dim3A_701 = arith.constant 50 : i32
          %broadcast_in_dim3A_702 = vector.broadcast %broadcast_in_dim3A_701 : i32 to vector<16xi32>
          tpu.vector_store_idx %arg9[%select_n3A_142, %broadcast_in_dim3A_702], %gather3A_700 : memref<65x128xf32, #tpu.memory_space<vmem>>[vector<16xi32>, vector<16xi32>], vector<16xf32>,
          %broadcast_in_dim3A_703 = arith.constant 0 : i32
          %broadcast_in_dim3A_704 = vector.broadcast %broadcast_in_dim3A_703 : i32 to vector<16xi32>
          %add3A_705 = vector.broadcast %rem3A_77 : i32 to vector<16xi32>
          %add3A_706 = arith.addi %broadcast_in_dim3A_704, %add3A_705 : vector<16xi32>
          %broadcast_in_dim3A_707 = arith.constant 6 : i32
          %broadcast_in_dim3A_708 = vector.broadcast %broadcast_in_dim3A_707 : i32 to vector<16xi32>
          %broadcast_in_dim3A_709 = arith.constant 3 : i32
          %broadcast_in_dim3A_710 = vector.broadcast %broadcast_in_dim3A_709 : i32 to vector<16xi32>
          %gather3A_711 = tpu.vector_load_idx %arg8[%add3A_706, %broadcast_in_dim3A_708, %broadcast_in_dim3A_710, %min3A_134] : memref<2x8x8x512xf32, #tpu.memory_space<vmem>>[vector<16xi32>, vector<16xi32>, vector<16xi32>, vector<16xi32>], vector<16xf32>,
          %broadcast_in_dim3A_712 = arith.constant 51 : i32
          %broadcast_in_dim3A_713 = vector.broadcast %broadcast_in_dim3A_712 : i32 to vector<16xi32>
          tpu.vector_store_idx %arg9[%select_n3A_142, %broadcast_in_dim3A_713], %gather3A_711 : memref<65x128xf32, #tpu.memory_space<vmem>>[vector<16xi32>, vector<16xi32>], vector<16xf32>,
          %broadcast_in_dim3A_714 = arith.constant 0 : i32
          %broadcast_in_dim3A_715 = vector.broadcast %broadcast_in_dim3A_714 : i32 to vector<16xi32>
          %add3A_716 = vector.broadcast %rem3A_77 : i32 to vector<16xi32>
          %add3A_717 = arith.addi %broadcast_in_dim3A_715, %add3A_716 : vector<16xi32>
          %broadcast_in_dim3A_718 = arith.constant 6 : i32
          %broadcast_in_dim3A_719 = vector.broadcast %broadcast_in_dim3A_718 : i32 to vector<16xi32>
          %broadcast_in_dim3A_720 = arith.constant 4 : i32
          %broadcast_in_dim3A_721 = vector.broadcast %broadcast_in_dim3A_720 : i32 to vector<16xi32>
          %gather3A_722 = tpu.vector_load_idx %arg8[%add3A_717, %broadcast_in_dim3A_719, %broadcast_in_dim3A_721, %min3A_134] : memref<2x8x8x512xf32, #tpu.memory_space<vmem>>[vector<16xi32>, vector<16xi32>, vector<16xi32>, vector<16xi32>], vector<16xf32>,
          %broadcast_in_dim3A_723 = arith.constant 52 : i32
          %broadcast_in_dim3A_724 = vector.broadcast %broadcast_in_dim3A_723 : i32 to vector<16xi32>
          tpu.vector_store_idx %arg9[%select_n3A_142, %broadcast_in_dim3A_724], %gather3A_722 : memref<65x128xf32, #tpu.memory_space<vmem>>[vector<16xi32>, vector<16xi32>], vector<16xf32>,
          %broadcast_in_dim3A_725 = arith.constant 0 : i32
          %broadcast_in_dim3A_726 = vector.broadcast %broadcast_in_dim3A_725 : i32 to vector<16xi32>
          %add3A_727 = vector.broadcast %rem3A_77 : i32 to vector<16xi32>
          %add3A_728 = arith.addi %broadcast_in_dim3A_726, %add3A_727 : vector<16xi32>
          %broadcast_in_dim3A_729 = arith.constant 6 : i32
          %broadcast_in_dim3A_730 = vector.broadcast %broadcast_in_dim3A_729 : i32 to vector<16xi32>
          %broadcast_in_dim3A_731 = arith.constant 5 : i32
          %broadcast_in_dim3A_732 = vector.broadcast %broadcast_in_dim3A_731 : i32 to vector<16xi32>
          %gather3A_733 = tpu.vector_load_idx %arg8[%add3A_728, %broadcast_in_dim3A_730, %broadcast_in_dim3A_732, %min3A_134] : memref<2x8x8x512xf32, #tpu.memory_space<vmem>>[vector<16xi32>, vector<16xi32>, vector<16xi32>, vector<16xi32>], vector<16xf32>,
          %broadcast_in_dim3A_734 = arith.constant 53 : i32
          %broadcast_in_dim3A_735 = vector.broadcast %broadcast_in_dim3A_734 : i32 to vector<16xi32>
          tpu.vector_store_idx %arg9[%select_n3A_142, %broadcast_in_dim3A_735], %gather3A_733 : memref<65x128xf32, #tpu.memory_space<vmem>>[vector<16xi32>, vector<16xi32>], vector<16xf32>,
          %broadcast_in_dim3A_736 = arith.constant 0 : i32
          %broadcast_in_dim3A_737 = vector.broadcast %broadcast_in_dim3A_736 : i32 to vector<16xi32>
          %add3A_738 = vector.broadcast %rem3A_77 : i32 to vector<16xi32>
          %add3A_739 = arith.addi %broadcast_in_dim3A_737, %add3A_738 : vector<16xi32>
          %broadcast_in_dim3A_740 = arith.constant 6 : i32
          %broadcast_in_dim3A_741 = vector.broadcast %broadcast_in_dim3A_740 : i32 to vector<16xi32>
          %broadcast_in_dim3A_742 = arith.constant 6 : i32
          %broadcast_in_dim3A_743 = vector.broadcast %broadcast_in_dim3A_742 : i32 to vector<16xi32>
          %gather3A_744 = tpu.vector_load_idx %arg8[%add3A_739, %broadcast_in_dim3A_741, %broadcast_in_dim3A_743, %min3A_134] : memref<2x8x8x512xf32, #tpu.memory_space<vmem>>[vector<16xi32>, vector<16xi32>, vector<16xi32>, vector<16xi32>], vector<16xf32>,
          %broadcast_in_dim3A_745 = arith.constant 54 : i32
          %broadcast_in_dim3A_746 = vector.broadcast %broadcast_in_dim3A_745 : i32 to vector<16xi32>
          tpu.vector_store_idx %arg9[%select_n3A_142, %broadcast_in_dim3A_746], %gather3A_744 : memref<65x128xf32, #tpu.memory_space<vmem>>[vector<16xi32>, vector<16xi32>], vector<16xf32>,
          %broadcast_in_dim3A_747 = arith.constant 0 : i32
          %broadcast_in_dim3A_748 = vector.broadcast %broadcast_in_dim3A_747 : i32 to vector<16xi32>
          %add3A_749 = vector.broadcast %rem3A_77 : i32 to vector<16xi32>
          %add3A_750 = arith.addi %broadcast_in_dim3A_748, %add3A_749 : vector<16xi32>
          %broadcast_in_dim3A_751 = arith.constant 6 : i32
          %broadcast_in_dim3A_752 = vector.broadcast %broadcast_in_dim3A_751 : i32 to vector<16xi32>
          %broadcast_in_dim3A_753 = arith.constant 7 : i32
          %broadcast_in_dim3A_754 = vector.broadcast %broadcast_in_dim3A_753 : i32 to vector<16xi32>
          %gather3A_755 = tpu.vector_load_idx %arg8[%add3A_750, %broadcast_in_dim3A_752, %broadcast_in_dim3A_754, %min3A_134] : memref<2x8x8x512xf32, #tpu.memory_space<vmem>>[vector<16xi32>, vector<16xi32>, vector<16xi32>, vector<16xi32>], vector<16xf32>,
          %broadcast_in_dim3A_756 = arith.constant 55 : i32
          %broadcast_in_dim3A_757 = vector.broadcast %broadcast_in_dim3A_756 : i32 to vector<16xi32>
          tpu.vector_store_idx %arg9[%select_n3A_142, %broadcast_in_dim3A_757], %gather3A_755 : memref<65x128xf32, #tpu.memory_space<vmem>>[vector<16xi32>, vector<16xi32>], vector<16xf32>,
          %broadcast_in_dim3A_758 = arith.constant 0 : i32
          %broadcast_in_dim3A_759 = vector.broadcast %broadcast_in_dim3A_758 : i32 to vector<16xi32>
          %add3A_760 = vector.broadcast %rem3A_77 : i32 to vector<16xi32>
          %add3A_761 = arith.addi %broadcast_in_dim3A_759, %add3A_760 : vector<16xi32>
          %broadcast_in_dim3A_762 = arith.constant 7 : i32
          %broadcast_in_dim3A_763 = vector.broadcast %broadcast_in_dim3A_762 : i32 to vector<16xi32>
          %broadcast_in_dim3A_764 = arith.constant 0 : i32
          %broadcast_in_dim3A_765 = vector.broadcast %broadcast_in_dim3A_764 : i32 to vector<16xi32>
          %gather3A_766 = tpu.vector_load_idx %arg8[%add3A_761, %broadcast_in_dim3A_763, %broadcast_in_dim3A_765, %min3A_134] : memref<2x8x8x512xf32, #tpu.memory_space<vmem>>[vector<16xi32>, vector<16xi32>, vector<16xi32>, vector<16xi32>], vector<16xf32>,
          %broadcast_in_dim3A_767 = arith.constant 56 : i32
          %broadcast_in_dim3A_768 = vector.broadcast %broadcast_in_dim3A_767 : i32 to vector<16xi32>
          tpu.vector_store_idx %arg9[%select_n3A_142, %broadcast_in_dim3A_768], %gather3A_766 : memref<65x128xf32, #tpu.memory_space<vmem>>[vector<16xi32>, vector<16xi32>], vector<16xf32>,
          %broadcast_in_dim3A_769 = arith.constant 0 : i32
          %broadcast_in_dim3A_770 = vector.broadcast %broadcast_in_dim3A_769 : i32 to vector<16xi32>
          %add3A_771 = vector.broadcast %rem3A_77 : i32 to vector<16xi32>
          %add3A_772 = arith.addi %broadcast_in_dim3A_770, %add3A_771 : vector<16xi32>
          %broadcast_in_dim3A_773 = arith.constant 7 : i32
          %broadcast_in_dim3A_774 = vector.broadcast %broadcast_in_dim3A_773 : i32 to vector<16xi32>
          %broadcast_in_dim3A_775 = arith.constant 1 : i32
          %broadcast_in_dim3A_776 = vector.broadcast %broadcast_in_dim3A_775 : i32 to vector<16xi32>
          %gather3A_777 = tpu.vector_load_idx %arg8[%add3A_772, %broadcast_in_dim3A_774, %broadcast_in_dim3A_776, %min3A_134] : memref<2x8x8x512xf32, #tpu.memory_space<vmem>>[vector<16xi32>, vector<16xi32>, vector<16xi32>, vector<16xi32>], vector<16xf32>,
          %broadcast_in_dim3A_778 = arith.constant 57 : i32
          %broadcast_in_dim3A_779 = vector.broadcast %broadcast_in_dim3A_778 : i32 to vector<16xi32>
          tpu.vector_store_idx %arg9[%select_n3A_142, %broadcast_in_dim3A_779], %gather3A_777 : memref<65x128xf32, #tpu.memory_space<vmem>>[vector<16xi32>, vector<16xi32>], vector<16xf32>,
          %broadcast_in_dim3A_780 = arith.constant 0 : i32
          %broadcast_in_dim3A_781 = vector.broadcast %broadcast_in_dim3A_780 : i32 to vector<16xi32>
          %add3A_782 = vector.broadcast %rem3A_77 : i32 to vector<16xi32>
          %add3A_783 = arith.addi %broadcast_in_dim3A_781, %add3A_782 : vector<16xi32>
          %broadcast_in_dim3A_784 = arith.constant 7 : i32
          %broadcast_in_dim3A_785 = vector.broadcast %broadcast_in_dim3A_784 : i32 to vector<16xi32>
          %broadcast_in_dim3A_786 = arith.constant 2 : i32
          %broadcast_in_dim3A_787 = vector.broadcast %broadcast_in_dim3A_786 : i32 to vector<16xi32>
          %gather3A_788 = tpu.vector_load_idx %arg8[%add3A_783, %broadcast_in_dim3A_785, %broadcast_in_dim3A_787, %min3A_134] : memref<2x8x8x512xf32, #tpu.memory_space<vmem>>[vector<16xi32>, vector<16xi32>, vector<16xi32>, vector<16xi32>], vector<16xf32>,
          %broadcast_in_dim3A_789 = arith.constant 58 : i32
          %broadcast_in_dim3A_790 = vector.broadcast %broadcast_in_dim3A_789 : i32 to vector<16xi32>
          tpu.vector_store_idx %arg9[%select_n3A_142, %broadcast_in_dim3A_790], %gather3A_788 : memref<65x128xf32, #tpu.memory_space<vmem>>[vector<16xi32>, vector<16xi32>], vector<16xf32>,
          %broadcast_in_dim3A_791 = arith.constant 0 : i32
          %broadcast_in_dim3A_792 = vector.broadcast %broadcast_in_dim3A_791 : i32 to vector<16xi32>
          %add3A_793 = vector.broadcast %rem3A_77 : i32 to vector<16xi32>
          %add3A_794 = arith.addi %broadcast_in_dim3A_792, %add3A_793 : vector<16xi32>
          %broadcast_in_dim3A_795 = arith.constant 7 : i32
          %broadcast_in_dim3A_796 = vector.broadcast %broadcast_in_dim3A_795 : i32 to vector<16xi32>
          %broadcast_in_dim3A_797 = arith.constant 3 : i32
          %broadcast_in_dim3A_798 = vector.broadcast %broadcast_in_dim3A_797 : i32 to vector<16xi32>
          %gather3A_799 = tpu.vector_load_idx %arg8[%add3A_794, %broadcast_in_dim3A_796, %broadcast_in_dim3A_798, %min3A_134] : memref<2x8x8x512xf32, #tpu.memory_space<vmem>>[vector<16xi32>, vector<16xi32>, vector<16xi32>, vector<16xi32>], vector<16xf32>,
          %broadcast_in_dim3A_800 = arith.constant 59 : i32
          %broadcast_in_dim3A_801 = vector.broadcast %broadcast_in_dim3A_800 : i32 to vector<16xi32>
          tpu.vector_store_idx %arg9[%select_n3A_142, %broadcast_in_dim3A_801], %gather3A_799 : memref<65x128xf32, #tpu.memory_space<vmem>>[vector<16xi32>, vector<16xi32>], vector<16xf32>,
          %broadcast_in_dim3A_802 = arith.constant 0 : i32
          %broadcast_in_dim3A_803 = vector.broadcast %broadcast_in_dim3A_802 : i32 to vector<16xi32>
          %add3A_804 = vector.broadcast %rem3A_77 : i32 to vector<16xi32>
          %add3A_805 = arith.addi %broadcast_in_dim3A_803, %add3A_804 : vector<16xi32>
          %broadcast_in_dim3A_806 = arith.constant 7 : i32
          %broadcast_in_dim3A_807 = vector.broadcast %broadcast_in_dim3A_806 : i32 to vector<16xi32>
          %broadcast_in_dim3A_808 = arith.constant 4 : i32
          %broadcast_in_dim3A_809 = vector.broadcast %broadcast_in_dim3A_808 : i32 to vector<16xi32>
          %gather3A_810 = tpu.vector_load_idx %arg8[%add3A_805, %broadcast_in_dim3A_807, %broadcast_in_dim3A_809, %min3A_134] : memref<2x8x8x512xf32, #tpu.memory_space<vmem>>[vector<16xi32>, vector<16xi32>, vector<16xi32>, vector<16xi32>], vector<16xf32>,
          %broadcast_in_dim3A_811 = arith.constant 60 : i32
          %broadcast_in_dim3A_812 = vector.broadcast %broadcast_in_dim3A_811 : i32 to vector<16xi32>
          tpu.vector_store_idx %arg9[%select_n3A_142, %broadcast_in_dim3A_812], %gather3A_810 : memref<65x128xf32, #tpu.memory_space<vmem>>[vector<16xi32>, vector<16xi32>], vector<16xf32>,
          %broadcast_in_dim3A_813 = arith.constant 0 : i32
          %broadcast_in_dim3A_814 = vector.broadcast %broadcast_in_dim3A_813 : i32 to vector<16xi32>
          %add3A_815 = vector.broadcast %rem3A_77 : i32 to vector<16xi32>
          %add3A_816 = arith.addi %broadcast_in_dim3A_814, %add3A_815 : vector<16xi32>
          %broadcast_in_dim3A_817 = arith.constant 7 : i32
          %broadcast_in_dim3A_818 = vector.broadcast %broadcast_in_dim3A_817 : i32 to vector<16xi32>
          %broadcast_in_dim3A_819 = arith.constant 5 : i32
          %broadcast_in_dim3A_820 = vector.broadcast %broadcast_in_dim3A_819 : i32 to vector<16xi32>
          %gather3A_821 = tpu.vector_load_idx %arg8[%add3A_816, %broadcast_in_dim3A_818, %broadcast_in_dim3A_820, %min3A_134] : memref<2x8x8x512xf32, #tpu.memory_space<vmem>>[vector<16xi32>, vector<16xi32>, vector<16xi32>, vector<16xi32>], vector<16xf32>,
          %broadcast_in_dim3A_822 = arith.constant 61 : i32
          %broadcast_in_dim3A_823 = vector.broadcast %broadcast_in_dim3A_822 : i32 to vector<16xi32>
          tpu.vector_store_idx %arg9[%select_n3A_142, %broadcast_in_dim3A_823], %gather3A_821 : memref<65x128xf32, #tpu.memory_space<vmem>>[vector<16xi32>, vector<16xi32>], vector<16xf32>,
          %broadcast_in_dim3A_824 = arith.constant 0 : i32
          %broadcast_in_dim3A_825 = vector.broadcast %broadcast_in_dim3A_824 : i32 to vector<16xi32>
          %add3A_826 = vector.broadcast %rem3A_77 : i32 to vector<16xi32>
          %add3A_827 = arith.addi %broadcast_in_dim3A_825, %add3A_826 : vector<16xi32>
          %broadcast_in_dim3A_828 = arith.constant 7 : i32
          %broadcast_in_dim3A_829 = vector.broadcast %broadcast_in_dim3A_828 : i32 to vector<16xi32>
          %broadcast_in_dim3A_830 = arith.constant 6 : i32
          %broadcast_in_dim3A_831 = vector.broadcast %broadcast_in_dim3A_830 : i32 to vector<16xi32>
          %gather3A_832 = tpu.vector_load_idx %arg8[%add3A_827, %broadcast_in_dim3A_829, %broadcast_in_dim3A_831, %min3A_134] : memref<2x8x8x512xf32, #tpu.memory_space<vmem>>[vector<16xi32>, vector<16xi32>, vector<16xi32>, vector<16xi32>], vector<16xf32>,
          %broadcast_in_dim3A_833 = arith.constant 62 : i32
          %broadcast_in_dim3A_834 = vector.broadcast %broadcast_in_dim3A_833 : i32 to vector<16xi32>
          tpu.vector_store_idx %arg9[%select_n3A_142, %broadcast_in_dim3A_834], %gather3A_832 : memref<65x128xf32, #tpu.memory_space<vmem>>[vector<16xi32>, vector<16xi32>], vector<16xf32>,
          %broadcast_in_dim3A_835 = arith.constant 0 : i32
          %broadcast_in_dim3A_836 = vector.broadcast %broadcast_in_dim3A_835 : i32 to vector<16xi32>
          %add3A_837 = vector.broadcast %rem3A_77 : i32 to vector<16xi32>
          %add3A_838 = arith.addi %broadcast_in_dim3A_836, %add3A_837 : vector<16xi32>
          %broadcast_in_dim3A_839 = arith.constant 7 : i32
          %broadcast_in_dim3A_840 = vector.broadcast %broadcast_in_dim3A_839 : i32 to vector<16xi32>
          %broadcast_in_dim3A_841 = arith.constant 7 : i32
          %broadcast_in_dim3A_842 = vector.broadcast %broadcast_in_dim3A_841 : i32 to vector<16xi32>
          %gather3A_843 = tpu.vector_load_idx %arg8[%add3A_838, %broadcast_in_dim3A_840, %broadcast_in_dim3A_842, %min3A_134] : memref<2x8x8x512xf32, #tpu.memory_space<vmem>>[vector<16xi32>, vector<16xi32>, vector<16xi32>, vector<16xi32>], vector<16xf32>,
          %broadcast_in_dim3A_844 = arith.constant 63 : i32
          %broadcast_in_dim3A_845 = vector.broadcast %broadcast_in_dim3A_844 : i32 to vector<16xi32>
          tpu.vector_store_idx %arg9[%select_n3A_142, %broadcast_in_dim3A_845], %gather3A_843 : memref<65x128xf32, #tpu.memory_space<vmem>>[vector<16xi32>, vector<16xi32>], vector<16xf32>,
          %add3A_846 = arith.addi %while3A_104, %reduce_sum3A_116 : i32
          %shift_right_arithmetic3A_847 = arith.constant 4 : i32
          %shift_right_arithmetic3A_848 = arith.shrsi %add3A_846, %shift_right_arithmetic3A_847 : i32
          %shift_right_arithmetic3A_849 = arith.constant 4 : i32
          %shift_right_arithmetic3A_850 = arith.shrsi %while3A_104, %shift_right_arithmetic3A_849 : i32
          %gt3A_851 = arith.cmpi sgt, %shift_right_arithmetic3A_848, %shift_right_arithmetic3A_850 : i32
          %convert_element_type3A_852 = arith.extui %gt3A_851 : i1 to i32
          %cond3A_853 = arith.constant 0 : i32
          %cond3A_854 = arith.cmpi ne, %convert_element_type3A_852, %cond3A_853 : i32
          scf.if %cond3A_854 {
            %shift_right_arithmetic3A_855 = arith.constant 4 : i32
            %shift_right_arithmetic3A_856 = arith.shrsi %while3A_104, %shift_right_arithmetic3A_855 : i32
            %ge3A = arith.constant 3 : i32
            %ge3A_857 = arith.cmpi sge, %shift_right_arithmetic3A_856, %ge3A : i32
            %convert_element_type3A_858 = arith.extui %ge3A_857 : i1 to i32
            %cond3A_859 = arith.constant 0 : i32
            %cond3A_860 = arith.cmpi ne, %convert_element_type3A_858, %cond3A_859 : i32
            scf.if %cond3A_860 {
              %dma_wait3A = arith.constant 0 : i32
              %dma_wait3A_883 = arith.constant 0 : i32
              %dma_wait3A_884 = tpu.memref_slice %arg9[%dma_wait3A, %dma_wait3A_883] : memref<65x128xf32, #tpu.memory_space<vmem>> -> memref<16x128xf32, #tpu.memory_space<vmem>>
              %dma_wait3A_885 = arith.constant 0 : i32
              %dma_wait3A_886 = arith.constant 0 : i32
              %dma_wait3A_887 = tpu.memref_slice %arg5[%dma_wait3A_885, %dma_wait3A_886] : memref<17440x128xf32, #tpu.memory_space<hbm>> -> memref<16x128xf32, #tpu.memory_space<hbm>>
              %dma_wait3A_888 = arith.constant 0 : i32
              %dma_wait3A_889 = arith.constant 0 : i32
              %dma_wait3A_890 = tpu.memref_slice %arg5[%dma_wait3A_888, %dma_wait3A_889] : memref<17440x128xf32, #tpu.memory_space<hbm>> -> memref<16x128xf32, #tpu.memory_space<hbm>>
              %dma_wait3A_891 = arith.constant 0 : i32
              %dma_wait3A_892 = arith.constant 0 : i32
              %dma_wait3A_893 = tpu.memref_slice %arg9[%dma_wait3A_891, %dma_wait3A_892] : memref<65x128xf32, #tpu.memory_space<vmem>> -> memref<16x128xf32, #tpu.memory_space<vmem>>
              tpu.wait_dma2 semaphore(%arg12 : memref<!tpu.dma_semaphore, #tpu.memory_space<semaphore_mem>>) src(%dma_wait3A_893 : memref<16x128xf32, #tpu.memory_space<vmem>>) dst(%dma_wait3A_890 : memref<16x128xf32, #tpu.memory_space<hbm>>)
            } else {
            }
            %rem3A_861 = arith.constant 4 : i32
            %rem3A_862 = arith.remsi %shift_right_arithmetic3A_856, %rem3A_861 : i32
            %eq3A_863 = arith.constant 0 : i32
            %eq3A_864 = arith.cmpi eq, %rem3A_862, %eq3A_863 : i32
            %convert_element_type3A_865 = arith.extui %eq3A_864 : i1 to i32
            %cond3A_866 = arith.constant 0 : i32
            %cond3A_867 = arith.cmpi ne, %convert_element_type3A_865, %cond3A_866 : i32
            scf.if %cond3A_867 {
              %mul3A_883 = arith.constant 16 : i32
              %mul3A_884 = arith.muli %shift_right_arithmetic3A_856, %mul3A_883 : i32
              %add3A_885 = arith.addi %add3A_46, %mul3A_884 : i32
              %multiple_of3A_886 = tpu.assume_multiple %add3A_885, 16 : i32
              %dma_start3A = arith.constant 0 : i32
              %dma_start3A_887 = arith.constant 0 : i32
              %dma_start3A_888 = tpu.memref_slice %arg9[%dma_start3A, %dma_start3A_887] : memref<65x128xf32, #tpu.memory_space<vmem>> -> memref<16x128xf32, #tpu.memory_space<vmem>>
              %dma_start3A_889 = arith.constant 0 : i32
              %dma_start3A_890 = tpu.memref_slice %arg5[%multiple_of3A_886, %dma_start3A_889] : memref<17440x128xf32, #tpu.memory_space<hbm>> -> memref<16x128xf32, #tpu.memory_space<hbm>>
              %dma_start3A_891 = arith.constant 0 : i32
              %dma_start3A_892 = tpu.memref_slice %arg5[%multiple_of3A_886, %dma_start3A_891] : memref<17440x128xf32, #tpu.memory_space<hbm>> -> memref<16x128xf32, #tpu.memory_space<hbm>>
              %dma_start3A_893 = arith.constant 0 : i32
              %dma_start3A_894 = arith.constant 0 : i32
              %dma_start3A_895 = tpu.memref_slice %arg9[%dma_start3A_893, %dma_start3A_894] : memref<65x128xf32, #tpu.memory_space<vmem>> -> memref<16x128xf32, #tpu.memory_space<vmem>>
              tpu.enqueue_dma source(%dma_start3A_895 : memref<16x128xf32, #tpu.memory_space<vmem>>) target(%dma_start3A_892 : memref<16x128xf32, #tpu.memory_space<hbm>>) target_semaphore(%arg12 : memref<!tpu.dma_semaphore, #tpu.memory_space<semaphore_mem>>)
            } else {
            }
            %eq3A_868 = arith.constant 1 : i32
            %eq3A_869 = arith.cmpi eq, %rem3A_862, %eq3A_868 : i32
            %convert_element_type3A_870 = arith.extui %eq3A_869 : i1 to i32
            %cond3A_871 = arith.constant 0 : i32
            %cond3A_872 = arith.cmpi ne, %convert_element_type3A_870, %cond3A_871 : i32
            scf.if %cond3A_872 {
              %mul3A_883 = arith.constant 16 : i32
              %mul3A_884 = arith.muli %shift_right_arithmetic3A_856, %mul3A_883 : i32
              %add3A_885 = arith.addi %add3A_46, %mul3A_884 : i32
              %multiple_of3A_886 = tpu.assume_multiple %add3A_885, 16 : i32
              %dma_start3A = arith.constant 16 : i32
              %dma_start3A_887 = arith.constant 0 : i32
              %dma_start3A_888 = tpu.memref_slice %arg9[%dma_start3A, %dma_start3A_887] : memref<65x128xf32, #tpu.memory_space<vmem>> -> memref<16x128xf32, #tpu.memory_space<vmem>>
              %dma_start3A_889 = arith.constant 0 : i32
              %dma_start3A_890 = tpu.memref_slice %arg5[%multiple_of3A_886, %dma_start3A_889] : memref<17440x128xf32, #tpu.memory_space<hbm>> -> memref<16x128xf32, #tpu.memory_space<hbm>>
              %dma_start3A_891 = arith.constant 0 : i32
              %dma_start3A_892 = tpu.memref_slice %arg5[%multiple_of3A_886, %dma_start3A_891] : memref<17440x128xf32, #tpu.memory_space<hbm>> -> memref<16x128xf32, #tpu.memory_space<hbm>>
              %dma_start3A_893 = arith.constant 16 : i32
              %dma_start3A_894 = arith.constant 0 : i32
              %dma_start3A_895 = tpu.memref_slice %arg9[%dma_start3A_893, %dma_start3A_894] : memref<65x128xf32, #tpu.memory_space<vmem>> -> memref<16x128xf32, #tpu.memory_space<vmem>>
              tpu.enqueue_dma source(%dma_start3A_895 : memref<16x128xf32, #tpu.memory_space<vmem>>) target(%dma_start3A_892 : memref<16x128xf32, #tpu.memory_space<hbm>>) target_semaphore(%arg12 : memref<!tpu.dma_semaphore, #tpu.memory_space<semaphore_mem>>)
            } else {
            }
            %eq3A_873 = arith.constant 2 : i32
            %eq3A_874 = arith.cmpi eq, %rem3A_862, %eq3A_873 : i32
            %convert_element_type3A_875 = arith.extui %eq3A_874 : i1 to i32
            %cond3A_876 = arith.constant 0 : i32
            %cond3A_877 = arith.cmpi ne, %convert_element_type3A_875, %cond3A_876 : i32
            scf.if %cond3A_877 {
              %mul3A_883 = arith.constant 16 : i32
              %mul3A_884 = arith.muli %shift_right_arithmetic3A_856, %mul3A_883 : i32
              %add3A_885 = arith.addi %add3A_46, %mul3A_884 : i32
              %multiple_of3A_886 = tpu.assume_multiple %add3A_885, 16 : i32
              %dma_start3A = arith.constant 32 : i32
              %dma_start3A_887 = arith.constant 0 : i32
              %dma_start3A_888 = tpu.memref_slice %arg9[%dma_start3A, %dma_start3A_887] : memref<65x128xf32, #tpu.memory_space<vmem>> -> memref<16x128xf32, #tpu.memory_space<vmem>>
              %dma_start3A_889 = arith.constant 0 : i32
              %dma_start3A_890 = tpu.memref_slice %arg5[%multiple_of3A_886, %dma_start3A_889] : memref<17440x128xf32, #tpu.memory_space<hbm>> -> memref<16x128xf32, #tpu.memory_space<hbm>>
              %dma_start3A_891 = arith.constant 0 : i32
              %dma_start3A_892 = tpu.memref_slice %arg5[%multiple_of3A_886, %dma_start3A_891] : memref<17440x128xf32, #tpu.memory_space<hbm>> -> memref<16x128xf32, #tpu.memory_space<hbm>>
              %dma_start3A_893 = arith.constant 32 : i32
              %dma_start3A_894 = arith.constant 0 : i32
              %dma_start3A_895 = tpu.memref_slice %arg9[%dma_start3A_893, %dma_start3A_894] : memref<65x128xf32, #tpu.memory_space<vmem>> -> memref<16x128xf32, #tpu.memory_space<vmem>>
              tpu.enqueue_dma source(%dma_start3A_895 : memref<16x128xf32, #tpu.memory_space<vmem>>) target(%dma_start3A_892 : memref<16x128xf32, #tpu.memory_space<hbm>>) target_semaphore(%arg12 : memref<!tpu.dma_semaphore, #tpu.memory_space<semaphore_mem>>)
            } else {
            }
            %eq3A_878 = arith.constant 3 : i32
            %eq3A_879 = arith.cmpi eq, %rem3A_862, %eq3A_878 : i32
            %convert_element_type3A_880 = arith.extui %eq3A_879 : i1 to i32
            %cond3A_881 = arith.constant 0 : i32
            %cond3A_882 = arith.cmpi ne, %convert_element_type3A_880, %cond3A_881 : i32
            scf.if %cond3A_882 {
              %mul3A_883 = arith.constant 16 : i32
              %mul3A_884 = arith.muli %shift_right_arithmetic3A_856, %mul3A_883 : i32
              %add3A_885 = arith.addi %add3A_46, %mul3A_884 : i32
              %multiple_of3A_886 = tpu.assume_multiple %add3A_885, 16 : i32
              %dma_start3A = arith.constant 48 : i32
              %dma_start3A_887 = arith.constant 0 : i32
              %dma_start3A_888 = tpu.memref_slice %arg9[%dma_start3A, %dma_start3A_887] : memref<65x128xf32, #tpu.memory_space<vmem>> -> memref<16x128xf32, #tpu.memory_space<vmem>>
              %dma_start3A_889 = arith.constant 0 : i32
              %dma_start3A_890 = tpu.memref_slice %arg5[%multiple_of3A_886, %dma_start3A_889] : memref<17440x128xf32, #tpu.memory_space<hbm>> -> memref<16x128xf32, #tpu.memory_space<hbm>>
              %dma_start3A_891 = arith.constant 0 : i32
              %dma_start3A_892 = tpu.memref_slice %arg5[%multiple_of3A_886, %dma_start3A_891] : memref<17440x128xf32, #tpu.memory_space<hbm>> -> memref<16x128xf32, #tpu.memory_space<hbm>>
              %dma_start3A_893 = arith.constant 48 : i32
              %dma_start3A_894 = arith.constant 0 : i32
              %dma_start3A_895 = tpu.memref_slice %arg9[%dma_start3A_893, %dma_start3A_894] : memref<65x128xf32, #tpu.memory_space<vmem>> -> memref<16x128xf32, #tpu.memory_space<vmem>>
              tpu.enqueue_dma source(%dma_start3A_895 : memref<16x128xf32, #tpu.memory_space<vmem>>) target(%dma_start3A_892 : memref<16x128xf32, #tpu.memory_space<hbm>>) target_semaphore(%arg12 : memref<!tpu.dma_semaphore, #tpu.memory_space<semaphore_mem>>)
            } else {
            }
          } else {
          }
        } else {
        }
        %add3A_122 = arith.addi %while3A_103, %reduce_sum3A_116 : i32
        %add3A_123 = arith.addi %while3A_104, %reduce_sum3A_116 : i32
        %eq3A_124 = arith.constant 16 : i32
        %eq3A_125 = arith.cmpi eq, %reduce_sum3A_116, %eq3A_124 : i32
        %lt3A_126 = arith.cmpi slt, %add3A_122, %scan3A_24#0 : i32
        %and3A_127 = arith.andi %eq3A_125, %lt3A_126 : i1
        scf.yield %add3A_122, %add3A_123, %and3A_127 : i32, i32, i1
      }
      scf.yield %while3A_102#0, %while3A_102#1 : i32, i32
    }
    %scan3A_53 = arith.constant 62 : i32
    %and3A = arith.constant 15 : i32
    %and3A_54 = arith.andi %scan3A_52#1, %and3A : i32
    %gt3A_55 = arith.constant 0 : i32
    %gt3A_56 = arith.cmpi sgt, %and3A_54, %gt3A_55 : i32
    %convert_element_type3A_57 = arith.extui %gt3A_56 : i1 to i32
    %cond3A_58 = arith.constant 0 : i32
    %cond3A_59 = arith.cmpi ne, %convert_element_type3A_57, %cond3A_58 : i32
    scf.if %cond3A_59 {
      %shift_right_arithmetic3A_74 = arith.constant 4 : i32
      %shift_right_arithmetic3A_75 = arith.shrsi %scan3A_52#1, %shift_right_arithmetic3A_74 : i32
      %ge3A = arith.constant 3 : i32
      %ge3A_76 = arith.cmpi sge, %shift_right_arithmetic3A_75, %ge3A : i32
      %convert_element_type3A_77 = arith.extui %ge3A_76 : i1 to i32
      %cond3A_78 = arith.constant 0 : i32
      %cond3A_79 = arith.cmpi ne, %convert_element_type3A_77, %cond3A_78 : i32
      scf.if %cond3A_79 {
        %dma_wait3A = arith.constant 0 : i32
        %dma_wait3A_100 = arith.constant 0 : i32
        %dma_wait3A_101 = tpu.memref_slice %arg9[%dma_wait3A, %dma_wait3A_100] : memref<65x128xf32, #tpu.memory_space<vmem>> -> memref<16x128xf32, #tpu.memory_space<vmem>>
        %dma_wait3A_102 = arith.constant 0 : i32
        %dma_wait3A_103 = arith.constant 0 : i32
        %dma_wait3A_104 = tpu.memref_slice %arg5[%dma_wait3A_102, %dma_wait3A_103] : memref<17440x128xf32, #tpu.memory_space<hbm>> -> memref<16x128xf32, #tpu.memory_space<hbm>>
        %dma_wait3A_105 = arith.constant 0 : i32
        %dma_wait3A_106 = arith.constant 0 : i32
        %dma_wait3A_107 = tpu.memref_slice %arg5[%dma_wait3A_105, %dma_wait3A_106] : memref<17440x128xf32, #tpu.memory_space<hbm>> -> memref<16x128xf32, #tpu.memory_space<hbm>>
        %dma_wait3A_108 = arith.constant 0 : i32
        %dma_wait3A_109 = arith.constant 0 : i32
        %dma_wait3A_110 = tpu.memref_slice %arg9[%dma_wait3A_108, %dma_wait3A_109] : memref<65x128xf32, #tpu.memory_space<vmem>> -> memref<16x128xf32, #tpu.memory_space<vmem>>
        tpu.wait_dma2 semaphore(%arg12 : memref<!tpu.dma_semaphore, #tpu.memory_space<semaphore_mem>>) src(%dma_wait3A_110 : memref<16x128xf32, #tpu.memory_space<vmem>>) dst(%dma_wait3A_107 : memref<16x128xf32, #tpu.memory_space<hbm>>)
      } else {
      }
      %rem3A = arith.constant 4 : i32
      %rem3A_80 = arith.remsi %shift_right_arithmetic3A_75, %rem3A : i32
      %eq3A = arith.constant 0 : i32
      %eq3A_81 = arith.cmpi eq, %rem3A_80, %eq3A : i32
      %convert_element_type3A_82 = arith.extui %eq3A_81 : i1 to i32
      %cond3A_83 = arith.constant 0 : i32
      %cond3A_84 = arith.cmpi ne, %convert_element_type3A_82, %cond3A_83 : i32
      scf.if %cond3A_84 {
        %mul3A_100 = arith.constant 16 : i32
        %mul3A_101 = arith.muli %shift_right_arithmetic3A_75, %mul3A_100 : i32
        %add3A_102 = arith.addi %add3A_46, %mul3A_101 : i32
        %multiple_of3A_103 = tpu.assume_multiple %add3A_102, 16 : i32
        %dma_start3A = arith.constant 0 : i32
        %dma_start3A_104 = arith.constant 0 : i32
        %dma_start3A_105 = tpu.memref_slice %arg9[%dma_start3A, %dma_start3A_104] : memref<65x128xf32, #tpu.memory_space<vmem>> -> memref<16x128xf32, #tpu.memory_space<vmem>>
        %dma_start3A_106 = arith.constant 0 : i32
        %dma_start3A_107 = tpu.memref_slice %arg5[%multiple_of3A_103, %dma_start3A_106] : memref<17440x128xf32, #tpu.memory_space<hbm>> -> memref<16x128xf32, #tpu.memory_space<hbm>>
        %dma_start3A_108 = arith.constant 0 : i32
        %dma_start3A_109 = tpu.memref_slice %arg5[%multiple_of3A_103, %dma_start3A_108] : memref<17440x128xf32, #tpu.memory_space<hbm>> -> memref<16x128xf32, #tpu.memory_space<hbm>>
        %dma_start3A_110 = arith.constant 0 : i32
        %dma_start3A_111 = arith.constant 0 : i32
        %dma_start3A_112 = tpu.memref_slice %arg9[%dma_start3A_110, %dma_start3A_111] : memref<65x128xf32, #tpu.memory_space<vmem>> -> memref<16x128xf32, #tpu.memory_space<vmem>>
        tpu.enqueue_dma source(%dma_start3A_112 : memref<16x128xf32, #tpu.memory_space<vmem>>) target(%dma_start3A_109 : memref<16x128xf32, #tpu.memory_space<hbm>>) target_semaphore(%arg12 : memref<!tpu.dma_semaphore, #tpu.memory_space<semaphore_mem>>)
      } else {
      }
      %eq3A_85 = arith.constant 1 : i32
      %eq3A_86 = arith.cmpi eq, %rem3A_80, %eq3A_85 : i32
      %convert_element_type3A_87 = arith.extui %eq3A_86 : i1 to i32
      %cond3A_88 = arith.constant 0 : i32
      %cond3A_89 = arith.cmpi ne, %convert_element_type3A_87, %cond3A_88 : i32
      scf.if %cond3A_89 {
        %mul3A_100 = arith.constant 16 : i32
        %mul3A_101 = arith.muli %shift_right_arithmetic3A_75, %mul3A_100 : i32
        %add3A_102 = arith.addi %add3A_46, %mul3A_101 : i32
        %multiple_of3A_103 = tpu.assume_multiple %add3A_102, 16 : i32
        %dma_start3A = arith.constant 16 : i32
        %dma_start3A_104 = arith.constant 0 : i32
        %dma_start3A_105 = tpu.memref_slice %arg9[%dma_start3A, %dma_start3A_104] : memref<65x128xf32, #tpu.memory_space<vmem>> -> memref<16x128xf32, #tpu.memory_space<vmem>>
        %dma_start3A_106 = arith.constant 0 : i32
        %dma_start3A_107 = tpu.memref_slice %arg5[%multiple_of3A_103, %dma_start3A_106] : memref<17440x128xf32, #tpu.memory_space<hbm>> -> memref<16x128xf32, #tpu.memory_space<hbm>>
        %dma_start3A_108 = arith.constant 0 : i32
        %dma_start3A_109 = tpu.memref_slice %arg5[%multiple_of3A_103, %dma_start3A_108] : memref<17440x128xf32, #tpu.memory_space<hbm>> -> memref<16x128xf32, #tpu.memory_space<hbm>>
        %dma_start3A_110 = arith.constant 16 : i32
        %dma_start3A_111 = arith.constant 0 : i32
        %dma_start3A_112 = tpu.memref_slice %arg9[%dma_start3A_110, %dma_start3A_111] : memref<65x128xf32, #tpu.memory_space<vmem>> -> memref<16x128xf32, #tpu.memory_space<vmem>>
        tpu.enqueue_dma source(%dma_start3A_112 : memref<16x128xf32, #tpu.memory_space<vmem>>) target(%dma_start3A_109 : memref<16x128xf32, #tpu.memory_space<hbm>>) target_semaphore(%arg12 : memref<!tpu.dma_semaphore, #tpu.memory_space<semaphore_mem>>)
      } else {
      }
      %eq3A_90 = arith.constant 2 : i32
      %eq3A_91 = arith.cmpi eq, %rem3A_80, %eq3A_90 : i32
      %convert_element_type3A_92 = arith.extui %eq3A_91 : i1 to i32
      %cond3A_93 = arith.constant 0 : i32
      %cond3A_94 = arith.cmpi ne, %convert_element_type3A_92, %cond3A_93 : i32
      scf.if %cond3A_94 {
        %mul3A_100 = arith.constant 16 : i32
        %mul3A_101 = arith.muli %shift_right_arithmetic3A_75, %mul3A_100 : i32
        %add3A_102 = arith.addi %add3A_46, %mul3A_101 : i32
        %multiple_of3A_103 = tpu.assume_multiple %add3A_102, 16 : i32
        %dma_start3A = arith.constant 32 : i32
        %dma_start3A_104 = arith.constant 0 : i32
        %dma_start3A_105 = tpu.memref_slice %arg9[%dma_start3A, %dma_start3A_104] : memref<65x128xf32, #tpu.memory_space<vmem>> -> memref<16x128xf32, #tpu.memory_space<vmem>>
        %dma_start3A_106 = arith.constant 0 : i32
        %dma_start3A_107 = tpu.memref_slice %arg5[%multiple_of3A_103, %dma_start3A_106] : memref<17440x128xf32, #tpu.memory_space<hbm>> -> memref<16x128xf32, #tpu.memory_space<hbm>>
        %dma_start3A_108 = arith.constant 0 : i32
        %dma_start3A_109 = tpu.memref_slice %arg5[%multiple_of3A_103, %dma_start3A_108] : memref<17440x128xf32, #tpu.memory_space<hbm>> -> memref<16x128xf32, #tpu.memory_space<hbm>>
        %dma_start3A_110 = arith.constant 32 : i32
        %dma_start3A_111 = arith.constant 0 : i32
        %dma_start3A_112 = tpu.memref_slice %arg9[%dma_start3A_110, %dma_start3A_111] : memref<65x128xf32, #tpu.memory_space<vmem>> -> memref<16x128xf32, #tpu.memory_space<vmem>>
        tpu.enqueue_dma source(%dma_start3A_112 : memref<16x128xf32, #tpu.memory_space<vmem>>) target(%dma_start3A_109 : memref<16x128xf32, #tpu.memory_space<hbm>>) target_semaphore(%arg12 : memref<!tpu.dma_semaphore, #tpu.memory_space<semaphore_mem>>)
      } else {
      }
      %eq3A_95 = arith.constant 3 : i32
      %eq3A_96 = arith.cmpi eq, %rem3A_80, %eq3A_95 : i32
      %convert_element_type3A_97 = arith.extui %eq3A_96 : i1 to i32
      %cond3A_98 = arith.constant 0 : i32
      %cond3A_99 = arith.cmpi ne, %convert_element_type3A_97, %cond3A_98 : i32
      scf.if %cond3A_99 {
        %mul3A_100 = arith.constant 16 : i32
        %mul3A_101 = arith.muli %shift_right_arithmetic3A_75, %mul3A_100 : i32
        %add3A_102 = arith.addi %add3A_46, %mul3A_101 : i32
        %multiple_of3A_103 = tpu.assume_multiple %add3A_102, 16 : i32
        %dma_start3A = arith.constant 48 : i32
        %dma_start3A_104 = arith.constant 0 : i32
        %dma_start3A_105 = tpu.memref_slice %arg9[%dma_start3A, %dma_start3A_104] : memref<65x128xf32, #tpu.memory_space<vmem>> -> memref<16x128xf32, #tpu.memory_space<vmem>>
        %dma_start3A_106 = arith.constant 0 : i32
        %dma_start3A_107 = tpu.memref_slice %arg5[%multiple_of3A_103, %dma_start3A_106] : memref<17440x128xf32, #tpu.memory_space<hbm>> -> memref<16x128xf32, #tpu.memory_space<hbm>>
        %dma_start3A_108 = arith.constant 0 : i32
        %dma_start3A_109 = tpu.memref_slice %arg5[%multiple_of3A_103, %dma_start3A_108] : memref<17440x128xf32, #tpu.memory_space<hbm>> -> memref<16x128xf32, #tpu.memory_space<hbm>>
        %dma_start3A_110 = arith.constant 48 : i32
        %dma_start3A_111 = arith.constant 0 : i32
        %dma_start3A_112 = tpu.memref_slice %arg9[%dma_start3A_110, %dma_start3A_111] : memref<65x128xf32, #tpu.memory_space<vmem>> -> memref<16x128xf32, #tpu.memory_space<vmem>>
        tpu.enqueue_dma source(%dma_start3A_112 : memref<16x128xf32, #tpu.memory_space<vmem>>) target(%dma_start3A_109 : memref<16x128xf32, #tpu.memory_space<hbm>>) target_semaphore(%arg12 : memref<!tpu.dma_semaphore, #tpu.memory_space<semaphore_mem>>)
      } else {
      }
    } else {
    }
    %add3A_60 = arith.constant 15 : i32
    %add3A_61 = arith.addi %scan3A_52#1, %add3A_60 : i32
    %shift_right_arithmetic3A_62 = arith.constant 4 : i32
    %shift_right_arithmetic3A_63 = arith.shrsi %add3A_61, %shift_right_arithmetic3A_62 : i32
    %min3A = arith.constant 3 : i32
    %min3A_64 = arith.minsi %shift_right_arithmetic3A_63, %min3A : i32
    %while3A = arith.constant 0 : i32
    %while3A_65 = arith.constant 0 : i32
    %while3A_66 = arith.subi %min3A_64, %while3A_65 : i32
    %while3A_67 = arith.addi %while3A_65, %while3A_66 : i32
    %while3A_68 = arith.constant 1 : i32
    %while3A_69 = arith.divsi %while3A_66, %while3A_68 : i32
    %while3A_70 = arith.muli %while3A_69, %while3A_68 : i32
    %while3A_71 = arith.addi %while3A_65, %while3A_70 : i32
    %while3A_72 = arith.constant 1 : i32
    scf.for %while3A_74 = %while3A_65 to %while3A_71 step %while3A_72  : i32 {
      %dma_wait3A = arith.constant 0 : i32
      %dma_wait3A_75 = arith.constant 0 : i32
      %dma_wait3A_76 = tpu.memref_slice %arg9[%dma_wait3A, %dma_wait3A_75] : memref<65x128xf32, #tpu.memory_space<vmem>> -> memref<16x128xf32, #tpu.memory_space<vmem>>
      %dma_wait3A_77 = arith.constant 0 : i32
      %dma_wait3A_78 = arith.constant 0 : i32
      %dma_wait3A_79 = tpu.memref_slice %arg5[%dma_wait3A_77, %dma_wait3A_78] : memref<17440x128xf32, #tpu.memory_space<hbm>> -> memref<16x128xf32, #tpu.memory_space<hbm>>
      %dma_wait3A_80 = arith.constant 0 : i32
      %dma_wait3A_81 = arith.constant 0 : i32
      %dma_wait3A_82 = tpu.memref_slice %arg5[%dma_wait3A_80, %dma_wait3A_81] : memref<17440x128xf32, #tpu.memory_space<hbm>> -> memref<16x128xf32, #tpu.memory_space<hbm>>
      %dma_wait3A_83 = arith.constant 0 : i32
      %dma_wait3A_84 = arith.constant 0 : i32
      %dma_wait3A_85 = tpu.memref_slice %arg9[%dma_wait3A_83, %dma_wait3A_84] : memref<65x128xf32, #tpu.memory_space<vmem>> -> memref<16x128xf32, #tpu.memory_space<vmem>>
      tpu.wait_dma2 semaphore(%arg12 : memref<!tpu.dma_semaphore, #tpu.memory_space<semaphore_mem>>) src(%dma_wait3A_85 : memref<16x128xf32, #tpu.memory_space<vmem>>) dst(%dma_wait3A_82 : memref<16x128xf32, #tpu.memory_space<hbm>>)
    }
    %while3A_73 = arith.constant 1 : i32
    scf.for %while3A_74 = %while3A_71 to %while3A_67 step %while3A_73  : i32 {
      %dma_wait3A = arith.constant 0 : i32
      %dma_wait3A_75 = arith.constant 0 : i32
      %dma_wait3A_76 = tpu.memref_slice %arg9[%dma_wait3A, %dma_wait3A_75] : memref<65x128xf32, #tpu.memory_space<vmem>> -> memref<16x128xf32, #tpu.memory_space<vmem>>
      %dma_wait3A_77 = arith.constant 0 : i32
      %dma_wait3A_78 = arith.constant 0 : i32
      %dma_wait3A_79 = tpu.memref_slice %arg5[%dma_wait3A_77, %dma_wait3A_78] : memref<17440x128xf32, #tpu.memory_space<hbm>> -> memref<16x128xf32, #tpu.memory_space<hbm>>
      %dma_wait3A_80 = arith.constant 0 : i32
      %dma_wait3A_81 = arith.constant 0 : i32
      %dma_wait3A_82 = tpu.memref_slice %arg5[%dma_wait3A_80, %dma_wait3A_81] : memref<17440x128xf32, #tpu.memory_space<hbm>> -> memref<16x128xf32, #tpu.memory_space<hbm>>
      %dma_wait3A_83 = arith.constant 0 : i32
      %dma_wait3A_84 = arith.constant 0 : i32
      %dma_wait3A_85 = tpu.memref_slice %arg9[%dma_wait3A_83, %dma_wait3A_84] : memref<65x128xf32, #tpu.memory_space<vmem>> -> memref<16x128xf32, #tpu.memory_space<vmem>>
      tpu.wait_dma2 semaphore(%arg12 : memref<!tpu.dma_semaphore, #tpu.memory_space<semaphore_mem>>) src(%dma_wait3A_85 : memref<16x128xf32, #tpu.memory_space<vmem>>) dst(%dma_wait3A_82 : memref<16x128xf32, #tpu.memory_space<hbm>>)
    }
    return
  }
}

#map = affine_map<(d0, d1) -> (0, 0, 0)>
#map1 = affine_map<(d0, d1) -> (0, 0)>
module attributes {stable_mosaic.version = 14 : i64} {
  func.func @_permute_kernel(%arg0: i32, %arg1: i32, %arg2: memref<32x4x128xi32, #tpu.memory_space<hbm>>, %arg3: memref<17440x128xf32, #tpu.memory_space<hbm>>, %arg4: memref<16384x128xf32, #tpu.memory_space<hbm>>, %arg5: memref<4x128xi32, #tpu.memory_space<vmem>>, %arg6: memref<512x128xf32, #tpu.memory_space<vmem>>, %arg7: memref<!tpu.dma_semaphore, #tpu.memory_space<semaphore_mem>>) attributes {dimension_semantics = [#tpu.dimension_semantics<core_parallel>, #tpu.dimension_semantics<subcore_parallel>], iteration_bounds = array<i64: 2, 16>, scalar_prefetch = 0 : i64, scratch_operands = 3 : i64, tpu.core_type = #tpu.core_type<sc_vector_subcore>, window_params = [{transform_indices = #map}, {transform_indices = #map1}, {transform_indices = #map1}]} {
    %mul3A = arith.constant 2 : i32
    %mul3A_0 = arith.muli %arg1, %mul3A : i32
    %add3A = arith.addi %mul3A_0, %arg0 : i32
    "tpu.region"() ({
      %run_scoped3A = tpu.sem_alloc : memref<!tpu.dma_semaphore, #tpu.memory_space<semaphore_mem>>
      %dma_start3A_81 = arith.constant 0 : i32
      %dma_start3A_82 = arith.constant 0 : i32
      %dma_start3A_83 = tpu.memref_slice %arg2[%add3A, %dma_start3A_81, %dma_start3A_82] : memref<32x4x128xi32, #tpu.memory_space<hbm>> -> memref<1x4x128xi32, #tpu.memory_space<hbm>>
      %dma_start3A_84 = tpu.memref_squeeze %dma_start3A_83 : memref<1x4x128xi32, #tpu.memory_space<hbm>> -> memref<4x128xi32, #tpu.memory_space<hbm>>
      %dma_start3A_85 = arith.constant 0 : i32
      %dma_start3A_86 = arith.constant 0 : i32
      %dma_start3A_87 = tpu.memref_slice %arg2[%add3A, %dma_start3A_85, %dma_start3A_86] : memref<32x4x128xi32, #tpu.memory_space<hbm>> -> memref<1x4x128xi32, #tpu.memory_space<hbm>>
      %dma_start3A_88 = tpu.memref_squeeze %dma_start3A_87 : memref<1x4x128xi32, #tpu.memory_space<hbm>> -> memref<4x128xi32, #tpu.memory_space<hbm>>
      tpu.enqueue_dma source(%dma_start3A_88 : memref<4x128xi32, #tpu.memory_space<hbm>>) target(%arg5 : memref<4x128xi32, #tpu.memory_space<vmem>>) target_semaphore(%run_scoped3A : memref<!tpu.dma_semaphore, #tpu.memory_space<semaphore_mem>>)
      %dma_wait3A_89 = arith.constant 0 : i32
      %dma_wait3A_90 = arith.constant 0 : i32
      %dma_wait3A_91 = tpu.memref_slice %arg2[%add3A, %dma_wait3A_89, %dma_wait3A_90] : memref<32x4x128xi32, #tpu.memory_space<hbm>> -> memref<1x4x128xi32, #tpu.memory_space<hbm>>
      %dma_wait3A_92 = tpu.memref_squeeze %dma_wait3A_91 : memref<1x4x128xi32, #tpu.memory_space<hbm>> -> memref<4x128xi32, #tpu.memory_space<hbm>>
      %dma_wait3A_93 = arith.constant 0 : i32
      %dma_wait3A_94 = arith.constant 0 : i32
      %dma_wait3A_95 = tpu.memref_slice %arg2[%add3A, %dma_wait3A_93, %dma_wait3A_94] : memref<32x4x128xi32, #tpu.memory_space<hbm>> -> memref<1x4x128xi32, #tpu.memory_space<hbm>>
      %dma_wait3A_96 = tpu.memref_squeeze %dma_wait3A_95 : memref<1x4x128xi32, #tpu.memory_space<hbm>> -> memref<4x128xi32, #tpu.memory_space<hbm>>
      tpu.wait_dma2 semaphore(%run_scoped3A : memref<!tpu.dma_semaphore, #tpu.memory_space<semaphore_mem>>) src(%dma_wait3A_96 : memref<4x128xi32, #tpu.memory_space<hbm>>) dst(%arg5 : memref<4x128xi32, #tpu.memory_space<vmem>>)
      tpu.yield
    }) : () -> ()
    %dma_start3A = arith.constant 0 : i32
    %dma_start3A_1 = arith.constant 0 : i32
    %dma_start3A_2 = arith.constant 0 : i32
    %dma_start3A_3 = tpu.memref_slice %arg6[%dma_start3A_1, %dma_start3A_2] : memref<512x128xf32, #tpu.memory_space<vmem>> -> memref<128x128xf32, #tpu.memory_space<vmem>>
    %dma_start3A_4 = arith.constant 0 : i32
    %dma_start3A_5 = tpu.memref_slice %arg5[%dma_start3A, %dma_start3A_4] : memref<4x128xi32, #tpu.memory_space<vmem>> -> memref<1x128xi32, #tpu.memory_space<vmem>>
    %dma_start3A_6 = tpu.memref_squeeze %dma_start3A_5 : memref<1x128xi32, #tpu.memory_space<vmem>> -> memref<128xi32, #tpu.memory_space<vmem>>
    %dma_start3A_7 = arith.constant 0 : i32
    %dma_start3A_8 = arith.constant 0 : i32
    %dma_start3A_9 = tpu.memref_slice %arg3[%dma_start3A_7, %dma_start3A_8] : memref<17440x128xf32, #tpu.memory_space<hbm>> -> memref<17440x128xf32, #tpu.memory_space<hbm>>
    tpu.enqueue_indirect_dma source(%dma_start3A_9 : memref<17440x128xf32, #tpu.memory_space<hbm>>) target(%dma_start3A_3 : memref<128x128xf32, #tpu.memory_space<vmem>>) offsets(%dma_start3A_6 : memref<128xi32, #tpu.memory_space<vmem>>) semaphore(%arg7 : memref<!tpu.dma_semaphore, #tpu.memory_space<semaphore_mem>>)
    %dma_start3A_10 = arith.constant 1 : i32
    %dma_start3A_11 = arith.constant 128 : i32
    %dma_start3A_12 = arith.constant 0 : i32
    %dma_start3A_13 = tpu.memref_slice %arg6[%dma_start3A_11, %dma_start3A_12] : memref<512x128xf32, #tpu.memory_space<vmem>> -> memref<128x128xf32, #tpu.memory_space<vmem>>
    %dma_start3A_14 = arith.constant 0 : i32
    %dma_start3A_15 = tpu.memref_slice %arg5[%dma_start3A_10, %dma_start3A_14] : memref<4x128xi32, #tpu.memory_space<vmem>> -> memref<1x128xi32, #tpu.memory_space<vmem>>
    %dma_start3A_16 = tpu.memref_squeeze %dma_start3A_15 : memref<1x128xi32, #tpu.memory_space<vmem>> -> memref<128xi32, #tpu.memory_space<vmem>>
    %dma_start3A_17 = arith.constant 0 : i32
    %dma_start3A_18 = arith.constant 0 : i32
    %dma_start3A_19 = tpu.memref_slice %arg3[%dma_start3A_17, %dma_start3A_18] : memref<17440x128xf32, #tpu.memory_space<hbm>> -> memref<17440x128xf32, #tpu.memory_space<hbm>>
    tpu.enqueue_indirect_dma source(%dma_start3A_19 : memref<17440x128xf32, #tpu.memory_space<hbm>>) target(%dma_start3A_13 : memref<128x128xf32, #tpu.memory_space<vmem>>) offsets(%dma_start3A_16 : memref<128xi32, #tpu.memory_space<vmem>>) semaphore(%arg7 : memref<!tpu.dma_semaphore, #tpu.memory_space<semaphore_mem>>)
    %dma_start3A_20 = arith.constant 2 : i32
    %dma_start3A_21 = arith.constant 256 : i32
    %dma_start3A_22 = arith.constant 0 : i32
    %dma_start3A_23 = tpu.memref_slice %arg6[%dma_start3A_21, %dma_start3A_22] : memref<512x128xf32, #tpu.memory_space<vmem>> -> memref<128x128xf32, #tpu.memory_space<vmem>>
    %dma_start3A_24 = arith.constant 0 : i32
    %dma_start3A_25 = tpu.memref_slice %arg5[%dma_start3A_20, %dma_start3A_24] : memref<4x128xi32, #tpu.memory_space<vmem>> -> memref<1x128xi32, #tpu.memory_space<vmem>>
    %dma_start3A_26 = tpu.memref_squeeze %dma_start3A_25 : memref<1x128xi32, #tpu.memory_space<vmem>> -> memref<128xi32, #tpu.memory_space<vmem>>
    %dma_start3A_27 = arith.constant 0 : i32
    %dma_start3A_28 = arith.constant 0 : i32
    %dma_start3A_29 = tpu.memref_slice %arg3[%dma_start3A_27, %dma_start3A_28] : memref<17440x128xf32, #tpu.memory_space<hbm>> -> memref<17440x128xf32, #tpu.memory_space<hbm>>
    tpu.enqueue_indirect_dma source(%dma_start3A_29 : memref<17440x128xf32, #tpu.memory_space<hbm>>) target(%dma_start3A_23 : memref<128x128xf32, #tpu.memory_space<vmem>>) offsets(%dma_start3A_26 : memref<128xi32, #tpu.memory_space<vmem>>) semaphore(%arg7 : memref<!tpu.dma_semaphore, #tpu.memory_space<semaphore_mem>>)
    %dma_start3A_30 = arith.constant 3 : i32
    %dma_start3A_31 = arith.constant 384 : i32
    %dma_start3A_32 = arith.constant 0 : i32
    %dma_start3A_33 = tpu.memref_slice %arg6[%dma_start3A_31, %dma_start3A_32] : memref<512x128xf32, #tpu.memory_space<vmem>> -> memref<128x128xf32, #tpu.memory_space<vmem>>
    %dma_start3A_34 = arith.constant 0 : i32
    %dma_start3A_35 = tpu.memref_slice %arg5[%dma_start3A_30, %dma_start3A_34] : memref<4x128xi32, #tpu.memory_space<vmem>> -> memref<1x128xi32, #tpu.memory_space<vmem>>
    %dma_start3A_36 = tpu.memref_squeeze %dma_start3A_35 : memref<1x128xi32, #tpu.memory_space<vmem>> -> memref<128xi32, #tpu.memory_space<vmem>>
    %dma_start3A_37 = arith.constant 0 : i32
    %dma_start3A_38 = arith.constant 0 : i32
    %dma_start3A_39 = tpu.memref_slice %arg3[%dma_start3A_37, %dma_start3A_38] : memref<17440x128xf32, #tpu.memory_space<hbm>> -> memref<17440x128xf32, #tpu.memory_space<hbm>>
    tpu.enqueue_indirect_dma source(%dma_start3A_39 : memref<17440x128xf32, #tpu.memory_space<hbm>>) target(%dma_start3A_33 : memref<128x128xf32, #tpu.memory_space<vmem>>) offsets(%dma_start3A_36 : memref<128xi32, #tpu.memory_space<vmem>>) semaphore(%arg7 : memref<!tpu.dma_semaphore, #tpu.memory_space<semaphore_mem>>)
    %dma_wait3A = arith.constant 0 : i32
    %dma_wait3A_40 = arith.constant 0 : i32
    %dma_wait3A_41 = arith.constant 0 : i32
    %dma_wait3A_42 = tpu.memref_slice %arg6[%dma_wait3A_40, %dma_wait3A_41] : memref<512x128xf32, #tpu.memory_space<vmem>> -> memref<128x128xf32, #tpu.memory_space<vmem>>
    %dma_wait3A_43 = arith.constant 0 : i32
    %dma_wait3A_44 = tpu.memref_slice %arg5[%dma_wait3A, %dma_wait3A_43] : memref<4x128xi32, #tpu.memory_space<vmem>> -> memref<1x128xi32, #tpu.memory_space<vmem>>
    %dma_wait3A_45 = tpu.memref_squeeze %dma_wait3A_44 : memref<1x128xi32, #tpu.memory_space<vmem>> -> memref<128xi32, #tpu.memory_space<vmem>>
    %dma_wait3A_46 = arith.constant 0 : i32
    %dma_wait3A_47 = arith.constant 0 : i32
    %dma_wait3A_48 = tpu.memref_slice %arg3[%dma_wait3A_46, %dma_wait3A_47] : memref<17440x128xf32, #tpu.memory_space<hbm>> -> memref<17440x128xf32, #tpu.memory_space<hbm>>
    tpu.wait_indirect_dma semaphore(%arg7 : memref<!tpu.dma_semaphore, #tpu.memory_space<semaphore_mem>>) src(%dma_wait3A_48 : memref<17440x128xf32, #tpu.memory_space<hbm>>) dst(%dma_wait3A_42 : memref<128x128xf32, #tpu.memory_space<vmem>>)
    %dma_wait3A_49 = arith.constant 1 : i32
    %dma_wait3A_50 = arith.constant 128 : i32
    %dma_wait3A_51 = arith.constant 0 : i32
    %dma_wait3A_52 = tpu.memref_slice %arg6[%dma_wait3A_50, %dma_wait3A_51] : memref<512x128xf32, #tpu.memory_space<vmem>> -> memref<128x128xf32, #tpu.memory_space<vmem>>
    %dma_wait3A_53 = arith.constant 0 : i32
    %dma_wait3A_54 = tpu.memref_slice %arg5[%dma_wait3A_49, %dma_wait3A_53] : memref<4x128xi32, #tpu.memory_space<vmem>> -> memref<1x128xi32, #tpu.memory_space<vmem>>
    %dma_wait3A_55 = tpu.memref_squeeze %dma_wait3A_54 : memref<1x128xi32, #tpu.memory_space<vmem>> -> memref<128xi32, #tpu.memory_space<vmem>>
    %dma_wait3A_56 = arith.constant 0 : i32
    %dma_wait3A_57 = arith.constant 0 : i32
    %dma_wait3A_58 = tpu.memref_slice %arg3[%dma_wait3A_56, %dma_wait3A_57] : memref<17440x128xf32, #tpu.memory_space<hbm>> -> memref<17440x128xf32, #tpu.memory_space<hbm>>
    tpu.wait_indirect_dma semaphore(%arg7 : memref<!tpu.dma_semaphore, #tpu.memory_space<semaphore_mem>>) src(%dma_wait3A_58 : memref<17440x128xf32, #tpu.memory_space<hbm>>) dst(%dma_wait3A_52 : memref<128x128xf32, #tpu.memory_space<vmem>>)
    %dma_wait3A_59 = arith.constant 2 : i32
    %dma_wait3A_60 = arith.constant 256 : i32
    %dma_wait3A_61 = arith.constant 0 : i32
    %dma_wait3A_62 = tpu.memref_slice %arg6[%dma_wait3A_60, %dma_wait3A_61] : memref<512x128xf32, #tpu.memory_space<vmem>> -> memref<128x128xf32, #tpu.memory_space<vmem>>
    %dma_wait3A_63 = arith.constant 0 : i32
    %dma_wait3A_64 = tpu.memref_slice %arg5[%dma_wait3A_59, %dma_wait3A_63] : memref<4x128xi32, #tpu.memory_space<vmem>> -> memref<1x128xi32, #tpu.memory_space<vmem>>
    %dma_wait3A_65 = tpu.memref_squeeze %dma_wait3A_64 : memref<1x128xi32, #tpu.memory_space<vmem>> -> memref<128xi32, #tpu.memory_space<vmem>>
    %dma_wait3A_66 = arith.constant 0 : i32
    %dma_wait3A_67 = arith.constant 0 : i32
    %dma_wait3A_68 = tpu.memref_slice %arg3[%dma_wait3A_66, %dma_wait3A_67] : memref<17440x128xf32, #tpu.memory_space<hbm>> -> memref<17440x128xf32, #tpu.memory_space<hbm>>
    tpu.wait_indirect_dma semaphore(%arg7 : memref<!tpu.dma_semaphore, #tpu.memory_space<semaphore_mem>>) src(%dma_wait3A_68 : memref<17440x128xf32, #tpu.memory_space<hbm>>) dst(%dma_wait3A_62 : memref<128x128xf32, #tpu.memory_space<vmem>>)
    %dma_wait3A_69 = arith.constant 3 : i32
    %dma_wait3A_70 = arith.constant 384 : i32
    %dma_wait3A_71 = arith.constant 0 : i32
    %dma_wait3A_72 = tpu.memref_slice %arg6[%dma_wait3A_70, %dma_wait3A_71] : memref<512x128xf32, #tpu.memory_space<vmem>> -> memref<128x128xf32, #tpu.memory_space<vmem>>
    %dma_wait3A_73 = arith.constant 0 : i32
    %dma_wait3A_74 = tpu.memref_slice %arg5[%dma_wait3A_69, %dma_wait3A_73] : memref<4x128xi32, #tpu.memory_space<vmem>> -> memref<1x128xi32, #tpu.memory_space<vmem>>
    %dma_wait3A_75 = tpu.memref_squeeze %dma_wait3A_74 : memref<1x128xi32, #tpu.memory_space<vmem>> -> memref<128xi32, #tpu.memory_space<vmem>>
    %dma_wait3A_76 = arith.constant 0 : i32
    %dma_wait3A_77 = arith.constant 0 : i32
    %dma_wait3A_78 = tpu.memref_slice %arg3[%dma_wait3A_76, %dma_wait3A_77] : memref<17440x128xf32, #tpu.memory_space<hbm>> -> memref<17440x128xf32, #tpu.memory_space<hbm>>
    tpu.wait_indirect_dma semaphore(%arg7 : memref<!tpu.dma_semaphore, #tpu.memory_space<semaphore_mem>>) src(%dma_wait3A_78 : memref<17440x128xf32, #tpu.memory_space<hbm>>) dst(%dma_wait3A_72 : memref<128x128xf32, #tpu.memory_space<vmem>>)
    %mul3A_79 = arith.constant 512 : i32
    %mul3A_80 = arith.muli %add3A, %mul3A_79 : i32
    "tpu.region"() ({
      %run_scoped3A = tpu.sem_alloc : memref<!tpu.dma_semaphore, #tpu.memory_space<semaphore_mem>>
      %dma_start3A_81 = arith.constant 0 : i32
      %dma_start3A_82 = tpu.memref_slice %arg4[%mul3A_80, %dma_start3A_81] : memref<16384x128xf32, #tpu.memory_space<hbm>> -> memref<512x128xf32, #tpu.memory_space<hbm>>
      %dma_start3A_83 = arith.constant 0 : i32
      %dma_start3A_84 = tpu.memref_slice %arg4[%mul3A_80, %dma_start3A_83] : memref<16384x128xf32, #tpu.memory_space<hbm>> -> memref<512x128xf32, #tpu.memory_space<hbm>>
      tpu.enqueue_dma source(%arg6 : memref<512x128xf32, #tpu.memory_space<vmem>>) target(%dma_start3A_84 : memref<512x128xf32, #tpu.memory_space<hbm>>) target_semaphore(%run_scoped3A : memref<!tpu.dma_semaphore, #tpu.memory_space<semaphore_mem>>)
      %dma_wait3A_85 = arith.constant 0 : i32
      %dma_wait3A_86 = tpu.memref_slice %arg4[%mul3A_80, %dma_wait3A_85] : memref<16384x128xf32, #tpu.memory_space<hbm>> -> memref<512x128xf32, #tpu.memory_space<hbm>>
      %dma_wait3A_87 = arith.constant 0 : i32
      %dma_wait3A_88 = tpu.memref_slice %arg4[%mul3A_80, %dma_wait3A_87] : memref<16384x128xf32, #tpu.memory_space<hbm>> -> memref<512x128xf32, #tpu.memory_space<hbm>>
      tpu.wait_dma2 semaphore(%run_scoped3A : memref<!tpu.dma_semaphore, #tpu.memory_space<semaphore_mem>>) src(%arg6 : memref<512x128xf32, #tpu.memory_space<vmem>>) dst(%dma_wait3A_88 : memref<512x128xf32, #tpu.memory_space<hbm>>)
      tpu.yield
    }) : () -> ()
    return
  }
}

</mosaic_0001>

<sc_bundles>
// kernel: kernel.4.cloned.1.call-start
scs
__scs_entry_jumppad:
0x0: {  	(pc) =	sbr.rel $0x88, $3  }
0x1: {  	(tag) =	ssettag $0x0;
	lr =	simm.s32 $0x1  }
0x2: {  	[smem:$0x3F9F] =	sst lr;
	_ =	strace $0xD0000000  }
0x3: {  	_ = 	snop  }
0x4: {  	_ = 	snop  }
0x5: {  	_ = 	snop  }
0x6: {  	_ = 	snop  }
0x7: {  	_ = 	snop  }
__scs_overlays_trampoline_lowered:
0x8: {  	[smem:$0x3FAE] =	sst s0  }
0x9: {  	[smem:$0x3FAF] =	sst s1  }
0xa: {  	[smem:$0x3FB0] =	sst s2  }
0xb: {  	[smem:$0x3FB1] =	sst s3  }
0xc: {  	[smem:$0x3FB2] =	sst s4  }
0xd: {  	[smem:$0x3FB3] =	sst s5  }
0xe: {  	[smem:$0x3FB4] =	sst s6  }
0xf: {  	[smem:$0x3FB5] =	sst s7  }
0x10: {  	[smem:$0x3FB6] =	sst s8  }
0x11: {  	[smem:$0x3FB7] =	sst s9;
	s0 =	simm.s32 @!p0 $0x0  }
0x12: {  	s1 =	sld [smem:$0x3F9D];
	s0 =	simm.s32 @p0 $0x1  }
0x13: {  	[smem:$0x3FB8] =	sst s0;
	s0 =	simm.s32 @!p1 $0x0  }
0x14: {  	s2 =	sld [smem:$0x3F9C];
	s0 =	simm.s32 @p1 $0x1  }
0x15: {  	[smem:$0x3FB9] =	sst s0;
	s0 =	simm.s32 @!p2 $0x0  }
0x16: {  	s3 =	sld [smem:$0x3FDB];
	s0 =	simm.s32 @p2 $0x1  }
0x17: {  	s4 =	simm.s32 $0x1BF5;
	[smem:$0x3FBB] =	sst s0  }
0x18: {  	s0 =	sld [smem:$0x3F9E];
	_ =	swait.ge [sflag:s4], $0x0  }
0x19: {  	s7 =	sld [smem:$0x3F9F]  }
0x1a: {  	s8 =	sadd.s32 $0xFFFFE003, lr  }
0x1b: {  	s9 =	sadd.s32 $0xFFFFFEF7, lr;
	s5 =	simm.s32 $0xFFFFFFFF;
	p2 =	slt.u32 s8, $0xFFFFF086  }
0x1c: {  	p1 =	slt.u32 s9, $0xF7A;
	s5 =	simm.s32 @!p2 $0x0  }
0x1d: {  	s5 =	simm.s32 @p1 $0x1;
	p0 =	seq.s32 s7, s2  }
0x1e: {  	s7 =	smul.u32 @!p0 $0xF7A, s2;
	p2 =	seq.s32 @!p0 s5, $0x0  }
0x1f: {  	s9 =	smul.u32 $0xF7A, s1;
	s8 =	simm.s32 @!p0 $0x1BF5;
	p2 =	por !p2, p0  }
0x20: {  	[sflag:s8] =	ssyncset.s32 @!p0 $0xFFFFF086;
	s6 =	sadd.s32 @!p0 s3, s7;
	s7 =	simm.s32 @!p0 $0x108  }
0x21: {  	s3 =	sadd.s32 s3, s9;
	s6 =	sadd.s32 @!p0 $0x88, s6;
	s7 =	simm.s32 @p2 $0x1082  }
0x22: {  	[simem:s7], [sflag:s8] =	dma.local @!p0 [hbm:s6], $0xF7A  }
0x23: {  	s9 =	sor.u32 $0xD0000000, s2;
	s6 =	simm.s32 $0x108;
	_ =	swait.ge @!p0 [sflag:s8], $0x0  }
0x24: {  	s3 =	sadd.s32 $0x88, s3;
	s6 =	simm.s32 @!p1 $0x1082;
	[sflag:s4] =	ssyncset.s32 $0xFFFFF086  }
0x25: {  	[simem:s6], [sflag:s4] =	dma.local [hbm:s3], $0xF7A  }
0x26: {  	[smem:$0x3F9F] =	sst s1;
	(tag) =	ssettag s2;
	_ =	strace s9  }
0x27: {  	s1 =	sld [smem:$0x3FAF]  }
0x28: {  	s2 =	sld [smem:$0x3FB0]  }
0x29: {  	s4 =	sld [smem:$0x3FB2]  }
0x2a: {  	p0 =	seq.s32 s5, $0x0;
	s5 =	sld [smem:$0x3FB3]  }
0x2b: {  	s6 =	sld [smem:$0x3FB4]  }
0x2c: {  	s7 =	sld [smem:$0x3FB5]  }
0x2d: {  	s3 =	simm.s32 $0x108;
	s8 =	sld [smem:$0x3FB6]  }
0x2e: {  	s3 =	simm.s32 @!p0 $0x1082;
	s9 =	sld [smem:$0x3FB7]  }
0x2f: {  	lr =	sadd.s32 s0, s3;
	s0 =	sld [smem:$0x3FAE]  }
0x30: {  	s3 =	sld [smem:$0x3FB1]  }
0x31: {  	[smem:$0x3FBA] =	sst s10  }
0x32: {  	s10 =	sld [smem:$0x3FB8];
	_ =	sdelay $0x3  }
0x33: {  	p0 =	seq.s32 s10, $0x1;
	s10 =	sld [smem:$0x3FBA];
	_ =	sdelay $0x3  }
0x34: {  	[smem:$0x3FBA] =	sst s10  }
0x35: {  	s10 =	sld [smem:$0x3FB9];
	_ =	sdelay $0x3  }
0x36: {  	p1 =	seq.s32 s10, $0x1;
	s10 =	sld [smem:$0x3FBA];
	_ =	sdelay $0x3  }
0x37: {  	[smem:$0x3FBA] =	sst s10  }
0x38: {  	s10 =	sld [smem:$0x3FBB]  }
0x39: {  	_ = 	snop;
	(pc) =	sbr.ind lr, $3  }
0x3a: {  	_ = 	snop  }
0x3b: {  	_ = 	snop  }
0x3c: {  	p2 =	seq.s32 s10, $0x1;
	s10 =	sld [smem:$0x3FBA]  }
0x3d: {  	_ =	shalt  }
0x3e: {  	_ =	shalt  }
0x3f: {  	_ =	shalt  }
0x40: {  	_ =	shalt  }
0x41: {  	_ =	shalt  }
0x42: {  	_ =	shalt  }
0x43: {  	_ =	shalt  }
0x44: {  	_ =	shalt  }
0x45: {  	_ =	shalt  }
0x46: {  	_ =	shalt  }
0x47: {  	_ =	shalt  }
0x48: {  	_ =	shalt  }
0x49: {  	_ =	shalt  }
0x4a: {  	_ =	shalt  }
0x4b: {  	_ =	shalt  }
0x4c: {  	_ =	shalt  }
0x4d: {  	_ =	shalt  }
0x4e: {  	_ =	shalt  }
0x4f: {  	_ =	shalt  }
0x50: {  	_ =	shalt  }
0x51: {  	_ =	shalt  }
0x52: {  	_ =	shalt  }
0x53: {  	_ =	shalt  }
0x54: {  	_ =	shalt  }
0x55: {  	_ =	shalt  }
0x56: {  	_ =	shalt  }
0x57: {  	_ =	shalt  }
0x58: {  	_ =	shalt  }
0x59: {  	_ =	shalt  }
0x5a: {  	_ =	shalt  }
0x5b: {  	_ =	shalt  }
0x5c: {  	_ =	shalt  }
0x5d: {  	_ =	shalt  }
0x5e: {  	_ =	shalt  }
0x5f: {  	_ =	shalt  }
0x60: {  	_ =	shalt  }
0x61: {  	_ =	shalt  }
0x62: {  	_ =	shalt  }
0x63: {  	_ =	shalt  }
0x64: {  	_ =	shalt  }
0x65: {  	_ =	shalt  }
0x66: {  	_ =	shalt  }
0x67: {  	_ =	shalt  }
0x68: {  	_ =	shalt  }
0x69: {  	_ =	shalt  }
0x6a: {  	_ =	shalt  }
0x6b: {  	_ =	shalt  }
0x6c: {  	_ =	shalt  }
0x6d: {  	_ =	shalt  }
0x6e: {  	_ =	shalt  }
0x6f: {  	_ =	shalt  }
0x70: {  	_ =	shalt  }
0x71: {  	_ =	shalt  }
0x72: {  	_ =	shalt  }
0x73: {  	_ =	shalt  }
0x74: {  	_ =	shalt  }
0x75: {  	_ =	shalt  }
0x76: {  	_ =	shalt  }
0x77: {  	_ =	shalt  }
0x78: {  	_ =	shalt  }
0x79: {  	_ =	shalt  }
0x7a: {  	_ =	shalt  }
0x7b: {  	_ =	shalt  }
0x7c: {  	_ =	shalt  }
0x7d: {  	_ =	shalt  }
0x7e: {  	_ =	shalt  }
0x7f: {  	_ =	shalt  }
0x80: {  	_ =	shalt  }
0x81: {  	_ =	shalt  }
0x82: {  	_ =	shalt  }
0x83: {  	_ =	shalt  }
0x84: {  	_ =	shalt  }
0x85: {  	_ =	shalt  }
0x86: {  	_ =	shalt  }
0x87: {  	_ =	shalt  }
.Lfunc_end0:
.L_simem_size_0:
called_computation_lowered:
.L_overlay_start_0:
0x88: {  	s2 =	sld [smem:$0x3FD9]  }
0x89: {  	s3 =	sld [smem:$0x3FFE];
	_ =	sdelay $0x1  }
0x8a: {  	s1 =	srdreg.scid  }
0x8b: {  	s0 =	sand.u32 $0x1, s1  }
0x8c: {  	s17 =	sshll.u32 s0, $0xA;
	s2 =	sadd.s32 s3, s2  }
0x8d: {  	s2 =	sadd.s32 s2, s17  }
0x8e: {  	[smem:$0x3FC6] =	sst s2  }
0x8f: {  	_ = 	snop  }
0x90: {  	s2 =	sld [smem:$0x3FC8];
	(tm) =	ssettm $0x1  }
0x91: {  	s18 =	sld [smem:$0x3FFB];
	_ =	sdelay $0x3  }
0x92: {  	_ =	strace s18  }
0x93: {  	s3 =	sld [smem:$0x3FFC];
	_ =	sdelay $0x3  }
0x94: {  	_ =	strace s3  }
0x95: {  	s3 =	sld [smem:$0x3FFD];
	_ =	sdelay $0x3  }
0x96: {  	_ =	strace s3  }
0x97: {  	_ =	strace $0x8FFFFFFF  }
0x98: {  	s19 =	sld [smem:$0x3FDB];
	_ =	sdelay $0x1  }
0x99: {  	s4 =	simm.s32 $_scs_section_size  }
0x9a: {  	s5 =	simm.s32 $_size__tile_overlayer_lowered;
	s6 =	simm.s32 $_tile_overlayer_lowered  }
0x9b: {  	s22 =	simm.s32 $0x1BFF;
	s21 =	sshll.u32 s6, $0x1;
	s3 =	sadd.s32 s4, s19  }
0x9c: {  	s7 =	simm.s32 $0x0;
	s20 =	sshll.u32 s5, $0x1;
	s5 =	sadd.s32 s21, s3  }
0x9d: {  	[timem:s7], [sflag:s22] =	dma.local [hbm:s5], s20  }
0x9e: {  	_ =	swait.ge [sflag:s22], s20  }
0x9f: {  	s4 =	ssub.s32 $0x0, s20;
	[sflag:s22] =	ssyncset.done $0x0  }
0xa0: {  	[sflag:s22] =	ssyncadd.s32 s4;
	_ =	sdelay $0x1  }
0xa1: {  	s23 =	simm.s32 $0x1B8B  }
0xa2: {  	_ =	swait.ge [sflag:s23], $0x1  }
0xa3: {  	[sflag:s23] =	ssyncset.done $0x0  }
0xa4: {  	s25 =	simm.s32 $0x1B8E;
	s24 =	sld [smem:$0x3FFE];
	[sflag:s23] =	ssyncadd.s32 $0xFFFFFFFF  }
0xa5: {  	s26 =	simm.s32 $execute0_lowered;
	[smem:$0x3FD2] =	sst s25  }
0xa6: {  	s5 =	sshll.u32 s26, $0x1;
	_ =	strace $0x80000046;
	[dreg:$0x1] =	wrdreg $0xFFFFFFFF  }
0xa7: {  	s28 =	simm.s32 $_size_execute0_lowered;
	s3 =	sadd.s32 s3, s5;
	[dreg:$0x0] =	wrdreg $0x0  }
0xa8: {  	s5 =	sshll.u32 s28, $0x1;
	[dreg:$0x2] =	wrdreg s3  }
0xa9: {  	[dreg:$0x3] =	wrdreg s5  }
0xaa: {  	[dreg:$0x4] =	wrdreg $0xC0  }
0xab: {  	_ =	task [dreg:s7], $0x5FFFF  }
0xac: {  	[dreg:$0x1] =	wrdreg $0xFFFFFFFF  }
0xad: {  	[dreg:$0x0] =	wrdreg $0x60  }
0xae: {  	[dreg:$0x2] =	wrdreg s24  }
0xaf: {  	[dreg:$0x3] =	wrdreg s2  }
0xb0: {  	[dreg:$0x4] =	wrdreg $0x9  }
0xb1: {  	_ =	task.clear_ibuf [dreg:s7], $0x5FFFF;
	_ =	strace $0x90000046  }
0xb2: {  	s29 =	simm.s32 $0x9;
	_ =	strace $0x80000048  }
0xb3: {  	_ =	swait.ge [sflag:s29], $0x1  }
0xb4: {  	[sflag:s29] =	ssyncadd.s32 $0xFFFFFFFF  }
0xb5: {  	_ =	strace $0x90000048  }
0xb6: {  	_ =	sfence  }
0xb7: {  	s30 =	sld [smem:$0x0];
	_ =	sdelay $0x2  }
0xb8: {  	s31 =	sshll.u32 s1, $0xD;
	s1 =	sshrl.u32 s1, $0x2  }
0xb9: {  	s3 =	sand.u32 $0x4000, s31;
	s1 =	sadd.s32 s1, s30  }
0xba: {  	s0 =	sor.u32 s3, s0;
	s1 =	sshll.u32 s1, $0x11  }
0xbb: {  	s0 =	sor.u32 s1, s0  }
0xbc: {  	s0 =	sadd.s32 $0x8F2B, s0  }
0xbd: {  	[sflag:s0] =	ssyncadd.remote.s32 $0x1  }
0xbe: {  	_ =	sfence.sel $0xFFFF  }
0xbf: {  	[dreg:$0x0] =	wrdreg $0xFFFFFFFF;
	(pc) =	sbr.abs _section_cstart, $3  }
0xc0: {  	[dreg:$0x1] =	wrdreg $0xFFFFFFFF  }
0xc1: {  	_ =	task.clear_ibuf [dreg:s7], $0x2FFFF;
	_ =	strace $0x9FFFFFFF  }
0xc2: {  	(tm) =	ssettm $0x7FFFFFFF  }
0xc3: {  	_ =	shalt  }
tec
execute0_lowered:
.L_overlay_start_1:
0x0: {  	(tag) =	ssettag $0x1  }
0x1: {  	s0 =	rddreg [dreg:$0x0]  }
0x2: {  	s2 =	rddreg [dreg:$0x1]  }
0x3: {  	s1 =	srdreg.scid;
	s4 =	stileid.u32  }
0x4: {  	s3 =	simm.s32 $0x0;
	s14 =	simm.s32 $0x4;
	s16 =	simm.s32 $0x1000  }
0x5: {  	s17 =	simm.s32 $0x7A1400;
	s18 =	simm.s32 $0x8100;
	s19 =	simm.s32 $0x18100  }
0x6: {  	s20 =	simm.s32 $0x3;
	s21 =	simm.s32 $0x10100;
	s22 =	simm.s32 $0x0  }
0x7: {  	s1 =	sand.u32 $0x1, s1;
	s4 =	sshll.u32 s4, $0x1;
	[smem:$0x7FF] =	sst s3  }
0x8: {  	s6 =	sadd.s32 $0x1A00, s0;
	s30 =	sadd.s32 $0x1000, s0;
	s7 =	sadd.s32 $0x2400, s0  }
.Ltmp0:
0x9: {  	s5 =	sor.u32 s1, s4;
	_ =	strace $0x80000047;
	(pc) =	sbr.rel .LBB2_1-.Ltmp0, $4  }
0xa: {  	[dreg:$0x3] =	wrdreg s6;
	s1 =	ssub.s32 $0x2, s1;
	s4 =	smul.u32 $0x7A12, s5  }
0xb: {  	s12 =	sadd.s32 $0xF4200, s2;
	[dreg:$0x4] =	wrdreg s30;
	s31 =	sshrl.u32 s1, $0x1  }
0xc: {  	v0 =	vlaneseq.u32;
	s11 =	sshll.u32 s5, $0x5;
	s0 =	ssub.s32 s1, s31;
	s8 =	sand.u32 $0xFFF80, s4  }
0xd: {  	v1 =	vimm.s32 $0x0;
	v2 =	vmul.u32 $0x80, v0;
	s9 =	sadd.s32 $0x7A12, s4;
	s13 =	smax.u32 s0, $0x1;
	s10 =	sadd.s32 s2, s8  }
.LBB2_52:
0xe: {  	[sflag:s20] =	ssyncadd.s32 $0xFFFFF800  }
.LBB2_53:
0xf: {  	s22 =	sadd.s32 $0x1, s22  }
0x10: {  	p0 =	sne.s32 s22, s13  }
.Ltmp1:
0x11: {  	_ = 	snop;
	(pc) =	sbr.rel @!p0 .LBB2_54-.Ltmp1, $1  }
0x12: {  	_ =	sdelay $0x3  }
.LBB2_1:
0x13: {  	s0 =	rddreg [dreg:$0x3]  }
0x14: {  	[tilespmem:s3], [sflag:$0x4] =	stream.linear.gather [hbm4b:s0+s3], $0x4080, $0x38;
	[tilespmem:$0x1A500] =	vst v63  }
0x15: {  	_ =	swait.ge [sflag:s14], $0x4080  }
0x16: {  	[sflag:s14] =	ssyncset.done $0x0  }
0x17: {  	s1 =	simm.s32 $0x4080;
	s31 =	rddreg [dreg:$0x4];
	[sflag:s14] =	ssyncadd.s32 $0xFFFFBF80  }
0x18: {  	[tilespmem:s1], [sflag:$0x4] =	stream.linear.gather [hbm4b:s31+s3], $0x4080, $0x38;
	[tilespmem:$0x1A500] =	vst v63  }
0x19: {  	s25 =	simm.s32 $0x4070;
	_ =	swait.ge [sflag:s14], $0x4080  }
0x1a: {  	s23 =	simm.s32 $0x0;
	s24 =	simm.s32 $0x4070;
	[sflag:s14] =	ssyncset.done $0x0  }
0x1b: {  	s0 =	simm.s32 $0xE;
	s1 =	simm.s32 $0x4070;
	[sflag:s14] =	ssyncadd.s32 $0xFFFFBF80  }
.LBB2_2:
0x1c: {  	s5 =	smov.u32 s24  }
0x1d: {  	p0 =	sne.s32 s0, $0x1;
	s24 =	sshra.s32 s1, $0x1  }
0x1e: {  	v3 =	vld [tilespmem:s24+$0x0];
	_ =	sdelay $0x4  }
0x1f: {  	(v2sf) =	vpush v3, $0x0;
	_ =	sdelay $0xd  }
.Ltmp2:
0x20: {  	(pc) =	sbr.rel @p0 .LBB2_2-.Ltmp2, $4  }
0x21: {  	s1 =	spop (v2sf)  }
0x22: {  	p1 =	slt.s32 s1, s4;
	s1 =	sadd.s32 $0x1, s24  }
0x23: {  	s23 =	smov.u32 @p1 s1;
	s24 =	smov.u32 @p1 s5  }
0x24: {  	s0 =	sadd.s32 $0xFFFFFFFF, s0;
	s1 =	sadd.s32 s23, s24  }
0x25: {  	s0 =	sshra.s32 s1, $0x1  }
0x26: {  	v3 =	vld [tilespmem:s0+$0x0];
	_ =	sdelay $0x4  }
0x27: {  	(v2sf) =	vpush v3, $0x0;
	_ =	sdelay $0xe  }
0x28: {  	s31 =	spop (v2sf)  }
0x29: {  	s24 =	simm.s32 $0x0;
	s0 =	sadd.s32 $0x1, s0;
	p0 =	slt.s32 s31, s4  }
0x2a: {  	s1 =	simm.s32 $0x4070;
	s23 =	smov.u32 @p0 s0;
	s0 =	simm.s32 $0xE  }
.LBB2_4:
0x2b: {  	s5 =	smov.u32 s25  }
0x2c: {  	p0 =	sne.s32 s0, $0x1;
	s25 =	sshra.s32 s1, $0x1  }
0x2d: {  	v3 =	vld [tilespmem:s25+$0x0];
	_ =	sdelay $0x4  }
0x2e: {  	(v2sf) =	vpush v3, $0x0;
	_ =	sdelay $0xd  }
.Ltmp3:
0x2f: {  	(pc) =	sbr.rel @p0 .LBB2_4-.Ltmp3, $4  }
0x30: {  	s1 =	spop (v2sf)  }
0x31: {  	p1 =	slt.s32 s1, s9;
	s1 =	sadd.s32 $0x1, s25  }
0x32: {  	s24 =	smov.u32 @p1 s1;
	s25 =	smov.u32 @p1 s5  }
0x33: {  	s0 =	sadd.s32 $0xFFFFFFFF, s0;
	s1 =	sadd.s32 s24, s25  }
0x34: {  	s0 =	sshra.s32 s1, $0x1  }
0x35: {  	v3 =	vld [tilespmem:s0+$0x0];
	_ =	sdelay $0x4  }
0x36: {  	(v2sf) =	vpush v3, $0x0;
	_ =	sdelay $0xc  }
.Ltmp4:
0x37: {  	_ = 	snop;
	(pc) =	sbr.rel .LBB2_7-.Ltmp4, $4  }
0x38: {  	[tilespmem:s18], [sflag:$0x1] =	stream.strided.gather [hbm4b:s10+s16], $0x8000, s17, s16, $0x38;
	[tilespmem:$0x1A500] =	vst v63  }
0x39: {  	s30 =	sadd.s32 $0xF, s23;
	s28 =	simm.s32 $0x0;
	s29 =	spop (v2sf)  }
0x3a: {  	s0 =	sadd.s32 $0x1, s0;
	s31 =	sand.u32 $0xFFFFFFF0, s30;
	p0 =	slt.s32 s29, s9  }
0x3b: {  	s26 =	simm.s32 $0x0;
	s25 =	sadd.s32 s11, s31;
	s24 =	smov.u32 @p0 s0  }
.LBB2_24:
0x3c: {  	s28 =	sadd.s32 s30, s29;
	s23 =	sadd.s32 s23, s29  }
.LBB2_6:
0x3d: {  	p0 =	seq.s32 s26, $0x3E  }
.Ltmp5:
0x3e: {  	_ = 	snop;
	(pc) =	sbr.rel @p0 .LBB2_38-.Ltmp5, $1  }
0x3f: {  	_ =	sdelay $0x3  }
.LBB2_7:
0x40: {  	p0 =	seq.s32 s26, $0x3D  }
.Ltmp6:
0x41: {  	_ = 	snop;
	(pc) =	sbr.rel @!p0 .LBB2_8-.Ltmp6, $2  }
0x42: {  	_ =	sdelay $0x2  }
0x43: {  	s29 =	smov.u32 s26;
	s30 =	sand.u32 $0x1, s26;
	s26 =	sadd.s32 $0x1, s26  }
.LBB2_20:
0x44: {  	s0 =	sshll.u32 s29, $0x9  }
0x45: {  	s0 =	sadd.s32 s8, s0  }
0x46: {  	p0 =	sgt.u32 s0, $0xF4040  }
0x47: {  	s0 =	simm.s32 @p0 $0x2  }
0x48: {  	_ =	swait.ge @p0 [sflag:s0], $0x1000  }
0x49: {  	[sflag:s0] =	ssyncset.done @p0 $0x0  }
0x4a: {  	[sflag:s0] =	ssyncadd.s32 @p0 $0xFFFFF000;
	s0 =	simm.s32 @!p0 $0x2  }
0x4b: {  	_ =	swait.ge @!p0 [sflag:s0], $0x8000  }
0x4c: {  	[sflag:s0] =	ssyncset.done @!p0 $0x0  }
0x4d: {  	[sflag:s0] =	ssyncadd.s32 @!p0 $0xFFFF8000  }
.LBB2_21:
0x4e: {  	p0 =	sge.s32 s23, s24  }
.Ltmp7:
0x4f: {  	_ = 	snop;
	(pc) =	sbr.rel @p0 .LBB2_6-.Ltmp7, $1  }
0x50: {  	_ =	sdelay $0x3  }
0x51: {  	s0 =	sshll.u32 s26, $0x9  }
.Ltmp8:
0x52: {  	s1 =	sshll.u32 s29, $0x9;
	s5 =	sshll.u32 s30, $0xF;
	(pc) =	sbr.rel .LBB2_23-.Ltmp8, $4  }
0x53: {  	s0 =	sadd.s32 s8, s0;
	s1 =	sadd.s32 s8, s1;
	v3 =	vmov s5  }
0x54: {  	v4 =	vmov s0;
	v5 =	vmov s1;
	v6 =	vor.u32 $0x1000, v3  }
0x55: {  	v7 =	vor.u32 $0x2000, v3;
	v8 =	vor.u32 $0x3000, v3;
	v9 =	vor.u32 $0x4000, v3  }
0x56: {  	v10 =	vor.u32 $0x5000, v3;
	v11 =	vor.u32 $0x6000, v3;
	v12 =	vor.u32 $0x7000, v3  }
.LBB2_34:
0x57: {  	s0 =	simm.s32 $0x19100  }
.LBB2_35:
0x58: {  	s1 =	sand.u32 $0xFFFFFF0, s30  }
0x59: {  	s1 =	sadd.s32 s25, s1  }
0x5a: {  	s1 =	sshll.u32 s1, $0x4  }
0x5b: {  	s1 =	sadd.s32 s7, s1  }
0x5c: {  	[hbm4b:s1+s3] =	stream.linear.scatter [tilespmem:s0], [sflag:$0x3], $0x800, $0x38;
	[tilespmem:$0x1A500] =	vst v63  }
.LBB2_36:
0x5d: {  	s23 =	sadd.s32 s23, s29;
	p0 =	sne.s32 s29, $0x10  }
0x5e: {  	p1 =	slt.s32 @!p0 s23, s24  }
0x5f: {  	p1 =	por p0, !p1  }
.Ltmp9:
0x60: {  	_ = 	snop;
	(pc) =	sbr.rel @p1 .LBB2_37-.Ltmp9, $1  }
0x61: {  	_ =	sdelay $0x3  }
.LBB2_23:
0x62: {  	v13 =	vld [tilespmem:s23+$0x0];
	_ =	sdelay $0x2  }
0x63: {  	s0 =	ssub.s32 s24, s23  }
0x64: {  	v14 =	vmov s0  }
0x65: {  	vm1 =	vgt.s32 v14, v0;
	vm0 =	vlt.s32 v13, v4  }
0x66: {  	vm0 =	vmand vm1, vm0  }
0x67: {  	v14 =	vsel vm0, $0x1, v1  }
0x68: {  	(xrf0) =	vadd.scan.msk.s32 $0xffff, v14;
	_ =	sdelay $0x5  }
0x69: {  	v14, _, _ =	vpop (xrf0)  }
0x6a: {  	(v2sf) =	vpush v14, $0xF;
	_ =	sdelay $0xe  }
0x6b: {  	s29 =	spop (v2sf)  }
0x6c: {  	p0 =	sgt.s32 s29, $0x0  }
.Ltmp10:
0x6d: {  	_ = 	snop;
	(pc) =	sbr.rel @!p0 .LBB2_24-.Ltmp10, $2  }
0x6e: {  	_ =	sdelay $0x2  }
0x6f: {  	s30 =	smov.u32 s28  }
0x70: {  	v13 =	vsub.s32 v13, v5  }
0x71: {  	vm1 =	vgt.s32 v13, $0x0  }
0x72: {  	v13 =	vnsel vm1, $0x0, v13  }
0x73: {  	v22 =	vmin.u32 v13, $0x1FF  }
0x74: {  	v13 =	vshll.u32 v22, $0x3  }
0x75: {  	v15 =	vand.u32 $0xC00, v13  }
0x76: {  	v14 =	vand.u32 $0x7F, v22;
	v23 =	vor.u32 v3, v15  }
0x77: {  	v13 =	vor.u32 v14, v23  }
0x78: {  	v16 =	vmov s30  }
0x79: {  	v16 =	vshll.u32 v16, $0x7  }
0x7a: {  	v16 =	vadd.s32 v2, v16  }
0x7b: {  	v16 =	vand.u32 $0x1F80, v16  }
0x7c: {  	v17 =	vld.idx.msk [tilespmem:v13+s18+$0x0], $0xffff;
	v13 =	vnsel vm0, $0x2000, v16;
	v16 =	vor.u32 $0x80, v14  }
0x7d: {  	v18 =	vor.u32 v23, v16;
	_ =	sdelay $0x3  }
0x7e: {  	[tilespmem:v13+s19+$0x0] =	vst.idx.msk $0xffff, v17  }
0x7f: {  	v19 =	vor.u32 $0x1, v13;
	v17 =	vor.u32 $0x100, v14;
	v18 =	vld.idx.msk [tilespmem:v18+s18+$0x0], $0xffff  }
0x80: {  	v20 =	vor.u32 v23, v17;
	_ =	sdelay $0x3  }
0x81: {  	[tilespmem:v19+s19+$0x0] =	vst.idx.msk $0xffff, v18  }
0x82: {  	v59 =	vor.u32 $0x2, v13;
	v18 =	vor.u32 $0x180, v22;
	v19 =	vld.idx.msk [tilespmem:v20+s18+$0x0], $0xffff  }
0x83: {  	v21 =	vor.u32 v23, v18;
	_ =	sdelay $0x3  }
0x84: {  	[tilespmem:v59+s19+$0x0] =	vst.idx.msk $0xffff, v19  }
0x85: {  	v60 =	vor.u32 $0x3, v13;
	v19 =	vor.u32 $0x200, v14;
	v20 =	vld.idx.msk [tilespmem:v21+s18+$0x0], $0xffff  }
0x86: {  	v24 =	vor.u32 v23, v19;
	_ =	sdelay $0x3  }
0x87: {  	[tilespmem:v60+s19+$0x0] =	vst.idx.msk $0xffff, v20  }
0x88: {  	v61 =	vor.u32 $0x4, v13;
	v20 =	vor.u32 $0x280, v14;
	v21 =	vld.idx.msk [tilespmem:v24+s18+$0x0], $0xffff  }
0x89: {  	v25 =	vor.u32 v23, v20;
	_ =	sdelay $0x3  }
0x8a: {  	[tilespmem:v61+s19+$0x0] =	vst.idx.msk $0xffff, v21  }
0x8b: {  	v62 =	vor.u32 $0x5, v13;
	v21 =	vor.u32 $0x300, v14;
	v24 =	vld.idx.msk [tilespmem:v25+s18+$0x0], $0xffff  }
0x8c: {  	v26 =	vor.u32 v23, v21;
	_ =	sdelay $0x3  }
0x8d: {  	[tilespmem:v62+s19+$0x0] =	vst.idx.msk $0xffff, v24  }
0x8e: {  	v63 =	vor.u32 $0x6, v13;
	v22 =	vor.u32 $0x380, v22;
	v24 =	vld.idx.msk [tilespmem:v26+s18+$0x0], $0xffff  }
0x8f: {  	v23 =	vor.u32 v23, v22;
	_ =	sdelay $0x3  }
0x90: {  	[tilespmem:v63+s19+$0x0] =	vst.idx.msk $0xffff, v24  }
0x91: {  	v29 =	vor.u32 v6, v15;
	v28 =	vor.u32 $0x7, v13;
	v23 =	vld.idx.msk [tilespmem:v23+s18+$0x0], $0xffff  }
0x92: {  	v30 =	vor.u32 v29, v14;
	_ =	sdelay $0x3  }
0x93: {  	[tilespmem:v28+s19+$0x0] =	vst.idx.msk $0xffff, v23  }
0x94: {  	v31 =	vor.u32 $0x8, v13;
	v23 =	vld.idx.msk [tilespmem:v30+s18+$0x0], $0xffff  }
0x95: {  	v32 =	vor.u32 v29, v16;
	_ =	sdelay $0x3  }
0x96: {  	[tilespmem:v31+s19+$0x0] =	vst.idx.msk $0xffff, v23  }
0x97: {  	v33 =	vor.u32 $0x9, v13;
	v23 =	vld.idx.msk [tilespmem:v32+s18+$0x0], $0xffff  }
0x98: {  	v34 =	vor.u32 v29, v17;
	_ =	sdelay $0x3  }
0x99: {  	[tilespmem:v33+s19+$0x0] =	vst.idx.msk $0xffff, v23  }
0x9a: {  	v35 =	vor.u32 $0xA, v13;
	v23 =	vld.idx.msk [tilespmem:v34+s18+$0x0], $0xffff  }
0x9b: {  	v36 =	vor.u32 v29, v18;
	_ =	sdelay $0x3  }
0x9c: {  	[tilespmem:v35+s19+$0x0] =	vst.idx.msk $0xffff, v23  }
0x9d: {  	v37 =	vor.u32 $0xB, v13;
	v23 =	vld.idx.msk [tilespmem:v36+s18+$0x0], $0xffff  }
0x9e: {  	v38 =	vor.u32 v29, v19;
	_ =	sdelay $0x3  }
0x9f: {  	[tilespmem:v37+s19+$0x0] =	vst.idx.msk $0xffff, v23  }
0xa0: {  	v39 =	vor.u32 $0xC, v13;
	v23 =	vld.idx.msk [tilespmem:v38+s18+$0x0], $0xffff  }
0xa1: {  	v40 =	vor.u32 v29, v20;
	_ =	sdelay $0x3  }
0xa2: {  	[tilespmem:v39+s19+$0x0] =	vst.idx.msk $0xffff, v23  }
0xa3: {  	v41 =	vor.u32 $0xD, v13;
	v23 =	vld.idx.msk [tilespmem:v40+s18+$0x0], $0xffff  }
0xa4: {  	v42 =	vor.u32 v29, v21;
	_ =	sdelay $0x3  }
0xa5: {  	[tilespmem:v41+s19+$0x0] =	vst.idx.msk $0xffff, v23  }
0xa6: {  	v43 =	vor.u32 $0xE, v13;
	v23 =	vld.idx.msk [tilespmem:v42+s18+$0x0], $0xffff  }
0xa7: {  	v25 =	vor.u32 v29, v22;
	_ =	sdelay $0x3  }
0xa8: {  	[tilespmem:v43+s19+$0x0] =	vst.idx.msk $0xffff, v23  }
0xa9: {  	v45 =	vor.u32 v7, v15;
	v44 =	vor.u32 $0xF, v13;
	v23 =	vld.idx.msk [tilespmem:v25+s18+$0x0], $0xffff  }
0xaa: {  	v46 =	vor.u32 v45, v14;
	_ =	sdelay $0x3  }
0xab: {  	[tilespmem:v44+s19+$0x0] =	vst.idx.msk $0xffff, v23  }
0xac: {  	v47 =	vor.u32 $0x10, v13;
	v23 =	vld.idx.msk [tilespmem:v46+s18+$0x0], $0xffff  }
0xad: {  	v48 =	vor.u32 v45, v16;
	_ =	sdelay $0x3  }
0xae: {  	[tilespmem:v47+s19+$0x0] =	vst.idx.msk $0xffff, v23  }
0xaf: {  	v49 =	vor.u32 $0x11, v13;
	v23 =	vld.idx.msk [tilespmem:v48+s18+$0x0], $0xffff  }
0xb0: {  	v50 =	vor.u32 v45, v17;
	_ =	sdelay $0x3  }
0xb1: {  	[tilespmem:v49+s19+$0x0] =	vst.idx.msk $0xffff, v23  }
0xb2: {  	v51 =	vor.u32 $0x12, v13;
	v23 =	vld.idx.msk [tilespmem:v50+s18+$0x0], $0xffff  }
0xb3: {  	v52 =	vor.u32 v45, v18;
	_ =	sdelay $0x3  }
0xb4: {  	[tilespmem:v51+s19+$0x0] =	vst.idx.msk $0xffff, v23  }
0xb5: {  	v53 =	vor.u32 $0x13, v13;
	v23 =	vld.idx.msk [tilespmem:v52+s18+$0x0], $0xffff  }
0xb6: {  	v54 =	vor.u32 v45, v19;
	_ =	sdelay $0x3  }
0xb7: {  	[tilespmem:v53+s19+$0x0] =	vst.idx.msk $0xffff, v23  }
0xb8: {  	v55 =	vor.u32 $0x14, v13;
	v23 =	vld.idx.msk [tilespmem:v54+s18+$0x0], $0xffff  }
0xb9: {  	v56 =	vor.u32 v45, v20;
	_ =	sdelay $0x3  }
0xba: {  	[tilespmem:v55+s19+$0x0] =	vst.idx.msk $0xffff, v23  }
0xbb: {  	v57 =	vor.u32 $0x15, v13;
	v23 =	vld.idx.msk [tilespmem:v56+s18+$0x0], $0xffff  }
0xbc: {  	v58 =	vor.u32 v45, v21;
	_ =	sdelay $0x3  }
0xbd: {  	[tilespmem:v57+s19+$0x0] =	vst.idx.msk $0xffff, v23  }
0xbe: {  	v59 =	vor.u32 $0x16, v13;
	v23 =	vld.idx.msk [tilespmem:v58+s18+$0x0], $0xffff  }
0xbf: {  	v25 =	vor.u32 v45, v22;
	_ =	sdelay $0x3  }
0xc0: {  	[tilespmem:v59+s19+$0x0] =	vst.idx.msk $0xffff, v23  }
0xc1: {  	v60 =	vor.u32 $0x17, v13;
	v61 =	vor.u32 v8, v15;
	v23 =	vld.idx.msk [tilespmem:v25+s18+$0x0], $0xffff  }
0xc2: {  	v62 =	vor.u32 v61, v14;
	_ =	sdelay $0x3  }
0xc3: {  	[tilespmem:v60+s19+$0x0] =	vst.idx.msk $0xffff, v23  }
0xc4: {  	v63 =	vor.u32 $0x18, v13;
	v23 =	vld.idx.msk [tilespmem:v62+s18+$0x0], $0xffff  }
0xc5: {  	v28 =	vor.u32 v61, v16;
	_ =	sdelay $0x3  }
0xc6: {  	[tilespmem:v63+s19+$0x0] =	vst.idx.msk $0xffff, v23  }
0xc7: {  	v29 =	vor.u32 $0x19, v13;
	v23 =	vld.idx.msk [tilespmem:v28+s18+$0x0], $0xffff  }
0xc8: {  	v30 =	vor.u32 v61, v17;
	_ =	sdelay $0x3  }
0xc9: {  	[tilespmem:v29+s19+$0x0] =	vst.idx.msk $0xffff, v23  }
0xca: {  	v31 =	vor.u32 $0x1A, v13;
	v23 =	vld.idx.msk [tilespmem:v30+s18+$0x0], $0xffff  }
0xcb: {  	v32 =	vor.u32 v61, v18;
	_ =	sdelay $0x3  }
0xcc: {  	[tilespmem:v31+s19+$0x0] =	vst.idx.msk $0xffff, v23  }
0xcd: {  	v33 =	vor.u32 $0x1B, v13;
	v23 =	vld.idx.msk [tilespmem:v32+s18+$0x0], $0xffff  }
0xce: {  	v34 =	vor.u32 v61, v19;
	_ =	sdelay $0x3  }
0xcf: {  	[tilespmem:v33+s19+$0x0] =	vst.idx.msk $0xffff, v23  }
0xd0: {  	v35 =	vor.u32 $0x1C, v13;
	v23 =	vld.idx.msk [tilespmem:v34+s18+$0x0], $0xffff  }
0xd1: {  	v36 =	vor.u32 v61, v20;
	_ =	sdelay $0x3  }
0xd2: {  	[tilespmem:v35+s19+$0x0] =	vst.idx.msk $0xffff, v23  }
0xd3: {  	v37 =	vor.u32 $0x1D, v13;
	v23 =	vld.idx.msk [tilespmem:v36+s18+$0x0], $0xffff  }
0xd4: {  	v38 =	vor.u32 v61, v21;
	_ =	sdelay $0x3  }
0xd5: {  	[tilespmem:v37+s19+$0x0] =	vst.idx.msk $0xffff, v23  }
0xd6: {  	v39 =	vor.u32 $0x1E, v13;
	v23 =	vld.idx.msk [tilespmem:v38+s18+$0x0], $0xffff  }
0xd7: {  	v25 =	vor.u32 v61, v22;
	_ =	sdelay $0x3  }
0xd8: {  	[tilespmem:v39+s19+$0x0] =	vst.idx.msk $0xffff, v23  }
0xd9: {  	v40 =	vor.u32 $0x1F, v13;
	v41 =	vor.u32 v9, v15;
	v23 =	vld.idx.msk [tilespmem:v25+s18+$0x0], $0xffff  }
0xda: {  	v42 =	vor.u32 v41, v14;
	_ =	sdelay $0x3  }
0xdb: {  	[tilespmem:v40+s19+$0x0] =	vst.idx.msk $0xffff, v23  }
0xdc: {  	v43 =	vor.u32 $0x20, v13;
	v23 =	vld.idx.msk [tilespmem:v42+s18+$0x0], $0xffff  }
0xdd: {  	v44 =	vor.u32 v41, v16;
	_ =	sdelay $0x3  }
0xde: {  	[tilespmem:v43+s19+$0x0] =	vst.idx.msk $0xffff, v23  }
0xdf: {  	v45 =	vor.u32 $0x21, v13;
	v23 =	vld.idx.msk [tilespmem:v44+s18+$0x0], $0xffff  }
0xe0: {  	v46 =	vor.u32 v41, v17;
	_ =	sdelay $0x3  }
0xe1: {  	[tilespmem:v45+s19+$0x0] =	vst.idx.msk $0xffff, v23  }
0xe2: {  	v47 =	vor.u32 $0x22, v13;
	v23 =	vld.idx.msk [tilespmem:v46+s18+$0x0], $0xffff  }
0xe3: {  	v48 =	vor.u32 v41, v18;
	_ =	sdelay $0x3  }
0xe4: {  	[tilespmem:v47+s19+$0x0] =	vst.idx.msk $0xffff, v23  }
0xe5: {  	v49 =	vor.u32 $0x23, v13;
	v23 =	vld.idx.msk [tilespmem:v48+s18+$0x0], $0xffff  }
0xe6: {  	v50 =	vor.u32 v41, v19;
	_ =	sdelay $0x3  }
0xe7: {  	[tilespmem:v49+s19+$0x0] =	vst.idx.msk $0xffff, v23  }
0xe8: {  	v51 =	vor.u32 $0x24, v13;
	v23 =	vld.idx.msk [tilespmem:v50+s18+$0x0], $0xffff  }
0xe9: {  	v52 =	vor.u32 v41, v20;
	_ =	sdelay $0x3  }
0xea: {  	[tilespmem:v51+s19+$0x0] =	vst.idx.msk $0xffff, v23  }
0xeb: {  	v53 =	vor.u32 $0x25, v13;
	v23 =	vld.idx.msk [tilespmem:v52+s18+$0x0], $0xffff  }
0xec: {  	v54 =	vor.u32 v41, v21;
	_ =	sdelay $0x3  }
0xed: {  	[tilespmem:v53+s19+$0x0] =	vst.idx.msk $0xffff, v23  }
0xee: {  	v55 =	vor.u32 $0x26, v13;
	v23 =	vld.idx.msk [tilespmem:v54+s18+$0x0], $0xffff  }
0xef: {  	v25 =	vor.u32 v41, v22;
	_ =	sdelay $0x3  }
0xf0: {  	[tilespmem:v55+s19+$0x0] =	vst.idx.msk $0xffff, v23  }
0xf1: {  	v56 =	vor.u32 $0x27, v13;
	v57 =	vor.u32 v10, v15;
	v23 =	vld.idx.msk [tilespmem:v25+s18+$0x0], $0xffff  }
0xf2: {  	v58 =	vor.u32 v57, v14;
	_ =	sdelay $0x3  }
0xf3: {  	[tilespmem:v56+s19+$0x0] =	vst.idx.msk $0xffff, v23  }
0xf4: {  	v59 =	vor.u32 $0x28, v13;
	v23 =	vld.idx.msk [tilespmem:v58+s18+$0x0], $0xffff  }
0xf5: {  	v60 =	vor.u32 v57, v16;
	_ =	sdelay $0x3  }
0xf6: {  	[tilespmem:v59+s19+$0x0] =	vst.idx.msk $0xffff, v23  }
0xf7: {  	v61 =	vor.u32 $0x29, v13;
	v23 =	vld.idx.msk [tilespmem:v60+s18+$0x0], $0xffff  }
0xf8: {  	v62 =	vor.u32 v57, v17;
	_ =	sdelay $0x3  }
0xf9: {  	[tilespmem:v61+s19+$0x0] =	vst.idx.msk $0xffff, v23  }
0xfa: {  	v63 =	vor.u32 $0x2A, v13;
	v23 =	vld.idx.msk [tilespmem:v62+s18+$0x0], $0xffff  }
0xfb: {  	v28 =	vor.u32 v57, v18;
	_ =	sdelay $0x3  }
0xfc: {  	[tilespmem:v63+s19+$0x0] =	vst.idx.msk $0xffff, v23  }
0xfd: {  	v29 =	vor.u32 $0x2B, v13;
	v23 =	vld.idx.msk [tilespmem:v28+s18+$0x0], $0xffff  }
0xfe: {  	v30 =	vor.u32 v57, v19;
	_ =	sdelay $0x3  }
0xff: {  	[tilespmem:v29+s19+$0x0] =	vst.idx.msk $0xffff, v23  }
0x100: {  	v31 =	vor.u32 $0x2C, v13;
	v23 =	vld.idx.msk [tilespmem:v30+s18+$0x0], $0xffff  }
0x101: {  	v32 =	vor.u32 v57, v20;
	_ =	sdelay $0x3  }
0x102: {  	[tilespmem:v31+s19+$0x0] =	vst.idx.msk $0xffff, v23  }
0x103: {  	v33 =	vor.u32 $0x2D, v13;
	v23 =	vld.idx.msk [tilespmem:v32+s18+$0x0], $0xffff  }
0x104: {  	v34 =	vor.u32 v57, v21;
	_ =	sdelay $0x3  }
0x105: {  	[tilespmem:v33+s19+$0x0] =	vst.idx.msk $0xffff, v23  }
0x106: {  	v35 =	vor.u32 $0x2E, v13;
	v23 =	vld.idx.msk [tilespmem:v34+s18+$0x0], $0xffff  }
0x107: {  	v25 =	vor.u32 v57, v22;
	_ =	sdelay $0x3  }
0x108: {  	[tilespmem:v35+s19+$0x0] =	vst.idx.msk $0xffff, v23  }
0x109: {  	v36 =	vor.u32 $0x2F, v13;
	v37 =	vor.u32 v11, v15;
	v23 =	vld.idx.msk [tilespmem:v25+s18+$0x0], $0xffff  }
0x10a: {  	v38 =	vor.u32 v37, v14;
	_ =	sdelay $0x3  }
0x10b: {  	[tilespmem:v36+s19+$0x0] =	vst.idx.msk $0xffff, v23  }
0x10c: {  	v39 =	vor.u32 $0x30, v13;
	v23 =	vld.idx.msk [tilespmem:v38+s18+$0x0], $0xffff  }
0x10d: {  	v40 =	vor.u32 v37, v16;
	_ =	sdelay $0x3  }
0x10e: {  	[tilespmem:v39+s19+$0x0] =	vst.idx.msk $0xffff, v23  }
0x10f: {  	v41 =	vor.u32 $0x31, v13;
	v23 =	vld.idx.msk [tilespmem:v40+s18+$0x0], $0xffff  }
0x110: {  	v42 =	vor.u32 v37, v17;
	_ =	sdelay $0x3  }
0x111: {  	[tilespmem:v41+s19+$0x0] =	vst.idx.msk $0xffff, v23  }
0x112: {  	v43 =	vor.u32 $0x32, v13;
	v23 =	vld.idx.msk [tilespmem:v42+s18+$0x0], $0xffff  }
0x113: {  	v44 =	vor.u32 v37, v18;
	_ =	sdelay $0x3  }
0x114: {  	[tilespmem:v43+s19+$0x0] =	vst.idx.msk $0xffff, v23  }
0x115: {  	v45 =	vor.u32 $0x33, v13;
	v23 =	vld.idx.msk [tilespmem:v44+s18+$0x0], $0xffff  }
0x116: {  	v46 =	vor.u32 v37, v19;
	_ =	sdelay $0x3  }
0x117: {  	[tilespmem:v45+s19+$0x0] =	vst.idx.msk $0xffff, v23  }
0x118: {  	v47 =	vor.u32 $0x34, v13;
	v23 =	vld.idx.msk [tilespmem:v46+s18+$0x0], $0xffff  }
0x119: {  	v48 =	vor.u32 v37, v20;
	_ =	sdelay $0x3  }
0x11a: {  	[tilespmem:v47+s19+$0x0] =	vst.idx.msk $0xffff, v23  }
0x11b: {  	v49 =	vor.u32 $0x35, v13;
	v23 =	vld.idx.msk [tilespmem:v48+s18+$0x0], $0xffff  }
0x11c: {  	v50 =	vor.u32 v37, v21;
	_ =	sdelay $0x3  }
0x11d: {  	[tilespmem:v49+s19+$0x0] =	vst.idx.msk $0xffff, v23  }
0x11e: {  	v51 =	vor.u32 $0x36, v13;
	v23 =	vld.idx.msk [tilespmem:v50+s18+$0x0], $0xffff  }
0x11f: {  	v25 =	vor.u32 v37, v22;
	_ =	sdelay $0x3  }
0x120: {  	[tilespmem:v51+s19+$0x0] =	vst.idx.msk $0xffff, v23  }
0x121: {  	v15 =	vor.u32 v12, v15;
	v52 =	vor.u32 $0x37, v13;
	v23 =	vld.idx.msk [tilespmem:v25+s18+$0x0], $0xffff  }
0x122: {  	v14 =	vor.u32 v15, v14;
	_ =	sdelay $0x3  }
0x123: {  	[tilespmem:v52+s19+$0x0] =	vst.idx.msk $0xffff, v23  }
0x124: {  	v53 =	vor.u32 $0x38, v13;
	v14 =	vld.idx.msk [tilespmem:v14+s18+$0x0], $0xffff  }
0x125: {  	v16 =	vor.u32 v15, v16;
	_ =	sdelay $0x3  }
0x126: {  	[tilespmem:v53+s19+$0x0] =	vst.idx.msk $0xffff, v14  }
0x127: {  	v54 =	vor.u32 $0x39, v13;
	v14 =	vld.idx.msk [tilespmem:v16+s18+$0x0], $0xffff  }
0x128: {  	v17 =	vor.u32 v15, v17;
	_ =	sdelay $0x3  }
0x129: {  	[tilespmem:v54+s19+$0x0] =	vst.idx.msk $0xffff, v14  }
0x12a: {  	v55 =	vor.u32 $0x3A, v13;
	v14 =	vld.idx.msk [tilespmem:v17+s18+$0x0], $0xffff  }
0x12b: {  	v56 =	vor.u32 v15, v18;
	_ =	sdelay $0x3  }
0x12c: {  	[tilespmem:v55+s19+$0x0] =	vst.idx.msk $0xffff, v14  }
0x12d: {  	v57 =	vor.u32 $0x3B, v13;
	v14 =	vld.idx.msk [tilespmem:v56+s18+$0x0], $0xffff  }
0x12e: {  	v58 =	vor.u32 v15, v19;
	_ =	sdelay $0x3  }
0x12f: {  	[tilespmem:v57+s19+$0x0] =	vst.idx.msk $0xffff, v14  }
0x130: {  	v59 =	vor.u32 $0x3C, v13;
	v14 =	vld.idx.msk [tilespmem:v58+s18+$0x0], $0xffff  }
0x131: {  	v60 =	vor.u32 v15, v20;
	_ =	sdelay $0x3  }
0x132: {  	[tilespmem:v59+s19+$0x0] =	vst.idx.msk $0xffff, v14  }
0x133: {  	v61 =	vor.u32 $0x3D, v13;
	v14 =	vld.idx.msk [tilespmem:v60+s18+$0x0], $0xffff  }
0x134: {  	v62 =	vor.u32 v15, v21;
	_ =	sdelay $0x3  }
0x135: {  	[tilespmem:v61+s19+$0x0] =	vst.idx.msk $0xffff, v14  }
0x136: {  	v63 =	vor.u32 $0x3E, v13;
	v14 =	vld.idx.msk [tilespmem:v62+s18+$0x0], $0xffff  }
0x137: {  	v15 =	vor.u32 v15, v22;
	_ =	sdelay $0x2  }
0x138: {  	s28 =	sadd.s32 s30, s29  }
0x139: {  	s0 =	sshra.s32 s30, $0x4;
	s1 =	sshra.s32 s28, $0x4;
	[tilespmem:v63+s19+$0x0] =	vst.idx.msk $0xffff, v14  }
0x13a: {  	p0 =	sle.s32 s1, s0;
	v13 =	vor.u32 $0x3F, v13;
	v14 =	vld.idx.msk [tilespmem:v15+s18+$0x0], $0xffff  }
.Ltmp11:
0x13b: {  	_ = 	snop;
	(pc) =	sbr.rel @p0 .LBB2_36-.Ltmp11, $2  }
0x13c: {  	_ =	sdelay $0x2  }
0x13d: {  	[tilespmem:v13+s19+$0x0] =	vst.idx.msk $0xffff, v14  }
0x13e: {  	s1 =	sshrl.u32 s0, $0x1E  }
0x13f: {  	s1 =	sadd.s32 s1, s0  }
0x140: {  	s1 =	sand.u32 $0xFFFFFFFC, s1  }
0x141: {  	p0 =	slt.s32 s0, $0x3;
	s0 =	ssub.s32 s0, s1  }
0x142: {  	p1 =	sgt.s32 s0, $0x1  }
.Ltmp12:
0x143: {  	_ = 	snop;
	(pc) =	sbr.rel @p1 .LBB2_29-.Ltmp12, $4  }
0x144: {  	s5 =	simm.s32 @!p0 $0x3  }
0x145: {  	_ =	swait.ge @!p0 [sflag:s5], $0x800  }
0x146: {  	[sflag:s5] =	ssyncset.done @!p0 $0x0  }
0x147: {  	[sflag:s5] =	ssyncadd.s32 @!p0 $0xFFFFF800  }
0x148: {  	p0 =	seq.s32 s0, $0x0  }
.Ltmp13:
0x149: {  	_ = 	snop;
	(pc) =	sbr.rel @p0 .LBB2_28-.Ltmp13, $1  }
0x14a: {  	_ =	sdelay $0x3  }
0x14b: {  	p0 =	seq.s32 s0, $0x1  }
.Ltmp14:
0x14c: {  	_ = 	snop;
	(pc) =	sbr.rel @!p0 .LBB2_36-.Ltmp14, $1  }
0x14d: {  	_ =	sdelay $0x3  }
.Ltmp15:
0x14e: {  	(pc) =	sbr.rel .LBB2_35-.Ltmp15, $2  }
0x14f: {  	_ =	sdelay $0x2  }
0x150: {  	s0 =	simm.s32 $0x18900  }
.LBB2_29:
0x151: {  	p0 =	seq.s32 s0, $0x2  }
.Ltmp16:
0x152: {  	_ = 	snop;
	(pc) =	sbr.rel @p0 .LBB2_34-.Ltmp16, $1  }
0x153: {  	_ =	sdelay $0x3  }
0x154: {  	p0 =	seq.s32 s0, $0x3  }
.Ltmp17:
0x155: {  	_ = 	snop;
	(pc) =	sbr.rel @!p0 .LBB2_36-.Ltmp17, $1  }
0x156: {  	_ =	sdelay $0x3  }
.Ltmp18:
0x157: {  	(pc) =	sbr.rel .LBB2_35-.Ltmp18, $2  }
0x158: {  	_ =	sdelay $0x2  }
0x159: {  	s0 =	simm.s32 $0x19900  }
.LBB2_28:
.Ltmp19:
0x15a: {  	(pc) =	sbr.rel .LBB2_35-.Ltmp19, $2  }
0x15b: {  	_ =	sdelay $0x2  }
0x15c: {  	s0 =	simm.s32 $0x18100  }
.LBB2_8:
0x15d: {  	p1 =	seq.s32 s30, $0x1  }
.Ltmp20:
0x15e: {  	_ = 	snop;
	(pc) =	sbr.rel @!p1 .LBB2_9-.Ltmp20, $4  }
0x15f: {  	_ = 	snop  }
0x160: {  	s0 =	sshll.u32 s26, $0x9  }
0x161: {  	s0 =	sadd.s32 s8, s0  }
0x162: {  	p0 =	sgt.u32 s0, $0xF4040  }
.Ltmp21:
0x163: {  	(pc) =	sbr.rel @p0 .LBB2_17-.Ltmp21, $1  }
0x164: {  	_ =	sdelay $0x3  }
.Ltmp22:
0x165: {  	(pc) =	sbr.rel .LBB2_20-.Ltmp22, $3  }
0x166: {  	_ =	sdelay $0x1  }
0x167: {  	s0 =	sadd.s32 s2, s0  }
0x168: {  	[tilespmem:s18], [sflag:$0x1] =	stream.strided.gather [hbm4b:s0+s16], $0x8000, s17, s16, $0x38;
	[tilespmem:$0x1A500] =	vst v63  }
.LBB2_9:
.Ltmp23:
0x169: {  	(pc) =	sbr.rel @p0 .LBB2_12-.Ltmp23, $1  }
0x16a: {  	_ =	sdelay $0x3  }
.Ltmp24:
0x16b: {  	(pc) =	sbr.rel .LBB2_11-.Ltmp24, $3  }
0x16c: {  	_ =	sdelay $0x1  }
0x16d: {  	s0 =	sadd.s32 s2, s0  }
0x16e: {  	[tilespmem:s21], [sflag:$0x2] =	stream.strided.gather [hbm4b:s0+s16], $0x8000, s17, s16, $0x38;
	[tilespmem:$0x1A500] =	vst v63  }
.LBB2_37:
.Ltmp25:
0x16f: {  	(pc) =	sbr.rel .LBB2_6-.Ltmp25, $2  }
0x170: {  	_ =	sdelay $0x2  }
0x171: {  	s23 =	smov.u32 @p0 s23;
	s28 =	smov.u32 @p0 s28  }
.LBB2_17:
0x172: {  	s0 =	simm.s32 $0x8100  }
0x173: {  	[tilespmem:s0], [sflag:$0x1] =	stream.linear.gather [hbm4b:s12+s3], $0x40, $0x38;
	[tilespmem:$0x1A500] =	vst v63  }
0x174: {  	s5 =	sadd.s32 $0x10, s12;
	s1 =	simm.s32 $0x8180  }
0x175: {  	[tilespmem:s1], [sflag:$0x1] =	stream.linear.gather [hbm4b:s5+s3], $0x40, $0x38;
	[tilespmem:$0x1A500] =	vst v63  }
0x176: {  	s6 =	sadd.s32 $0x20, s12;
	s15 =	simm.s32 $0x8200  }
0x177: {  	[tilespmem:s15], [sflag:$0x1] =	stream.linear.gather [hbm4b:s6+s3], $0x40, $0x38;
	[tilespmem:$0x1A500] =	vst v63  }
0x178: {  	s1 =	sadd.s32 $0x30, s12;
	s5 =	simm.s32 $0x8280  }
0x179: {  	[tilespmem:s5], [sflag:$0x1] =	stream.linear.gather [hbm4b:s1+s3], $0x40, $0x38;
	[tilespmem:$0x1A500] =	vst v63  }
0x17a: {  	s6 =	sadd.s32 $0x40, s12;
	s15 =	simm.s32 $0x8300  }
0x17b: {  	[tilespmem:s15], [sflag:$0x1] =	stream.linear.gather [hbm4b:s6+s3], $0x40, $0x38;
	[tilespmem:$0x1A500] =	vst v63  }
0x17c: {  	s31 =	simm.s32 $0x1000;
	s1 =	sadd.s32 $0x50, s12;
	s5 =	simm.s32 $0x8380  }
0x17d: {  	[tilespmem:s5], [sflag:$0x1] =	stream.linear.gather [hbm4b:s1+s3], $0x40, $0x38;
	[tilespmem:$0x1A500] =	vst v63  }
0x17e: {  	s0 =	sadd.s32 $0xF4280, s12;
	s6 =	sadd.s32 $0x60, s12;
	s15 =	simm.s32 $0x8400  }
0x17f: {  	[tilespmem:s15], [sflag:$0x1] =	stream.linear.gather [hbm4b:s6+s3], $0x40, $0x38;
	[tilespmem:$0x1A500] =	vst v63  }
0x180: {  	s1 =	simm.s32 $0x8000;
	s5 =	simm.s32 $0x8480;
	s15 =	sadd.s32 $0x70, s12  }
.LBB2_18:
0x181: {  	[tilespmem:s5], [sflag:$0x1] =	stream.linear.gather [hbm4b:s15+s3], $0x40, $0x38;
	[tilespmem:$0x1A500] =	vst v63  }
0x182: {  	s5 =	smov.u32 s31;
	s6 =	smov.u32 s1  }
0x183: {  	s31 =	sshra.s32 s6, $0x2;
	s6 =	sadd.s32 $0x4000, s1;
	s15 =	sadd.s32 $0x8100, s5  }
0x184: {  	[tilespmem:s15], [sflag:$0x1] =	stream.linear.gather [hbm4b:s0+s3], $0x40, $0x38;
	[tilespmem:$0x1A500] =	vst v63  }
0x185: {  	p0 =	seq.s32 s1, $0x1C000;
	s1 =	sadd.s32 $0x10, s0;
	s15 =	sadd.s32 $0x8180, s5  }
0x186: {  	[tilespmem:s15], [sflag:$0x1] =	stream.linear.gather [hbm4b:s1+s3], $0x40, $0x38;
	[tilespmem:$0x1A500] =	vst v63  }
0x187: {  	s1 =	sadd.s32 $0x20, s0;
	s15 =	sadd.s32 $0x8200, s5  }
0x188: {  	[tilespmem:s15], [sflag:$0x1] =	stream.linear.gather [hbm4b:s1+s3], $0x40, $0x38;
	[tilespmem:$0x1A500] =	vst v63  }
0x189: {  	s1 =	sadd.s32 $0x30, s0;
	s15 =	sadd.s32 $0x8280, s5  }
0x18a: {  	[tilespmem:s15], [sflag:$0x1] =	stream.linear.gather [hbm4b:s1+s3], $0x40, $0x38;
	[tilespmem:$0x1A500] =	vst v63  }
0x18b: {  	s1 =	sadd.s32 $0x40, s0;
	s15 =	sadd.s32 $0x8300, s5  }
0x18c: {  	[tilespmem:s15], [sflag:$0x1] =	stream.linear.gather [hbm4b:s1+s3], $0x40, $0x38;
	[tilespmem:$0x1A500] =	vst v63  }
.Ltmp26:
0x18d: {  	s1 =	sadd.s32 $0x50, s0;
	s15 =	sadd.s32 $0x8380, s5;
	(pc) =	sbr.rel @!p0 .LBB2_18-.Ltmp26, $4  }
0x18e: {  	[tilespmem:s15], [sflag:$0x1] =	stream.linear.gather [hbm4b:s1+s3], $0x40, $0x38;
	[tilespmem:$0x1A500] =	vst v63  }
0x18f: {  	s1 =	sadd.s32 $0x60, s0;
	s15 =	sadd.s32 $0x8400, s5;
	s5 =	sadd.s32 $0x8480, s5  }
0x190: {  	[tilespmem:s15], [sflag:$0x1] =	stream.linear.gather [hbm4b:s1+s3], $0x40, $0x38;
	[tilespmem:$0x1A500] =	vst v63  }
0x191: {  	s15 =	sadd.s32 $0x70, s0;
	s0 =	sadd.s32 $0xF4280, s0;
	s1 =	smov.u32 s6  }
0x192: {  	[tilespmem:s5], [sflag:$0x1] =	stream.linear.gather [hbm4b:s15+s3], $0x40, $0x38;
	[tilespmem:$0x1A500] =	vst v63  }
0x193: {  	s1 =	sadd.s32 $0x8100, s31  }
0x194: {  	[tilespmem:s1], [sflag:$0x1] =	stream.linear.gather [hbm4b:s0+s3], $0x40, $0x38;
	[tilespmem:$0x1A500] =	vst v63  }
0x195: {  	s6 =	sadd.s32 $0x10, s0;
	s15 =	sadd.s32 $0x8180, s31  }
0x196: {  	[tilespmem:s15], [sflag:$0x1] =	stream.linear.gather [hbm4b:s6+s3], $0x40, $0x38;
	[tilespmem:$0x1A500] =	vst v63  }
0x197: {  	s6 =	sadd.s32 $0x20, s0;
	s15 =	sadd.s32 $0x8200, s31  }
0x198: {  	[tilespmem:s15], [sflag:$0x1] =	stream.linear.gather [hbm4b:s6+s3], $0x40, $0x38;
	[tilespmem:$0x1A500] =	vst v63  }
0x199: {  	s6 =	sadd.s32 $0x30, s0;
	s15 =	sadd.s32 $0x8280, s31  }
0x19a: {  	[tilespmem:s15], [sflag:$0x1] =	stream.linear.gather [hbm4b:s6+s3], $0x40, $0x38;
	[tilespmem:$0x1A500] =	vst v63  }
0x19b: {  	s6 =	sadd.s32 $0x40, s0;
	s15 =	sadd.s32 $0x8300, s31  }
0x19c: {  	[tilespmem:s15], [sflag:$0x1] =	stream.linear.gather [hbm4b:s6+s3], $0x40, $0x38;
	[tilespmem:$0x1A500] =	vst v63  }
0x19d: {  	s6 =	sadd.s32 $0x50, s0;
	s15 =	sadd.s32 $0x8380, s31  }
0x19e: {  	[tilespmem:s15], [sflag:$0x1] =	stream.linear.gather [hbm4b:s6+s3], $0x40, $0x38;
	[tilespmem:$0x1A500] =	vst v63  }
.Ltmp27:
0x19f: {  	_ = 	snop;
	(pc) =	sbr.rel .LBB2_20-.Ltmp27, $4  }
0x1a0: {  	s5 =	sadd.s32 $0x60, s0;
	s6 =	sadd.s32 $0x8400, s31  }
0x1a1: {  	[tilespmem:s6], [sflag:$0x1] =	stream.linear.gather [hbm4b:s5+s3], $0x40, $0x38;
	[tilespmem:$0x1A500] =	vst v63  }
0x1a2: {  	s15 =	sadd.s32 $0x70, s0;
	s31 =	sadd.s32 $0x8480, s31  }
0x1a3: {  	[tilespmem:s31], [sflag:$0x1] =	stream.linear.gather [hbm4b:s15+s3], $0x40, $0x38;
	[tilespmem:$0x1A500] =	vst v63  }
.LBB2_12:
0x1a4: {  	s0 =	simm.s32 $0x10100  }
0x1a5: {  	[tilespmem:s0], [sflag:$0x2] =	stream.linear.gather [hbm4b:s12+s3], $0x40, $0x38;
	[tilespmem:$0x1A500] =	vst v63  }
0x1a6: {  	s5 =	sadd.s32 $0x10, s12;
	s1 =	simm.s32 $0x10180  }
0x1a7: {  	[tilespmem:s1], [sflag:$0x2] =	stream.linear.gather [hbm4b:s5+s3], $0x40, $0x38;
	[tilespmem:$0x1A500] =	vst v63  }
0x1a8: {  	s6 =	sadd.s32 $0x20, s12;
	s15 =	simm.s32 $0x10200  }
0x1a9: {  	[tilespmem:s15], [sflag:$0x2] =	stream.linear.gather [hbm4b:s6+s3], $0x40, $0x38;
	[tilespmem:$0x1A500] =	vst v63  }
0x1aa: {  	s1 =	sadd.s32 $0x30, s12;
	s5 =	simm.s32 $0x10280  }
0x1ab: {  	[tilespmem:s5], [sflag:$0x2] =	stream.linear.gather [hbm4b:s1+s3], $0x40, $0x38;
	[tilespmem:$0x1A500] =	vst v63  }
0x1ac: {  	s6 =	sadd.s32 $0x40, s12;
	s15 =	simm.s32 $0x10300  }
0x1ad: {  	[tilespmem:s15], [sflag:$0x2] =	stream.linear.gather [hbm4b:s6+s3], $0x40, $0x38;
	[tilespmem:$0x1A500] =	vst v63  }
0x1ae: {  	s31 =	simm.s32 $0x1000;
	s1 =	sadd.s32 $0x50, s12;
	s5 =	simm.s32 $0x10380  }
0x1af: {  	[tilespmem:s5], [sflag:$0x2] =	stream.linear.gather [hbm4b:s1+s3], $0x40, $0x38;
	[tilespmem:$0x1A500] =	vst v63  }
0x1b0: {  	s0 =	sadd.s32 $0xF4280, s12;
	s6 =	sadd.s32 $0x60, s12;
	s15 =	simm.s32 $0x10400  }
0x1b1: {  	[tilespmem:s15], [sflag:$0x2] =	stream.linear.gather [hbm4b:s6+s3], $0x40, $0x38;
	[tilespmem:$0x1A500] =	vst v63  }
0x1b2: {  	s1 =	simm.s32 $0x8000;
	s5 =	simm.s32 $0x10480;
	s15 =	sadd.s32 $0x70, s12  }
.LBB2_13:
0x1b3: {  	[tilespmem:s5], [sflag:$0x2] =	stream.linear.gather [hbm4b:s15+s3], $0x40, $0x38;
	[tilespmem:$0x1A500] =	vst v63  }
0x1b4: {  	s5 =	smov.u32 s31;
	s15 =	smov.u32 s1  }
0x1b5: {  	s6 =	sadd.s32 $0x4000, s1;
	s31 =	sshra.s32 s15, $0x2;
	s15 =	sadd.s32 $0x10100, s5  }
0x1b6: {  	[tilespmem:s15], [sflag:$0x2] =	stream.linear.gather [hbm4b:s0+s3], $0x40, $0x38;
	[tilespmem:$0x1A500] =	vst v63  }
0x1b7: {  	p0 =	seq.s32 s1, $0x1C000;
	s1 =	sadd.s32 $0x10, s0;
	s15 =	sadd.s32 $0x10180, s5  }
0x1b8: {  	[tilespmem:s15], [sflag:$0x2] =	stream.linear.gather [hbm4b:s1+s3], $0x40, $0x38;
	[tilespmem:$0x1A500] =	vst v63  }
0x1b9: {  	s1 =	sadd.s32 $0x20, s0;
	s15 =	sadd.s32 $0x10200, s5  }
0x1ba: {  	[tilespmem:s15], [sflag:$0x2] =	stream.linear.gather [hbm4b:s1+s3], $0x40, $0x38;
	[tilespmem:$0x1A500] =	vst v63  }
0x1bb: {  	s1 =	sadd.s32 $0x30, s0;
	s15 =	sadd.s32 $0x10280, s5  }
0x1bc: {  	[tilespmem:s15], [sflag:$0x2] =	stream.linear.gather [hbm4b:s1+s3], $0x40, $0x38;
	[tilespmem:$0x1A500] =	vst v63  }
0x1bd: {  	s1 =	sadd.s32 $0x40, s0;
	s15 =	sadd.s32 $0x10300, s5  }
0x1be: {  	[tilespmem:s15], [sflag:$0x2] =	stream.linear.gather [hbm4b:s1+s3], $0x40, $0x38;
	[tilespmem:$0x1A500] =	vst v63  }
.Ltmp28:
0x1bf: {  	s1 =	sadd.s32 $0x50, s0;
	s15 =	sadd.s32 $0x10380, s5;
	(pc) =	sbr.rel @!p0 .LBB2_13-.Ltmp28, $4  }
0x1c0: {  	[tilespmem:s15], [sflag:$0x2] =	stream.linear.gather [hbm4b:s1+s3], $0x40, $0x38;
	[tilespmem:$0x1A500] =	vst v63  }
0x1c1: {  	s1 =	sadd.s32 $0x60, s0;
	s15 =	sadd.s32 $0x10400, s5;
	s5 =	sadd.s32 $0x10480, s5  }
0x1c2: {  	[tilespmem:s15], [sflag:$0x2] =	stream.linear.gather [hbm4b:s1+s3], $0x40, $0x38;
	[tilespmem:$0x1A500] =	vst v63  }
0x1c3: {  	s15 =	sadd.s32 $0x70, s0;
	s0 =	sadd.s32 $0xF4280, s0;
	s1 =	smov.u32 s6  }
0x1c4: {  	[tilespmem:s5], [sflag:$0x2] =	stream.linear.gather [hbm4b:s15+s3], $0x40, $0x38;
	[tilespmem:$0x1A500] =	vst v63  }
0x1c5: {  	s1 =	sadd.s32 $0x10100, s31  }
0x1c6: {  	[tilespmem:s1], [sflag:$0x2] =	stream.linear.gather [hbm4b:s0+s3], $0x40, $0x38;
	[tilespmem:$0x1A500] =	vst v63  }
0x1c7: {  	s6 =	sadd.s32 $0x10, s0;
	s15 =	sadd.s32 $0x10180, s31  }
0x1c8: {  	[tilespmem:s15], [sflag:$0x2] =	stream.linear.gather [hbm4b:s6+s3], $0x40, $0x38;
	[tilespmem:$0x1A500] =	vst v63  }
0x1c9: {  	s6 =	sadd.s32 $0x20, s0;
	s15 =	sadd.s32 $0x10200, s31  }
0x1ca: {  	[tilespmem:s15], [sflag:$0x2] =	stream.linear.gather [hbm4b:s6+s3], $0x40, $0x38;
	[tilespmem:$0x1A500] =	vst v63  }
0x1cb: {  	s6 =	sadd.s32 $0x30, s0;
	s15 =	sadd.s32 $0x10280, s31  }
0x1cc: {  	[tilespmem:s15], [sflag:$0x2] =	stream.linear.gather [hbm4b:s6+s3], $0x40, $0x38;
	[tilespmem:$0x1A500] =	vst v63  }
0x1cd: {  	s6 =	sadd.s32 $0x40, s0;
	s15 =	sadd.s32 $0x10300, s31  }
0x1ce: {  	[tilespmem:s15], [sflag:$0x2] =	stream.linear.gather [hbm4b:s6+s3], $0x40, $0x38;
	[tilespmem:$0x1A500] =	vst v63  }
0x1cf: {  	s6 =	sadd.s32 $0x50, s0;
	s15 =	sadd.s32 $0x10380, s31  }
0x1d0: {  	[tilespmem:s15], [sflag:$0x2] =	stream.linear.gather [hbm4b:s6+s3], $0x40, $0x38;
	[tilespmem:$0x1A500] =	vst v63  }
0x1d1: {  	s5 =	sadd.s32 $0x60, s0;
	s6 =	sadd.s32 $0x10400, s31  }
0x1d2: {  	[tilespmem:s6], [sflag:$0x2] =	stream.linear.gather [hbm4b:s5+s3], $0x40, $0x38;
	[tilespmem:$0x1A500] =	vst v63  }
0x1d3: {  	s15 =	sadd.s32 $0x70, s0;
	s31 =	sadd.s32 $0x10480, s31  }
0x1d4: {  	[tilespmem:s31], [sflag:$0x2] =	stream.linear.gather [hbm4b:s15+s3], $0x40, $0x38;
	[tilespmem:$0x1A500] =	vst v63  }
.LBB2_11:
0x1d5: {  	s0 =	sshll.u32 s29, $0x9  }
0x1d6: {  	s0 =	sadd.s32 s8, s0  }
0x1d7: {  	p0 =	sgt.u32 s0, $0xF4040  }
0x1d8: {  	s0 =	simm.s32 @p0 $0x1  }
0x1d9: {  	p1 =	seq.s32 s30, $0x0;
	_ =	swait.ge @p0 [sflag:s0], $0x1000  }
.Ltmp29:
0x1da: {  	[sflag:s0] =	ssyncset.done @p0 $0x0;
	(pc) =	sbr.rel @p1 .LBB2_21-.Ltmp29, $4  }
.Ltmp30:
0x1db: {  	[sflag:s0] =	ssyncadd.s32 @p0 $0xFFFFF000;
	s0 =	simm.s32 @!p0 $0x1;
	(pc) =	sbr.rel @!p1 .LBB2_20-.Ltmp30, $4  }
0x1dc: {  	_ =	swait.ge @!p0 [sflag:s0], $0x8000  }
0x1dd: {  	[sflag:s0] =	ssyncset.done @!p0 $0x0  }
0x1de: {  	[sflag:s0] =	ssyncadd.s32 @!p0 $0xFFFF8000  }
0x1df: {  	_ = 	snop  }
.LBB2_38:
0x1e0: {  	s0 =	sand.u32 $0xF, s28  }
0x1e1: {  	p0 =	seq.s32 s0, $0x0  }
.Ltmp31:
0x1e2: {  	_ = 	snop;
	(pc) =	sbr.rel @p0 .LBB2_49-.Ltmp31, $1  }
0x1e3: {  	_ =	sdelay $0x3  }
0x1e4: {  	s0 =	sshra.s32 s28, $0x4  }
0x1e5: {  	s1 =	sshrl.u32 s0, $0x1E  }
0x1e6: {  	s1 =	sadd.s32 s1, s0  }
0x1e7: {  	s1 =	sand.u32 $0xFFFFFFFC, s1  }
0x1e8: {  	p0 =	slt.s32 s0, $0x3;
	s0 =	ssub.s32 s0, s1  }
0x1e9: {  	p1 =	sgt.s32 s0, $0x1  }
.Ltmp32:
0x1ea: {  	_ = 	snop;
	(pc) =	sbr.rel @p1 .LBB2_42-.Ltmp32, $4  }
0x1eb: {  	s5 =	simm.s32 @!p0 $0x3  }
0x1ec: {  	_ =	swait.ge @!p0 [sflag:s5], $0x800  }
0x1ed: {  	[sflag:s5] =	ssyncset.done @!p0 $0x0  }
0x1ee: {  	[sflag:s5] =	ssyncadd.s32 @!p0 $0xFFFFF800  }
0x1ef: {  	p0 =	seq.s32 s0, $0x0  }
.Ltmp33:
0x1f0: {  	_ = 	snop;
	(pc) =	sbr.rel @p0 .LBB2_41-.Ltmp33, $1  }
0x1f1: {  	_ =	sdelay $0x3  }
0x1f2: {  	p0 =	seq.s32 s0, $0x1  }
.Ltmp34:
0x1f3: {  	_ = 	snop;
	(pc) =	sbr.rel @!p0 .LBB2_49-.Ltmp34, $1  }
0x1f4: {  	_ =	sdelay $0x3  }
.Ltmp35:
0x1f5: {  	(pc) =	sbr.rel .LBB2_48-.Ltmp35, $2  }
0x1f6: {  	_ =	sdelay $0x2  }
0x1f7: {  	s0 =	simm.s32 $0x18900  }
.LBB2_42:
0x1f8: {  	p0 =	seq.s32 s0, $0x2  }
.Ltmp36:
0x1f9: {  	_ = 	snop;
	(pc) =	sbr.rel @p0 .LBB2_47-.Ltmp36, $1  }
0x1fa: {  	_ =	sdelay $0x3  }
0x1fb: {  	p0 =	seq.s32 s0, $0x3  }
.Ltmp37:
0x1fc: {  	_ = 	snop;
	(pc) =	sbr.rel @!p0 .LBB2_49-.Ltmp37, $1  }
0x1fd: {  	_ =	sdelay $0x3  }
.Ltmp38:
0x1fe: {  	(pc) =	sbr.rel .LBB2_48-.Ltmp38, $2  }
0x1ff: {  	_ =	sdelay $0x2  }
0x200: {  	s0 =	simm.s32 $0x19900  }
.LBB2_41:
.Ltmp39:
0x201: {  	(pc) =	sbr.rel .LBB2_48-.Ltmp39, $2  }
0x202: {  	_ =	sdelay $0x2  }
0x203: {  	s0 =	simm.s32 $0x18100  }
.LBB2_47:
0x204: {  	s0 =	simm.s32 $0x19100  }
.LBB2_48:
0x205: {  	s1 =	sand.u32 $0xFFFFFF0, s28  }
0x206: {  	s1 =	sadd.s32 s25, s1  }
0x207: {  	s1 =	sshll.u32 s1, $0x4  }
0x208: {  	s1 =	sadd.s32 s7, s1  }
0x209: {  	[hbm4b:s1+s3] =	stream.linear.scatter [tilespmem:s0], [sflag:$0x3], $0x800, $0x38;
	[tilespmem:$0x1A500] =	vst v63  }
.LBB2_49:
0x20a: {  	s0 =	sadd.s32 $0xF, s28  }
0x20b: {  	s0 =	sshra.s32 s0, $0x4  }
0x20c: {  	p0 =	slt.s32 s0, $0x1  }
.Ltmp40:
0x20d: {  	_ = 	snop;
	(pc) =	sbr.rel @p0 .LBB2_53-.Ltmp40, $1  }
0x20e: {  	_ =	sdelay $0x3  }
0x20f: {  	p0 =	slt.s32 s0, $0x3  }
0x210: {  	s0 =	simm.s32 @!p0 $0x3  }
0x211: {  	p0 =	sne.s32 s0, $0x1  }
.Ltmp41:
0x212: {  	_ = 	snop;
	(pc) =	sbr.rel @!p0 .LBB2_52-.Ltmp41, $3  }
0x213: {  	_ =	sdelay $0x1  }
0x214: {  	_ =	swait.ge [sflag:s20], $0x800  }
0x215: {  	[sflag:s20] =	ssyncset.done $0x0;
	s0 =	sadd.s32 $0xFFFFFFFF, s0  }
.LBB2_51:
0x216: {  	p0 =	sne.s32 s0, $0x1;
	s0 =	sadd.s32 $0xFFFFFFFF, s0;
	[sflag:s20] =	ssyncadd.s32 $0xFFFFF800  }
.Ltmp42:
0x217: {  	(pc) =	sbr.rel @p0 .LBB2_51-.Ltmp42, $3  }
0x218: {  	_ =	sdelay $0x1  }
0x219: {  	_ =	swait.ge [sflag:s20], $0x800  }
0x21a: {  	[sflag:s20] =	ssyncset.done $0x0  }
.Ltmp43:
0x21b: {  	_ = 	snop;
	(pc) =	sbr.rel .LBB2_52-.Ltmp43, $1  }
0x21c: {  	_ =	sdelay $0x3  }
.LBB2_54:
0x21d: {  	_ =	sfence.sel $0x180000  }
0x21e: {  	[bflag:$0x0] =	sbarrier.arrive $0xFFFF  }
0x21f: {  	_ =	strace $0x90000047  }
0x220: {  	s0 =	stileid.u32;
	[bflag:$0x2] =	sbarrier.arrive $0xFFFF  }
0x221: {  	p0 =	sne.s32 s0, $0x0;
	s0 =	rddreg [dreg:$0x2]  }
0x222: {  	s0 =	sadd.s32 @!p0 $0x100000, s0  }
0x223: {  	[sflag:s0] =	ssyncadd.tile.s32 @!p0 $0x1;
	_ =	shalt  }
.Lfunc_end2:
_tile_overlayer_lowered:
.L_overlay_start_2:
0x224: {  	(tag) =	ssettag $0x2  }
0x225: {  	s0 =	rddreg [dreg:$0x0];
	s2 =	stileid.u32  }
0x226: {  	s1 =	rddreg [dreg:$0x1];
	p0 =	sne.s32 s2, $0x0  }
0x227: {  	s3 =	rddreg [dreg:$0x2];
	[bflag:$0x3] =	sbarrier.arrive $0xFFFF;
	s2 =	simm.s32 @!p0 $0x1C04  }
0x228: {  	[timem:s3], [sflag:s2] =	dma.local @!p0 [hbm:s0], s1  }
0x229: {  	s0 =	simm.s32 @!p0 $0x4  }
0x22a: {  	_ =	swait.ge @!p0 [sflag:s0], s1  }
0x22b: {  	s1 =	ssub.s32 @!p0 $0x0, s1;
	[sflag:s0] =	ssyncset.done @!p0 $0x0  }
0x22c: {  	[sflag:s0] =	ssyncadd.s32 @!p0 s1  }
0x22d: {  	[bflag:$0x3] =	sbarrier.arrive $0xFFFF  }
0x22e: {  	_ =	shalt  }

// kernel: kernel.7.cloned.1.call-start
scs
__scs_entry_jumppad:
0x0: {  	(pc) =	sbr.rel $0x88, $3  }
0x1: {  	(tag) =	ssettag $0x0;
	lr =	simm.s32 $0x1  }
0x2: {  	[smem:$0x3F9F] =	sst lr;
	_ =	strace $0xD0000000  }
0x3: {  	_ = 	snop  }
0x4: {  	_ = 	snop  }
0x5: {  	_ = 	snop  }
0x6: {  	_ = 	snop  }
0x7: {  	_ = 	snop  }
__scs_overlays_trampoline_lowered:
0x8: {  	[smem:$0x3FAE] =	sst s0  }
0x9: {  	[smem:$0x3FAF] =	sst s1  }
0xa: {  	[smem:$0x3FB0] =	sst s2  }
0xb: {  	[smem:$0x3FB1] =	sst s3  }
0xc: {  	[smem:$0x3FB2] =	sst s4  }
0xd: {  	[smem:$0x3FB3] =	sst s5  }
0xe: {  	[smem:$0x3FB4] =	sst s6  }
0xf: {  	[smem:$0x3FB5] =	sst s7  }
0x10: {  	[smem:$0x3FB6] =	sst s8  }
0x11: {  	[smem:$0x3FB7] =	sst s9;
	s0 =	simm.s32 @!p0 $0x0  }
0x12: {  	s1 =	sld [smem:$0x3F9D];
	s0 =	simm.s32 @p0 $0x1  }
0x13: {  	[smem:$0x3FB8] =	sst s0;
	s0 =	simm.s32 @!p1 $0x0  }
0x14: {  	s2 =	sld [smem:$0x3F9C];
	s0 =	simm.s32 @p1 $0x1  }
0x15: {  	[smem:$0x3FB9] =	sst s0;
	s0 =	simm.s32 @!p2 $0x0  }
0x16: {  	s3 =	sld [smem:$0x3FDB];
	s0 =	simm.s32 @p2 $0x1  }
0x17: {  	s4 =	simm.s32 $0x1BF5;
	[smem:$0x3FBB] =	sst s0  }
0x18: {  	s0 =	sld [smem:$0x3F9E];
	_ =	swait.ge [sflag:s4], $0x0  }
0x19: {  	s7 =	sld [smem:$0x3F9F]  }
0x1a: {  	s8 =	sadd.s32 $0xFFFFE003, lr  }
0x1b: {  	s9 =	sadd.s32 $0xFFFFFEF7, lr;
	s5 =	simm.s32 $0xFFFFFFFF;
	p2 =	slt.u32 s8, $0xFFFFF086  }
0x1c: {  	p1 =	slt.u32 s9, $0xF7A;
	s5 =	simm.s32 @!p2 $0x0  }
0x1d: {  	s5 =	simm.s32 @p1 $0x1;
	p0 =	seq.s32 s7, s2  }
0x1e: {  	s7 =	smul.u32 @!p0 $0xF7A, s2;
	p2 =	seq.s32 @!p0 s5, $0x0  }
0x1f: {  	s9 =	smul.u32 $0xF7A, s1;
	s8 =	simm.s32 @!p0 $0x1BF5;
	p2 =	por !p2, p0  }
0x20: {  	[sflag:s8] =	ssyncset.s32 @!p0 $0xFFFFF086;
	s6 =	sadd.s32 @!p0 s3, s7;
	s7 =	simm.s32 @!p0 $0x108  }
0x21: {  	s3 =	sadd.s32 s3, s9;
	s6 =	sadd.s32 @!p0 $0x88, s6;
	s7 =	simm.s32 @p2 $0x1082  }
0x22: {  	[simem:s7], [sflag:s8] =	dma.local @!p0 [hbm:s6], $0xF7A  }
0x23: {  	s9 =	sor.u32 $0xD0000000, s2;
	s6 =	simm.s32 $0x108;
	_ =	swait.ge @!p0 [sflag:s8], $0x0  }
0x24: {  	s3 =	sadd.s32 $0x88, s3;
	s6 =	simm.s32 @!p1 $0x1082;
	[sflag:s4] =	ssyncset.s32 $0xFFFFF086  }
0x25: {  	[simem:s6], [sflag:s4] =	dma.local [hbm:s3], $0xF7A  }
0x26: {  	[smem:$0x3F9F] =	sst s1;
	(tag) =	ssettag s2;
	_ =	strace s9  }
0x27: {  	s1 =	sld [smem:$0x3FAF]  }
0x28: {  	s2 =	sld [smem:$0x3FB0]  }
0x29: {  	s4 =	sld [smem:$0x3FB2]  }
0x2a: {  	p0 =	seq.s32 s5, $0x0;
	s5 =	sld [smem:$0x3FB3]  }
0x2b: {  	s6 =	sld [smem:$0x3FB4]  }
0x2c: {  	s7 =	sld [smem:$0x3FB5]  }
0x2d: {  	s3 =	simm.s32 $0x108;
	s8 =	sld [smem:$0x3FB6]  }
0x2e: {  	s3 =	simm.s32 @!p0 $0x1082;
	s9 =	sld [smem:$0x3FB7]  }
0x2f: {  	lr =	sadd.s32 s0, s3;
	s0 =	sld [smem:$0x3FAE]  }
0x30: {  	s3 =	sld [smem:$0x3FB1]  }
0x31: {  	[smem:$0x3FBA] =	sst s10  }
0x32: {  	s10 =	sld [smem:$0x3FB8];
	_ =	sdelay $0x3  }
0x33: {  	p0 =	seq.s32 s10, $0x1;
	s10 =	sld [smem:$0x3FBA];
	_ =	sdelay $0x3  }
0x34: {  	[smem:$0x3FBA] =	sst s10  }
0x35: {  	s10 =	sld [smem:$0x3FB9];
	_ =	sdelay $0x3  }
0x36: {  	p1 =	seq.s32 s10, $0x1;
	s10 =	sld [smem:$0x3FBA];
	_ =	sdelay $0x3  }
0x37: {  	[smem:$0x3FBA] =	sst s10  }
0x38: {  	s10 =	sld [smem:$0x3FBB]  }
0x39: {  	_ = 	snop;
	(pc) =	sbr.ind lr, $3  }
0x3a: {  	_ = 	snop  }
0x3b: {  	_ = 	snop  }
0x3c: {  	p2 =	seq.s32 s10, $0x1;
	s10 =	sld [smem:$0x3FBA]  }
0x3d: {  	_ =	shalt  }
0x3e: {  	_ =	shalt  }
0x3f: {  	_ =	shalt  }
0x40: {  	_ =	shalt  }
0x41: {  	_ =	shalt  }
0x42: {  	_ =	shalt  }
0x43: {  	_ =	shalt  }
0x44: {  	_ =	shalt  }
0x45: {  	_ =	shalt  }
0x46: {  	_ =	shalt  }
0x47: {  	_ =	shalt  }
0x48: {  	_ =	shalt  }
0x49: {  	_ =	shalt  }
0x4a: {  	_ =	shalt  }
0x4b: {  	_ =	shalt  }
0x4c: {  	_ =	shalt  }
0x4d: {  	_ =	shalt  }
0x4e: {  	_ =	shalt  }
0x4f: {  	_ =	shalt  }
0x50: {  	_ =	shalt  }
0x51: {  	_ =	shalt  }
0x52: {  	_ =	shalt  }
0x53: {  	_ =	shalt  }
0x54: {  	_ =	shalt  }
0x55: {  	_ =	shalt  }
0x56: {  	_ =	shalt  }
0x57: {  	_ =	shalt  }
0x58: {  	_ =	shalt  }
0x59: {  	_ =	shalt  }
0x5a: {  	_ =	shalt  }
0x5b: {  	_ =	shalt  }
0x5c: {  	_ =	shalt  }
0x5d: {  	_ =	shalt  }
0x5e: {  	_ =	shalt  }
0x5f: {  	_ =	shalt  }
0x60: {  	_ =	shalt  }
0x61: {  	_ =	shalt  }
0x62: {  	_ =	shalt  }
0x63: {  	_ =	shalt  }
0x64: {  	_ =	shalt  }
0x65: {  	_ =	shalt  }
0x66: {  	_ =	shalt  }
0x67: {  	_ =	shalt  }
0x68: {  	_ =	shalt  }
0x69: {  	_ =	shalt  }
0x6a: {  	_ =	shalt  }
0x6b: {  	_ =	shalt  }
0x6c: {  	_ =	shalt  }
0x6d: {  	_ =	shalt  }
0x6e: {  	_ =	shalt  }
0x6f: {  	_ =	shalt  }
0x70: {  	_ =	shalt  }
0x71: {  	_ =	shalt  }
0x72: {  	_ =	shalt  }
0x73: {  	_ =	shalt  }
0x74: {  	_ =	shalt  }
0x75: {  	_ =	shalt  }
0x76: {  	_ =	shalt  }
0x77: {  	_ =	shalt  }
0x78: {  	_ =	shalt  }
0x79: {  	_ =	shalt  }
0x7a: {  	_ =	shalt  }
0x7b: {  	_ =	shalt  }
0x7c: {  	_ =	shalt  }
0x7d: {  	_ =	shalt  }
0x7e: {  	_ =	shalt  }
0x7f: {  	_ =	shalt  }
0x80: {  	_ =	shalt  }
0x81: {  	_ =	shalt  }
0x82: {  	_ =	shalt  }
0x83: {  	_ =	shalt  }
0x84: {  	_ =	shalt  }
0x85: {  	_ =	shalt  }
0x86: {  	_ =	shalt  }
0x87: {  	_ =	shalt  }
.Lfunc_end0:
.L_simem_size_0:
called_computation.1_lowered:
.L_overlay_start_0:
0x88: {  	s2 =	sld [smem:$0x3FD9]  }
0x89: {  	s3 =	sld [smem:$0x3FFE];
	_ =	sdelay $0x1  }
0x8a: {  	s1 =	srdreg.scid  }
0x8b: {  	s0 =	sand.u32 $0x1, s1  }
0x8c: {  	s17 =	sshll.u32 s0, $0xA;
	s2 =	sadd.s32 s3, s2  }
0x8d: {  	s2 =	sadd.s32 s2, s17  }
0x8e: {  	[smem:$0x3FC6] =	sst s2  }
0x8f: {  	_ = 	snop  }
0x90: {  	s2 =	sld [smem:$0x3FD0];
	(tm) =	ssettm $0x1  }
0x91: {  	s18 =	sld [smem:$0x3FFB];
	_ =	sdelay $0x3  }
0x92: {  	_ =	strace s18  }
0x93: {  	s3 =	sld [smem:$0x3FFC];
	_ =	sdelay $0x3  }
0x94: {  	_ =	strace s3  }
0x95: {  	s3 =	sld [smem:$0x3FFD];
	_ =	sdelay $0x3  }
0x96: {  	_ =	strace s3  }
0x97: {  	_ =	strace $0x8FFFFFFF  }
0x98: {  	s19 =	sld [smem:$0x3FDB];
	_ =	sdelay $0x1  }
0x99: {  	s4 =	simm.s32 $_scs_section_size  }
0x9a: {  	s5 =	simm.s32 $_size__tile_overlayer_lowered;
	s6 =	simm.s32 $_tile_overlayer_lowered  }
0x9b: {  	s22 =	simm.s32 $0x1BFF;
	s21 =	sshll.u32 s6, $0x1;
	s3 =	sadd.s32 s4, s19  }
0x9c: {  	s7 =	simm.s32 $0x0;
	s20 =	sshll.u32 s5, $0x1;
	s5 =	sadd.s32 s21, s3  }
0x9d: {  	[timem:s7], [sflag:s22] =	dma.local [hbm:s5], s20  }
0x9e: {  	_ =	swait.ge [sflag:s22], s20  }
0x9f: {  	s4 =	ssub.s32 $0x0, s20;
	[sflag:s22] =	ssyncset.done $0x0  }
0xa0: {  	[sflag:s22] =	ssyncadd.s32 s4;
	_ =	sdelay $0x1  }
0xa1: {  	s23 =	simm.s32 $0x1B8B  }
0xa2: {  	_ =	swait.ge [sflag:s23], $0x1  }
0xa3: {  	[sflag:s23] =	ssyncset.done $0x0  }
0xa4: {  	s25 =	simm.s32 $0x1B8E;
	s24 =	sld [smem:$0x3FFE];
	[sflag:s23] =	ssyncadd.s32 $0xFFFFFFFF  }
0xa5: {  	s26 =	simm.s32 $execute0_lowered;
	[smem:$0x3FD2] =	sst s25  }
0xa6: {  	s5 =	sshll.u32 s26, $0x1;
	_ =	strace $0x80000049;
	[dreg:$0x1] =	wrdreg $0xFFFFFFFF  }
0xa7: {  	s28 =	simm.s32 $_size_execute0_lowered;
	s3 =	sadd.s32 s3, s5;
	[dreg:$0x0] =	wrdreg $0x0  }
0xa8: {  	s5 =	sshll.u32 s28, $0x1;
	[dreg:$0x2] =	wrdreg s3  }
0xa9: {  	[dreg:$0x3] =	wrdreg s5  }
0xaa: {  	[dreg:$0x4] =	wrdreg $0xC0  }
0xab: {  	_ =	task [dreg:s7], $0x5FFFF  }
0xac: {  	[dreg:$0x1] =	wrdreg $0xFFFFFFFF  }
0xad: {  	[dreg:$0x0] =	wrdreg $0x60  }
0xae: {  	[dreg:$0x2] =	wrdreg s2  }
0xaf: {  	[dreg:$0x3] =	wrdreg s24  }
0xb0: {  	[dreg:$0x4] =	wrdreg $0x9  }
0xb1: {  	_ =	task.clear_ibuf [dreg:s7], $0x5FFFF;
	_ =	strace $0x90000049  }
0xb2: {  	s29 =	simm.s32 $0x9;
	_ =	strace $0x8000004B  }
0xb3: {  	_ =	swait.ge [sflag:s29], $0x1  }
0xb4: {  	[sflag:s29] =	ssyncadd.s32 $0xFFFFFFFF  }
0xb5: {  	_ =	strace $0x9000004B  }
0xb6: {  	_ =	sfence  }
0xb7: {  	s30 =	sld [smem:$0x0];
	_ =	sdelay $0x2  }
0xb8: {  	s31 =	sshll.u32 s1, $0xD;
	s1 =	sshrl.u32 s1, $0x2  }
0xb9: {  	s3 =	sand.u32 $0x4000, s31;
	s1 =	sadd.s32 s1, s30  }
0xba: {  	s0 =	sor.u32 s3, s0;
	s1 =	sshll.u32 s1, $0x11  }
0xbb: {  	s0 =	sor.u32 s1, s0  }
0xbc: {  	s0 =	sadd.s32 $0x8F2B, s0  }
0xbd: {  	[sflag:s0] =	ssyncadd.remote.s32 $0x1  }
0xbe: {  	_ =	sfence.sel $0xFFFF  }
0xbf: {  	[dreg:$0x0] =	wrdreg $0xFFFFFFFF;
	(pc) =	sbr.abs _section_cstart, $3  }
0xc0: {  	[dreg:$0x1] =	wrdreg $0xFFFFFFFF  }
0xc1: {  	_ =	task.clear_ibuf [dreg:s7], $0x2FFFF;
	_ =	strace $0x9FFFFFFF  }
0xc2: {  	(tm) =	ssettm $0x7FFFFFFF  }
0xc3: {  	_ =	shalt  }
tec
execute0_lowered:
.L_overlay_start_1:
0x0: {  	(tag) =	ssettag $0x1  }
0x1: {  	s1 =	srdreg.scid  }
0x2: {  	s3 =	rddreg [dreg:$0x0];
	s0 =	stileid.u32;
	s14 =	sand.u32 $0x1, s1  }
0x3: {  	s15 =	rddreg [dreg:$0x1];
	s4 =	sshll.u32 s0, $0xA;
	s5 =	sshll.u32 s14, $0x9  }
0x4: {  	s2 =	simm.s32 $0x0;
	s1 =	rddreg [dreg:$0x2];
	s16 =	sor.u32 s5, s4  }
0x5: {  	[smem:$0x7FF] =	sst s2;
	s4 =	sshrl.u32 s16, $0x3  }
0x6: {  	_ =	strace $0x8000004A;
	s4 =	sadd.s32 s3, s4;
	s3 =	simm.s32 $0x2  }
0x7: {  	[tilespmem:s2], [sflag:$0x2] =	stream.linear.gather [hbm4b:s4+s2], $0x200, $0x38;
	[tilespmem:$0x10200] =	vst v63  }
0x8: {  	_ =	swait.ge [sflag:s3], $0x200  }
0x9: {  	s6 =	simm.s32 $0x80;
	[sflag:s3] =	ssyncset.done $0x0  }
0xa: {  	s7 =	simm.s32 $0x200;
	s5 =	sadd.s32 $0x2400, s15;
	[sflag:s3] =	ssyncadd.s32 $0xFFFFFE00  }
0xb: {  	[tilespmem:s7], [sflag:$0x1] =	stream.indirect.gather [hbm4b:s5+s6], $0x80, s2, s6, $0xb8;
	[tilespmem:$0x10200] =	vst v63  }
0xc: {  	s8 =	simm.s32 $0x4200  }
0xd: {  	[tilespmem:s8], [sflag:$0x1] =	stream.indirect.gather [hbm4b:s5+s6], $0x80, s6, s6, $0xb8;
	[tilespmem:$0x10200] =	vst v63  }
0xe: {  	s9 =	simm.s32 $0x100;
	s10 =	simm.s32 $0x8200  }
0xf: {  	[tilespmem:s10], [sflag:$0x1] =	stream.indirect.gather [hbm4b:s5+s6], $0x80, s9, s6, $0xb8;
	[tilespmem:$0x10200] =	vst v63  }
0x10: {  	s11 =	simm.s32 $0x180;
	s12 =	simm.s32 $0xC200;
	s13 =	simm.s32 $0x1  }
0x11: {  	[tilespmem:s12], [sflag:$0x1] =	stream.indirect.gather [hbm4b:s5+s6], $0x80, s11, s6, $0xb8;
	[tilespmem:$0x10200] =	vst v63  }
0x12: {  	_ =	swait.ge [sflag:s13], $0x4000  }
0x13: {  	[sflag:s13] =	ssyncset.done $0x0  }
0x14: {  	[sflag:s13] =	ssyncadd.s32 $0xFFFFC000  }
0x15: {  	_ =	swait.ge [sflag:s13], $0x4000  }
0x16: {  	[sflag:s13] =	ssyncset.done $0x0  }
0x17: {  	s14 =	ssub.s32 $0x2, s14;
	[sflag:s13] =	ssyncadd.s32 $0xFFFFC000  }
0x18: {  	s17 =	sshrl.u32 s14, $0x1;
	_ =	swait.ge [sflag:s13], $0x4000  }
0x19: {  	s30 =	ssub.s32 s14, s17;
	[sflag:s13] =	ssyncset.done $0x0  }
0x1a: {  	s31 =	smax.u32 s30, $0x1;
	[sflag:s13] =	ssyncadd.s32 $0xFFFFC000  }
0x1b: {  	s16 =	sshll.u32 s16, $0x4;
	p0 =	sne.s32 s31, $0x1;
	_ =	swait.ge [sflag:s13], $0x4000  }
.Ltmp0:
0x1c: {  	s15 =	sadd.s32 s16, s15;
	[sflag:s13] =	ssyncset.done $0x0;
	(pc) =	sbr.rel @!p0 .LBB2_2-.Ltmp0, $4  }
0x1d: {  	s14 =	sadd.s32 $0x46600, s15;
	[sflag:s13] =	ssyncadd.s32 $0xFFFFC000  }
0x1e: {  	[hbm4b:s14+s2] =	stream.linear.scatter [tilespmem:s7], [sflag:$0x2], $0x10000, $0x38;
	[tilespmem:$0x10200] =	vst v63  }
0x1f: {  	_ =	swait.ge [sflag:s3], $0x10000  }
0x20: {  	s15 =	sadd.s32 $0xFFFFFFFF, s31;
	[sflag:s3] =	ssyncset.done $0x0  }
.LBB2_1:
0x21: {  	p0 =	sne.s32 s15, $0x1;
	s15 =	sadd.s32 $0xFFFFFFFF, s15;
	[sflag:s3] =	ssyncadd.s32 $0xFFFF0000  }
0x22: {  	[tilespmem:s2], [sflag:$0x2] =	stream.linear.gather [hbm4b:s4+s2], $0x200, $0x38;
	[tilespmem:$0x10200] =	vst v63  }
0x23: {  	_ =	swait.ge [sflag:s3], $0x200  }
0x24: {  	[sflag:s3] =	ssyncset.done $0x0  }
0x25: {  	[sflag:s3] =	ssyncadd.s32 $0xFFFFFE00  }
0x26: {  	[tilespmem:s7], [sflag:$0x1] =	stream.indirect.gather [hbm4b:s5+s6], $0x80, s2, s6, $0xb8;
	[tilespmem:$0x10200] =	vst v63  }
0x27: {  	_ = 	snop  }
0x28: {  	[tilespmem:s8], [sflag:$0x1] =	stream.indirect.gather [hbm4b:s5+s6], $0x80, s6, s6, $0xb8;
	[tilespmem:$0x10200] =	vst v63  }
0x29: {  	_ = 	snop  }
0x2a: {  	[tilespmem:s10], [sflag:$0x1] =	stream.indirect.gather [hbm4b:s5+s6], $0x80, s9, s6, $0xb8;
	[tilespmem:$0x10200] =	vst v63  }
0x2b: {  	_ = 	snop  }
0x2c: {  	[tilespmem:s12], [sflag:$0x1] =	stream.indirect.gather [hbm4b:s5+s6], $0x80, s11, s6, $0xb8;
	[tilespmem:$0x10200] =	vst v63  }
0x2d: {  	_ =	swait.ge [sflag:s13], $0x4000  }
0x2e: {  	[sflag:s13] =	ssyncset.done $0x0  }
0x2f: {  	[sflag:s13] =	ssyncadd.s32 $0xFFFFC000  }
0x30: {  	_ =	swait.ge [sflag:s13], $0x4000  }
0x31: {  	[sflag:s13] =	ssyncset.done $0x0  }
0x32: {  	[sflag:s13] =	ssyncadd.s32 $0xFFFFC000  }
0x33: {  	_ =	swait.ge [sflag:s13], $0x4000  }
0x34: {  	[sflag:s13] =	ssyncset.done $0x0  }
0x35: {  	[sflag:s13] =	ssyncadd.s32 $0xFFFFC000  }
0x36: {  	_ =	swait.ge [sflag:s13], $0x4000  }
.Ltmp1:
0x37: {  	[sflag:s13] =	ssyncset.done $0x0;
	(pc) =	sbr.rel @p0 .LBB2_1-.Ltmp1, $4  }
0x38: {  	[sflag:s13] =	ssyncadd.s32 $0xFFFFC000  }
0x39: {  	[hbm4b:s14+s2] =	stream.linear.scatter [tilespmem:s7], [sflag:$0x2], $0x10000, $0x38;
	[tilespmem:$0x10200] =	vst v63  }
0x3a: {  	_ =	swait.ge [sflag:s3], $0x10000  }
0x3b: {  	[sflag:s3] =	ssyncset.done $0x0  }
.LBB2_2:
0x3c: {  	[sflag:s3] =	ssyncadd.s32 $0xFFFF0000  }
0x3d: {  	_ =	sfence.sel $0x180000  }
0x3e: {  	[bflag:$0x0] =	sbarrier.arrive $0xFFFF  }
0x3f: {  	p0 =	sne.s32 s0, $0x0;
	_ =	strace $0x9000004A  }
0x40: {  	s0 =	sadd.s32 @!p0 $0x100000, s1;
	[bflag:$0x2] =	sbarrier.arrive $0xFFFF  }
0x41: {  	[sflag:s0] =	ssyncadd.tile.s32 @!p0 $0x1;
	_ =	shalt  }
.Lfunc_end2:
_tile_overlayer_lowered:
.L_overlay_start_2:
0x42: {  	(tag) =	ssettag $0x2  }
0x43: {  	s0 =	rddreg [dreg:$0x0];
	s2 =	stileid.u32  }
0x44: {  	s1 =	rddreg [dreg:$0x1];
	p0 =	sne.s32 s2, $0x0  }
0x45: {  	s3 =	rddreg [dreg:$0x2];
	[bflag:$0x3] =	sbarrier.arrive $0xFFFF;
	s2 =	simm.s32 @!p0 $0x1C02  }
0x46: {  	[timem:s3], [sflag:s2] =	dma.local @!p0 [hbm:s0], s1  }
0x47: {  	s0 =	simm.s32 @!p0 $0x2  }
0x48: {  	_ =	swait.ge @!p0 [sflag:s0], s1  }
0x49: {  	s1 =	ssub.s32 @!p0 $0x0, s1;
	[sflag:s0] =	ssyncset.done @!p0 $0x0  }
0x4a: {  	[sflag:s0] =	ssyncadd.s32 @!p0 s1  }
0x4b: {  	[bflag:$0x3] =	sbarrier.arrive $0xFFFF  }
0x4c: {  	_ =	shalt  }

</sc_bundles>
